<compile_context>
chip_gen: v7x
topology: tpu7x:2x2x1
jax: 0.10.2.dev20260603
libtpu: 0.0.44.dev20260713+nightly
codegen_flags: <defaults>
</compile_context>

<pallas_src>
import functools

import jax
import jax.numpy as jnp
from jax import lax
from jax.experimental import pallas as pl
from jax.experimental.pallas import tpu as pltpu
from jax.experimental.pallas import tpu_sc as plsc

N = 10000
E = 320000
D_IN = 128
H = 128
OUT = 64
G = 16
POS = 100
POS_PAD = 104

NB = 10
R = N // NB


def _proj_embed_kernel(x_ref, nl_ref, wlin_ref, blin_ref, pemb_ref, o_ref):
    xb = x_ref[...]
    h = jnp.dot(xb, wlin_ref[...], preferred_element_type=jnp.float32)
    h = h + blin_ref[0, :][None, :]
    nl = nl_ref[0, 0, :]
    iot = lax.broadcasted_iota(jnp.int32, (R, POS_PAD), 1)
    onehot = (nl[:, None] == iot).astype(jnp.float32)
    h = h + jnp.dot(onehot, pemb_ref[...], preferred_element_type=jnp.float32)
    o_ref[...] = h


def _proj_embed(x, node_level, W_lin, b_lin, pos_emb):
    nl3 = node_level.astype(jnp.int32).reshape(NB, 1, R)
    b2 = jnp.broadcast_to(b_lin[None, :], (8, H))
    pemb = jnp.pad(pos_emb, ((0, POS_PAD - POS), (0, 0)))
    return pl.pallas_call(
        _proj_embed_kernel,
        grid=(NB,),
        in_specs=[
            pl.BlockSpec((R, D_IN), lambda i: (i, 0)),
            pl.BlockSpec((1, 1, R), lambda i: (i, 0, 0)),
            pl.BlockSpec((D_IN, H), lambda i: (0, 0)),
            pl.BlockSpec((8, H), lambda i: (0, 0)),
            pl.BlockSpec((POS_PAD, H), lambda i: (0, 0)),
        ],
        out_specs=pl.BlockSpec((R, H), lambda i: (i, 0)),
        out_shape=jax.ShapeDtypeStruct((N, H), jnp.float32),
    )(x, nl3, W_lin, b2, pemb)


def _gin_mlp_kernel(h_ref, agg_ref, w1_ref, b1_ref, w2_ref, b2_ref, o_ref):
    m = h_ref[...] + jnp.sum(agg_ref[...], axis=0)
    t = jnp.dot(m, w1_ref[...], preferred_element_type=jnp.float32)
    t = jnp.maximum(t + b1_ref[0, :][None, :], 0.0)
    t = jnp.dot(t, w2_ref[...], preferred_element_type=jnp.float32)
    o_ref[...] = jnp.maximum(t + b2_ref[0, :][None, :], 0.0)


def _gin_mlp(h, agg, W1, b1, W2, b2):
    P = agg.shape[0]
    b1b = jnp.broadcast_to(b1[None, :], (8, H))
    b2b = jnp.broadcast_to(b2[None, :], (8, H))
    return pl.pallas_call(
        _gin_mlp_kernel,
        grid=(NB,),
        in_specs=[
            pl.BlockSpec((R, H), lambda i: (i, 0)),
            pl.BlockSpec((P, R, H), lambda i: (0, i, 0)),
            pl.BlockSpec((H, H), lambda i: (0, 0)),
            pl.BlockSpec((8, H), lambda i: (0, 0)),
            pl.BlockSpec((H, H), lambda i: (0, 0)),
            pl.BlockSpec((8, H), lambda i: (0, 0)),
        ],
        out_specs=pl.BlockSpec((R, H), lambda i: (i, 0)),
        out_shape=jax.ShapeDtypeStruct((N, H), jnp.float32),
    )(h, agg, W1, b1b, W2, b2b)


def _gin_mlp_pool_kernel(h_ref, agg_ref, w1_ref, b1_ref, w2_ref, b2_ref,
                         batch_ref, wfc_ref, bfc_ref,
                         sums_ref, cnts_ref, o_ref):
    i = pl.program_id(0)
    m = h_ref[...] + jnp.sum(agg_ref[...], axis=0)
    t = jnp.dot(m, w1_ref[...], preferred_element_type=jnp.float32)
    t = jnp.maximum(t + b1_ref[0, :][None, :], 0.0)
    t = jnp.dot(t, w2_ref[...], preferred_element_type=jnp.float32)
    h3 = jnp.maximum(t + b2_ref[0, :][None, :], 0.0)

    bt = batch_ref[0, 0, :]
    iot = lax.broadcasted_iota(jnp.int32, (R, G), 1)
    onehot = (bt[:, None] == iot).astype(jnp.float32)
    psum = jnp.dot(onehot.T, h3, preferred_element_type=jnp.float32)
    pcnt = jnp.broadcast_to(jnp.sum(onehot, axis=0)[:, None], (G, H))

    @pl.when(i == 0)
    def _():
        sums_ref[...] = jnp.zeros_like(sums_ref)
        cnts_ref[...] = jnp.zeros_like(cnts_ref)

    sums_ref[...] += psum
    cnts_ref[...] += pcnt

    @pl.when(i == NB - 1)
    def _():
        pooled = sums_ref[...] / jnp.maximum(cnts_ref[...], 1.0)
        o_ref[...] = jnp.dot(pooled, wfc_ref[...],
                             preferred_element_type=jnp.float32) + bfc_ref[0, :][None, :]


def _gin_mlp_pool(h, agg, W1, b1, W2, b2, batch, W_fc, b_fc):
    P = agg.shape[0]
    b1b = jnp.broadcast_to(b1[None, :], (8, H))
    b2b = jnp.broadcast_to(b2[None, :], (8, H))
    wfc = jnp.pad(W_fc, ((0, 0), (0, H - OUT)))
    bfc = jnp.broadcast_to(jnp.pad(b_fc, (0, H - OUT))[None, :], (8, H))
    bt3 = batch.astype(jnp.int32).reshape(NB, 1, R)
    _, _, out = pl.pallas_call(
        _gin_mlp_pool_kernel,
        grid=(NB,),
        in_specs=[
            pl.BlockSpec((R, H), lambda i: (i, 0)),
            pl.BlockSpec((P, R, H), lambda i: (0, i, 0)),
            pl.BlockSpec((H, H), lambda i: (0, 0)),
            pl.BlockSpec((8, H), lambda i: (0, 0)),
            pl.BlockSpec((H, H), lambda i: (0, 0)),
            pl.BlockSpec((8, H), lambda i: (0, 0)),
            pl.BlockSpec((1, 1, R), lambda i: (i, 0, 0)),
            pl.BlockSpec((H, H), lambda i: (0, 0)),
            pl.BlockSpec((8, H), lambda i: (0, 0)),
        ],
        out_specs=[
            pl.BlockSpec((G, H), lambda i: (0, 0)),
            pl.BlockSpec((G, H), lambda i: (0, 0)),
            pl.BlockSpec((G, H), lambda i: (0, 0)),
        ],
        out_shape=[
            jax.ShapeDtypeStruct((G, H), jnp.float32),
            jax.ShapeDtypeStruct((G, H), jnp.float32),
            jax.ShapeDtypeStruct((G, H), jnp.float32),
        ],
    )(h, agg, W1, b1b, W2, b2b, bt3, wfc, bfc)
    return out[:, :OUT]



NC, NS = 2, 16
NW = NC * NS
CH = 128
NCH_W = 80
EPW = CH * NCH_W
PADE = NW * EPW
NPAD = 10240
ZROWS = NPAD // NS


def _sc_agg_kernel(sd_hbm, h_hbm, out_hbm,
                   ix0, ix1, ix2, ix3,
                   rows0, rows1, agg_sh,
                   si0, si1, si2, si3,
                   srow0, srow1, ssc0, ssc1):
    cid = lax.axis_index("c")
    sid = lax.axis_index("s")
    w = cid * NS + sid

    idx = (ix0, ix1, ix2, ix3)
    rows = (rows0, rows1)
    sem_i = (si0, si1, si2, si3)
    sem_row = (srow0, srow1)
    sem_sc = (ssc0, ssc1)

    def start_idx(j, r):
        pltpu.async_copy(sd_hbm.at[w, pl.ds(j, 1)], idx[r], sem_i[r])

    def wait_idx(j, r):
        pltpu.make_async_copy(sd_hbm.at[w, pl.ds(j, 1)], idx[r],
                              sem_i[r]).wait()

    def start_gather(p, r):
        pltpu.async_copy(h_hbm.at[idx[r].at[0, 0]], rows[p], sem_row[p])

    def wait_gather(p, r):
        pltpu.make_async_copy(h_hbm.at[idx[r].at[0, 0]], rows[p],
                              sem_row[p]).wait()

    def start_scatter(p, r):
        pltpu.async_copy(rows[p], agg_sh.at[idx[r].at[0, 1]], sem_sc[p],
                         add=True)

    def wait_scatter(p, r):
        pltpu.make_async_copy(rows[p], agg_sh.at[idx[r].at[0, 1]],
                              sem_sc[p]).wait()

    start_idx(0, 0)
    wait_idx(0, 0)
    start_gather(0, 0)
    start_idx(1, 1)

    @pl.loop(0, CH)
    def _(r):
        @pl.loop(0, H, step=16)
        def _(c):
            rows1.at[pl.ds(r, 1), pl.ds(c, 16)][...] = jnp.zeros(
                (1, 16), jnp.float32)

    @pl.loop(0, ZROWS // CH)
    def _(k):
        pltpu.sync_copy(rows1, agg_sh.at[pl.ds(sid * ZROWS + k * CH, CH)])

    plsc.subcore_barrier()


    def step(j, p, q, r0):
        r1, r2 = (r0 + 1) % 4, (r0 + 2) % 4

        @pl.when(j >= 1)
        def _():
            wait_scatter(q, (r0 + 3) % 4)

        @pl.when(j + 1 < NCH_W)
        def _():
            wait_idx(j + 1, r1)
        wait_gather(p, r0)

        @pl.when(j + 1 < NCH_W)
        def _():
            start_gather(q, r1)

        start_scatter(p, r0)

        @pl.when(j + 2 < NCH_W)
        def _():
            start_idx(j + 2, r2)

    @pl.loop(0, NCH_W, step=4)
    def _(j):
        step(j, 0, 1, 0)
        step(j + 1, 1, 0, 1)
        step(j + 2, 0, 1, 2)
        step(j + 3, 1, 0, 3)

    wait_scatter(1, (NCH_W - 1) % 4)

    plsc.subcore_barrier()

    pltpu.sync_copy(agg_sh.at[pl.ds(sid * ZROWS, ZROWS)],
                    out_hbm.at[cid].at[pl.ds(sid * ZROWS, ZROWS)])


def _sc_aggregate(h, sd):
    mesh = plsc.VectorSubcoreMesh(core_axis_name="c", subcore_axis_name="s")
    f = pl.kernel(
        _sc_agg_kernel,
        mesh=mesh,
        out_type=jax.ShapeDtypeStruct((NC, NPAD, H), jnp.float32),
        scratch_types=(
            [pltpu.VMEM((1, 2, CH), jnp.int32)] * 4
            + [pltpu.VMEM((CH, H), jnp.float32)] * 2
            + [pltpu.VMEM_SHARED((NPAD, H), jnp.float32)]
            + [pltpu.SemaphoreType.DMA] * 8
        ),
    )
    return f(sd, h)


def _prep_edges(edge_index):
    npad = PADE - E
    pad_src = jnp.arange(npad, dtype=jnp.int32) % N
    pad_dst = N + jnp.arange(npad, dtype=jnp.int32) % (NPAD - N)
    src = jnp.concatenate([edge_index[0].astype(jnp.int32), pad_src])
    dst = jnp.concatenate([edge_index[1].astype(jnp.int32), pad_dst])
    sd = jnp.stack([src.reshape(NW, NCH_W, CH), dst.reshape(NW, NCH_W, CH)],
                   axis=2)
    return sd


def kernel(x, edge_index, batch, node_level, W_lin, b_lin, pos_emb,
           W1_0, b1_0, W2_0, b2_0, W1_1, b1_1, W2_1, b2_1,
           W1_2, b1_2, W2_2, b2_2, W_fc, b_fc):
    sd = _prep_edges(edge_index)
    h = _proj_embed(x, node_level, W_lin, b_lin, pos_emb)
    agg = _sc_aggregate(h, sd)
    h = _gin_mlp(h, agg, W1_0, b1_0, W2_0, b2_0)
    agg = _sc_aggregate(h, sd)
    h = _gin_mlp(h, agg, W1_1, b1_1, W2_1, b2_1)
    agg = _sc_aggregate(h, sd)
    return _gin_mlp_pool(h, agg, W1_2, b1_2, W2_2, b2_2, batch, W_fc, b_fc)

# --- scband reference (transcript-rebuilt; emitter-appended) ---
"""Pipeline reference for scband-graph-ginmodel-52974126629627 (READ-ONLY COPY).

The authoritative reference and input builder live on the scoring server;
editing this copy changes nothing except your own understanding.
"""

import jax, jax.numpy as jnp
import numpy as np

N = 10000
E = 320000
D_IN = 128
H = 128
OUT = 64
G = 16
POS = 100

def setup_inputs(seed: int = 0):
    key = jax.random.key(seed)
    ks = jax.random.split(key, 20)
    x = jax.random.normal(ks[0], (N, D_IN), dtype=jnp.float32)
    edge_index = jax.random.randint(ks[1], (2, E), 0, N)
    batch = jnp.sort(jax.random.randint(ks[2], (N,), 0, G))
    node_level = jax.random.randint(ks[3], (N,), 0, POS)
    s = 0.05
    params = {}
    params["W_lin"] = jax.random.normal(ks[4], (D_IN, H), dtype=jnp.float32) * s
    params["b_lin"] = jnp.zeros((H,), dtype=jnp.float32)
    params["pos_emb"] = jax.random.normal(ks[5], (POS, H), dtype=jnp.float32) * s
    for l in range(3):
        params["W1_%d" % l] = jax.random.normal(ks[6 + 2 * l], (H, H), dtype=jnp.float32) * s
        params["b1_%d" % l] = jnp.zeros((H,), dtype=jnp.float32)
        params["W2_%d" % l] = jax.random.normal(ks[7 + 2 * l], (H, H), dtype=jnp.float32) * s
        params["b2_%d" % l] = jnp.zeros((H,), dtype=jnp.float32)
    params["W_fc"] = jax.random.normal(ks[12], (H, OUT), dtype=jnp.float32) * s
    params["b_fc"] = jnp.zeros((OUT,), dtype=jnp.float32)
    out = {"x": x, "edge_index": edge_index, "batch": batch, "node_level": node_level}
    out.update(params)
    return out

def _gin_layer(h, src, dst, W1, b1, W2, b2):
    # GINConv with eps=0: h' = MLP(h + sum_{j in N(i)} h_j), then outer ReLU (dropout is identity in eval)
    agg = jax.ops.segment_sum(h[src], dst, num_segments=N)
    m = h + agg
    m = jnp.maximum(m @ W1 + b1, 0.0) @ W2 + b2
    return jnp.maximum(m, 0.0)

def reference(x, edge_index, batch, node_level, W_lin, b_lin, pos_emb, W1_0, b1_0, W2_0, b2_0, W1_1, b1_1, W2_1, b2_1, W1_2, b1_2, W2_2, b2_2, W_fc, b_fc):
    h = x @ W_lin + b_lin
    h = h + pos_emb[node_level]
    src = edge_index[0]
    dst = edge_index[1]
    h = _gin_layer(h, src, dst, W1_0, b1_0, W2_0, b2_0)
    h = _gin_layer(h, src, dst, W1_1, b1_1, W2_1, b2_1)
    h = _gin_layer(h, src, dst, W1_2, b1_2, W2_2, b2_2)
    ones = jnp.ones((N,), dtype=h.dtype)
    counts = jax.ops.segment_sum(ones, batch, num_segments=G)
    sums = jax.ops.segment_sum(h, batch, num_segments=G)
    pooled = sums / jnp.maximum(counts, 1.0)[:, None]
    return pooled @ W_fc + b_fc

if __name__ == "__main__":
    import jax
    _d = setup_inputs()
    print(jax.jit(kernel)(*tuple(_d.values())))

</pallas_src>

<mosaic_0001>
#map = affine_map<(d0, d1) -> (0, 0, 0, 0)>
#map1 = affine_map<(d0, d1) -> (0, 0)>
#map2 = affine_map<(d0, d1) -> (0, 0, 0)>
module attributes {stable_mosaic.version = 14 : i64} {
  func.func @_sc_agg_kernel(%arg0: i32, %arg1: i32, %arg2: memref<32x80x2x128xi32, #tpu.memory_space<hbm>>, %arg3: memref<10000x128xf32, #tpu.memory_space<hbm>>, %arg4: memref<2x10240x128xf32, #tpu.memory_space<hbm>>, %arg5: memref<1x2x128xi32, #tpu.memory_space<vmem>>, %arg6: memref<1x2x128xi32, #tpu.memory_space<vmem>>, %arg7: memref<1x2x128xi32, #tpu.memory_space<vmem>>, %arg8: memref<1x2x128xi32, #tpu.memory_space<vmem>>, %arg9: memref<128x128xf32, #tpu.memory_space<vmem>>, %arg10: memref<128x128xf32, #tpu.memory_space<vmem>>, %arg11: memref<10240x128xf32, #tpu.memory_space<vmem_shared>>, %arg12: memref<!tpu.dma_semaphore, #tpu.memory_space<semaphore_mem>>, %arg13: memref<!tpu.dma_semaphore, #tpu.memory_space<semaphore_mem>>, %arg14: memref<!tpu.dma_semaphore, #tpu.memory_space<semaphore_mem>>, %arg15: memref<!tpu.dma_semaphore, #tpu.memory_space<semaphore_mem>>, %arg16: memref<!tpu.dma_semaphore, #tpu.memory_space<semaphore_mem>>, %arg17: memref<!tpu.dma_semaphore, #tpu.memory_space<semaphore_mem>>, %arg18: memref<!tpu.dma_semaphore, #tpu.memory_space<semaphore_mem>>, %arg19: memref<!tpu.dma_semaphore, #tpu.memory_space<semaphore_mem>>) attributes {dimension_semantics = [#tpu.dimension_semantics<core_parallel>, #tpu.dimension_semantics<subcore_parallel>], iteration_bounds = array<i64: 2, 16>, scalar_prefetch = 0 : i64, scratch_operands = 15 : i64, tpu.core_type = #tpu.core_type<sc_vector_subcore>, window_params = [{transform_indices = #map}, {transform_indices = #map1}, {transform_indices = #map2}]} {
    %mul3A = arith.constant 16 : i32
    %mul3A_0 = arith.muli %arg0, %mul3A : i32
    %add3A = arith.addi %mul3A_0, %arg1 : i32
    %dma_start3A = arith.constant 0 : i32
    %dma_start3A_1 = arith.constant 0 : i32
    %dma_start3A_2 = arith.constant 0 : i32
    %dma_start3A_3 = tpu.memref_slice %arg2[%add3A, %dma_start3A, %dma_start3A_1, %dma_start3A_2] : memref<32x80x2x128xi32, #tpu.memory_space<hbm>> -> memref<1x1x2x128xi32, #tpu.memory_space<hbm>>
    %dma_start3A_4 = tpu.memref_squeeze %dma_start3A_3 : memref<1x1x2x128xi32, #tpu.memory_space<hbm>> -> memref<1x2x128xi32, #tpu.memory_space<hbm>>
    %dma_start3A_5 = arith.constant 0 : i32
    %dma_start3A_6 = arith.constant 0 : i32
    %dma_start3A_7 = arith.constant 0 : i32
    %dma_start3A_8 = tpu.memref_slice %arg2[%add3A, %dma_start3A_5, %dma_start3A_6, %dma_start3A_7] : memref<32x80x2x128xi32, #tpu.memory_space<hbm>> -> memref<1x1x2x128xi32, #tpu.memory_space<hbm>>
    %dma_start3A_9 = tpu.memref_squeeze %dma_start3A_8 : memref<1x1x2x128xi32, #tpu.memory_space<hbm>> -> memref<1x2x128xi32, #tpu.memory_space<hbm>>
    tpu.enqueue_dma source(%dma_start3A_9 : memref<1x2x128xi32, #tpu.memory_space<hbm>>) target(%arg5 : memref<1x2x128xi32, #tpu.memory_space<vmem>>) target_semaphore(%arg12 : memref<!tpu.dma_semaphore, #tpu.memory_space<semaphore_mem>>)
    %dma_wait3A = arith.constant 0 : i32
    %dma_wait3A_10 = arith.constant 0 : i32
    %dma_wait3A_11 = arith.constant 0 : i32
    %dma_wait3A_12 = tpu.memref_slice %arg2[%add3A, %dma_wait3A, %dma_wait3A_10, %dma_wait3A_11] : memref<32x80x2x128xi32, #tpu.memory_space<hbm>> -> memref<1x1x2x128xi32, #tpu.memory_space<hbm>>
    %dma_wait3A_13 = tpu.memref_squeeze %dma_wait3A_12 : memref<1x1x2x128xi32, #tpu.memory_space<hbm>> -> memref<1x2x128xi32, #tpu.memory_space<hbm>>
    %dma_wait3A_14 = arith.constant 0 : i32
    %dma_wait3A_15 = arith.constant 0 : i32
    %dma_wait3A_16 = arith.constant 0 : i32
    %dma_wait3A_17 = tpu.memref_slice %arg2[%add3A, %dma_wait3A_14, %dma_wait3A_15, %dma_wait3A_16] : memref<32x80x2x128xi32, #tpu.memory_space<hbm>> -> memref<1x1x2x128xi32, #tpu.memory_space<hbm>>
    %dma_wait3A_18 = tpu.memref_squeeze %dma_wait3A_17 : memref<1x1x2x128xi32, #tpu.memory_space<hbm>> -> memref<1x2x128xi32, #tpu.memory_space<hbm>>
    tpu.wait_dma2 semaphore(%arg12 : memref<!tpu.dma_semaphore, #tpu.memory_space<semaphore_mem>>) src(%dma_wait3A_18 : memref<1x2x128xi32, #tpu.memory_space<hbm>>) dst(%arg5 : memref<1x2x128xi32, #tpu.memory_space<vmem>>)
    %dma_start3A_19 = arith.constant 0 : i32
    %dma_start3A_20 = arith.constant 0 : i32
    %dma_start3A_21 = arith.constant 0 : i32
    %dma_start3A_22 = tpu.memref_slice %arg5[%dma_start3A_19, %dma_start3A_20, %dma_start3A_21] : memref<1x2x128xi32, #tpu.memory_space<vmem>> -> memref<1x1x128xi32, #tpu.memory_space<vmem>>
    %dma_start3A_23 = tpu.memref_squeeze %dma_start3A_22 : memref<1x1x128xi32, #tpu.memory_space<vmem>> -> memref<128xi32, #tpu.memory_space<vmem>>
    %dma_start3A_24 = arith.constant 0 : i32
    %dma_start3A_25 = arith.constant 0 : i32
    %dma_start3A_26 = tpu.memref_slice %arg3[%dma_start3A_24, %dma_start3A_25] : memref<10000x128xf32, #tpu.memory_space<hbm>> -> memref<10000x128xf32, #tpu.memory_space<hbm>>
    tpu.enqueue_indirect_dma source(%dma_start3A_26 : memref<10000x128xf32, #tpu.memory_space<hbm>>) target(%arg9 : memref<128x128xf32, #tpu.memory_space<vmem>>) offsets(%dma_start3A_23 : memref<128xi32, #tpu.memory_space<vmem>>) semaphore(%arg16 : memref<!tpu.dma_semaphore, #tpu.memory_space<semaphore_mem>>)
    %dma_start3A_27 = arith.constant 1 : i32
    %dma_start3A_28 = arith.constant 0 : i32
    %dma_start3A_29 = arith.constant 0 : i32
    %dma_start3A_30 = tpu.memref_slice %arg2[%add3A, %dma_start3A_27, %dma_start3A_28, %dma_start3A_29] : memref<32x80x2x128xi32, #tpu.memory_space<hbm>> -> memref<1x1x2x128xi32, #tpu.memory_space<hbm>>
    %dma_start3A_31 = tpu.memref_squeeze %dma_start3A_30 : memref<1x1x2x128xi32, #tpu.memory_space<hbm>> -> memref<1x2x128xi32, #tpu.memory_space<hbm>>
    %dma_start3A_32 = arith.constant 1 : i32
    %dma_start3A_33 = arith.constant 0 : i32
    %dma_start3A_34 = arith.constant 0 : i32
    %dma_start3A_35 = tpu.memref_slice %arg2[%add3A, %dma_start3A_32, %dma_start3A_33, %dma_start3A_34] : memref<32x80x2x128xi32, #tpu.memory_space<hbm>> -> memref<1x1x2x128xi32, #tpu.memory_space<hbm>>
    %dma_start3A_36 = tpu.memref_squeeze %dma_start3A_35 : memref<1x1x2x128xi32, #tpu.memory_space<hbm>> -> memref<1x2x128xi32, #tpu.memory_space<hbm>>
    tpu.enqueue_dma source(%dma_start3A_36 : memref<1x2x128xi32, #tpu.memory_space<hbm>>) target(%arg6 : memref<1x2x128xi32, #tpu.memory_space<vmem>>) target_semaphore(%arg13 : memref<!tpu.dma_semaphore, #tpu.memory_space<semaphore_mem>>)
    %scan3A = arith.constant 0 : i32
    %scan3A_37 = arith.constant 128 : i32
    %scan3A_38 = arith.addi %scan3A, %scan3A_37 : i32
    %scan3A_39 = arith.constant 1 : i32
    scf.for %scan3A_64 = %scan3A to %scan3A_38 step %scan3A_39  : i32 {
      %mul3A_65 = arith.constant 1 : i32
      %mul3A_66 = arith.muli %scan3A_64, %mul3A_65 : i32
      %add3A_67 = arith.constant 0 : i32
      %add3A_68 = arith.addi %add3A_67, %mul3A_66 : i32
      %scan3A_69 = arith.constant 0 : i32
      %scan3A_70 = arith.constant 8 : i32
      %scan3A_71 = arith.addi %scan3A_69, %scan3A_70 : i32
      %scan3A_72 = arith.constant 1 : i32
      scf.for %scan3A_74 = %scan3A_69 to %scan3A_71 step %scan3A_72  : i32 {
        %mul3A_75 = arith.constant 16 : i32
        %mul3A_76 = arith.muli %scan3A_74, %mul3A_75 : i32
        %add3A_77 = arith.constant 0 : i32
        %add3A_78 = arith.addi %add3A_77, %mul3A_76 : i32
        %broadcast_in_dim3A = arith.constant 0.000000e+00 : f32
        %broadcast_in_dim3A_79 = vector.broadcast %broadcast_in_dim3A : f32 to vector<1x16xf32>
        %swap3A = arith.index_cast %add3A_68 : i32 to index
        %swap3A_80 = arith.index_cast %add3A_78 : i32 to index
        %swap3A_81 = tpu.vector_load %arg10[%swap3A, %swap3A_80] {strides = array<i32>} : memref<128x128xf32, #tpu.memory_space<vmem>>, vector<1x16xf32>,
        %swap3A_82 = vector.shape_cast %swap3A_81 : vector<1x16xf32> to vector<1x16xf32>
        %swap3A_83 = vector.shape_cast %broadcast_in_dim3A_79 : vector<1x16xf32> to vector<1x16xf32>
        tpu.vector_store %arg10[%swap3A, %swap3A_80], %swap3A_83 {strides = array<i32>} : memref<128x128xf32, #tpu.memory_space<vmem>>, vector<1x16xf32>,
      }
      %scan3A_73 = arith.constant 8 : i32
    }
    %scan3A_40 = arith.constant 128 : i32
    %scan3A_41 = arith.constant 0 : i32
    %scan3A_42 = arith.constant 5 : i32
    %scan3A_43 = arith.addi %scan3A_41, %scan3A_42 : i32
    %scan3A_44 = arith.constant 1 : i32
    scf.for %scan3A_64 = %scan3A_41 to %scan3A_43 step %scan3A_44  : i32 {
      %mul3A_65 = arith.constant 1 : i32
      %mul3A_66 = arith.muli %scan3A_64, %mul3A_65 : i32
      %add3A_67 = arith.constant 0 : i32
      %add3A_68 = arith.addi %add3A_67, %mul3A_66 : i32
      %mul3A_69 = arith.constant 640 : i32
      %mul3A_70 = arith.muli %arg1, %mul3A_69 : i32
      %mul3A_71 = arith.constant 128 : i32
      %mul3A_72 = arith.muli %add3A_68, %mul3A_71 : i32
      %add3A_73 = arith.addi %mul3A_70, %mul3A_72 : i32
      "tpu.region"() ({
        %run_scoped3A = tpu.sem_alloc : memref<!tpu.dma_semaphore, #tpu.memory_space<semaphore_mem>>
        %dma_start3A_74 = arith.constant 0 : i32
        %dma_start3A_75 = tpu.memref_slice %arg11[%add3A_73, %dma_start3A_74] : memref<10240x128xf32, #tpu.memory_space<vmem_shared>> -> memref<128x128xf32, #tpu.memory_space<vmem_shared>>
        %dma_start3A_76 = arith.constant 0 : i32
        %dma_start3A_77 = tpu.memref_slice %arg11[%add3A_73, %dma_start3A_76] : memref<10240x128xf32, #tpu.memory_space<vmem_shared>> -> memref<128x128xf32, #tpu.memory_space<vmem_shared>>
        tpu.enqueue_dma source(%arg10 : memref<128x128xf32, #tpu.memory_space<vmem>>) target(%dma_start3A_77 : memref<128x128xf32, #tpu.memory_space<vmem_shared>>) target_semaphore(%run_scoped3A : memref<!tpu.dma_semaphore, #tpu.memory_space<semaphore_mem>>)
        %dma_wait3A_78 = arith.constant 0 : i32
        %dma_wait3A_79 = tpu.memref_slice %arg11[%add3A_73, %dma_wait3A_78] : memref<10240x128xf32, #tpu.memory_space<vmem_shared>> -> memref<128x128xf32, #tpu.memory_space<vmem_shared>>
        %dma_wait3A_80 = arith.constant 0 : i32
        %dma_wait3A_81 = tpu.memref_slice %arg11[%add3A_73, %dma_wait3A_80] : memref<10240x128xf32, #tpu.memory_space<vmem_shared>> -> memref<128x128xf32, #tpu.memory_space<vmem_shared>>
        tpu.wait_dma2 semaphore(%run_scoped3A : memref<!tpu.dma_semaphore, #tpu.memory_space<semaphore_mem>>) src(%arg10 : memref<128x128xf32, #tpu.memory_space<vmem>>) dst(%dma_wait3A_81 : memref<128x128xf32, #tpu.memory_space<vmem_shared>>)
        tpu.yield
      }) : () -> ()
    }
    %scan3A_45 = arith.constant 5 : i32
    %barrier3A = arith.constant 0 : index
    tpu.barrier barrier_id(%barrier3A)
    %scan3A_46 = arith.constant 0 : i32
    %scan3A_47 = arith.constant 20 : i32
    %scan3A_48 = arith.addi %scan3A_46, %scan3A_47 : i32
    %scan3A_49 = arith.constant 1 : i32
    scf.for %scan3A_64 = %scan3A_46 to %scan3A_48 step %scan3A_49  : i32 {
      %mul3A_65 = arith.constant 4 : i32
      %mul3A_66 = arith.muli %scan3A_64, %mul3A_65 : i32
      %add3A_67 = arith.constant 0 : i32
      %add3A_68 = arith.addi %add3A_67, %mul3A_66 : i32
      %ge3A = arith.constant 1 : i32
      %ge3A_69 = arith.cmpi sge, %add3A_68, %ge3A : i32
      %convert_element_type3A = arith.extui %ge3A_69 : i1 to i32
      %cond3A = arith.constant 0 : i32
      %cond3A_70 = arith.cmpi ne, %convert_element_type3A, %cond3A : i32
      scf.if %cond3A_70 {
        %dma_wait3A_239 = arith.constant 0 : i32
        %dma_wait3A_240 = arith.constant 1 : i32
        %dma_wait3A_241 = arith.constant 0 : i32
        %dma_wait3A_242 = tpu.memref_slice %arg8[%dma_wait3A_239, %dma_wait3A_240, %dma_wait3A_241] : memref<1x2x128xi32, #tpu.memory_space<vmem>> -> memref<1x1x128xi32, #tpu.memory_space<vmem>>
        %dma_wait3A_243 = tpu.memref_squeeze %dma_wait3A_242 : memref<1x1x128xi32, #tpu.memory_space<vmem>> -> memref<128xi32, #tpu.memory_space<vmem>>
        %dma_wait3A_244 = arith.constant 0 : i32
        %dma_wait3A_245 = arith.constant 0 : i32
        %dma_wait3A_246 = tpu.memref_slice %arg11[%dma_wait3A_244, %dma_wait3A_245] : memref<10240x128xf32, #tpu.memory_space<vmem_shared>> -> memref<10240x128xf32, #tpu.memory_space<vmem_shared>>
        tpu.wait_indirect_dma semaphore(%arg19 : memref<!tpu.dma_semaphore, #tpu.memory_space<semaphore_mem>>) src(%arg10 : memref<128x128xf32, #tpu.memory_space<vmem>>) dst(%dma_wait3A_246 : memref<10240x128xf32, #tpu.memory_space<vmem_shared>>)
      } else {
      }
      %add3A_71 = arith.constant 1 : i32
      %add3A_72 = arith.addi %add3A_68, %add3A_71 : i32
      %lt3A = arith.constant 80 : i32
      %lt3A_73 = arith.cmpi slt, %add3A_72, %lt3A : i32
      %convert_element_type3A_74 = arith.extui %lt3A_73 : i1 to i32
      %cond3A_75 = arith.constant 0 : i32
      %cond3A_76 = arith.cmpi ne, %convert_element_type3A_74, %cond3A_75 : i32
      scf.if %cond3A_76 {
        %add3A_239 = arith.constant 1 : i32
        %add3A_240 = arith.addi %add3A_68, %add3A_239 : i32
        %dma_wait3A_241 = arith.constant 0 : i32
        %dma_wait3A_242 = arith.constant 0 : i32
        %dma_wait3A_243 = tpu.memref_slice %arg2[%add3A, %add3A_240, %dma_wait3A_241, %dma_wait3A_242] : memref<32x80x2x128xi32, #tpu.memory_space<hbm>> -> memref<1x1x2x128xi32, #tpu.memory_space<hbm>>
        %dma_wait3A_244 = tpu.memref_squeeze %dma_wait3A_243 : memref<1x1x2x128xi32, #tpu.memory_space<hbm>> -> memref<1x2x128xi32, #tpu.memory_space<hbm>>
        %dma_wait3A_245 = arith.constant 0 : i32
        %dma_wait3A_246 = arith.constant 0 : i32
        %dma_wait3A_247 = tpu.memref_slice %arg2[%add3A, %add3A_240, %dma_wait3A_245, %dma_wait3A_246] : memref<32x80x2x128xi32, #tpu.memory_space<hbm>> -> memref<1x1x2x128xi32, #tpu.memory_space<hbm>>
        %dma_wait3A_248 = tpu.memref_squeeze %dma_wait3A_247 : memref<1x1x2x128xi32, #tpu.memory_space<hbm>> -> memref<1x2x128xi32, #tpu.memory_space<hbm>>
        tpu.wait_dma2 semaphore(%arg13 : memref<!tpu.dma_semaphore, #tpu.memory_space<semaphore_mem>>) src(%dma_wait3A_248 : memref<1x2x128xi32, #tpu.memory_space<hbm>>) dst(%arg6 : memref<1x2x128xi32, #tpu.memory_space<vmem>>)
      } else {
      }
      %dma_wait3A_77 = arith.constant 0 : i32
      %dma_wait3A_78 = arith.constant 0 : i32
      %dma_wait3A_79 = arith.constant 0 : i32
      %dma_wait3A_80 = tpu.memref_slice %arg5[%dma_wait3A_77, %dma_wait3A_78, %dma_wait3A_79] : memref<1x2x128xi32, #tpu.memory_space<vmem>> -> memref<1x1x128xi32, #tpu.memory_space<vmem>>
      %dma_wait3A_81 = tpu.memref_squeeze %dma_wait3A_80 : memref<1x1x128xi32, #tpu.memory_space<vmem>> -> memref<128xi32, #tpu.memory_space<vmem>>
      %dma_wait3A_82 = arith.constant 0 : i32
      %dma_wait3A_83 = arith.constant 0 : i32
      %dma_wait3A_84 = tpu.memref_slice %arg3[%dma_wait3A_82, %dma_wait3A_83] : memref<10000x128xf32, #tpu.memory_space<hbm>> -> memref<10000x128xf32, #tpu.memory_space<hbm>>
      tpu.wait_indirect_dma semaphore(%arg16 : memref<!tpu.dma_semaphore, #tpu.memory_space<semaphore_mem>>) src(%dma_wait3A_84 : memref<10000x128xf32, #tpu.memory_space<hbm>>) dst(%arg9 : memref<128x128xf32, #tpu.memory_space<vmem>>)
      %add3A_85 = arith.constant 1 : i32
      %add3A_86 = arith.addi %add3A_68, %add3A_85 : i32
      %lt3A_87 = arith.constant 80 : i32
      %lt3A_88 = arith.cmpi slt, %add3A_86, %lt3A_87 : i32
      %convert_element_type3A_89 = arith.extui %lt3A_88 : i1 to i32
      %cond3A_90 = arith.constant 0 : i32
      %cond3A_91 = arith.cmpi ne, %convert_element_type3A_89, %cond3A_90 : i32
      scf.if %cond3A_91 {
        %dma_start3A_239 = arith.constant 0 : i32
        %dma_start3A_240 = arith.constant 0 : i32
        %dma_start3A_241 = arith.constant 0 : i32
        %dma_start3A_242 = tpu.memref_slice %arg6[%dma_start3A_239, %dma_start3A_240, %dma_start3A_241] : memref<1x2x128xi32, #tpu.memory_space<vmem>> -> memref<1x1x128xi32, #tpu.memory_space<vmem>>
        %dma_start3A_243 = tpu.memref_squeeze %dma_start3A_242 : memref<1x1x128xi32, #tpu.memory_space<vmem>> -> memref<128xi32, #tpu.memory_space<vmem>>
        %dma_start3A_244 = arith.constant 0 : i32
        %dma_start3A_245 = arith.constant 0 : i32
        %dma_start3A_246 = tpu.memref_slice %arg3[%dma_start3A_244, %dma_start3A_245] : memref<10000x128xf32, #tpu.memory_space<hbm>> -> memref<10000x128xf32, #tpu.memory_space<hbm>>
        tpu.enqueue_indirect_dma source(%dma_start3A_246 : memref<10000x128xf32, #tpu.memory_space<hbm>>) target(%arg10 : memref<128x128xf32, #tpu.memory_space<vmem>>) offsets(%dma_start3A_243 : memref<128xi32, #tpu.memory_space<vmem>>) semaphore(%arg17 : memref<!tpu.dma_semaphore, #tpu.memory_space<semaphore_mem>>)
      } else {
      }
      %dma_start3A_92 = arith.constant 0 : i32
      %dma_start3A_93 = arith.constant 1 : i32
      %dma_start3A_94 = arith.constant 0 : i32
      %dma_start3A_95 = tpu.memref_slice %arg5[%dma_start3A_92, %dma_start3A_93, %dma_start3A_94] : memref<1x2x128xi32, #tpu.memory_space<vmem>> -> memref<1x1x128xi32, #tpu.memory_space<vmem>>
      %dma_start3A_96 = tpu.memref_squeeze %dma_start3A_95 : memref<1x1x128xi32, #tpu.memory_space<vmem>> -> memref<128xi32, #tpu.memory_space<vmem>>
      %dma_start3A_97 = arith.constant 0 : i32
      %dma_start3A_98 = arith.constant 0 : i32
      %dma_start3A_99 = tpu.memref_slice %arg11[%dma_start3A_97, %dma_start3A_98] : memref<10240x128xf32, #tpu.memory_space<vmem_shared>> -> memref<10240x128xf32, #tpu.memory_space<vmem_shared>>
      tpu.enqueue_indirect_dma source(%arg9 : memref<128x128xf32, #tpu.memory_space<vmem>>) target(%dma_start3A_99 : memref<10240x128xf32, #tpu.memory_space<vmem_shared>>) offsets(%dma_start3A_96 : memref<128xi32, #tpu.memory_space<vmem>>) semaphore(%arg18 : memref<!tpu.dma_semaphore, #tpu.memory_space<semaphore_mem>>) {add = true}
      %add3A_100 = arith.constant 2 : i32
      %add3A_101 = arith.addi %add3A_68, %add3A_100 : i32
      %lt3A_102 = arith.constant 80 : i32
      %lt3A_103 = arith.cmpi slt, %add3A_101, %lt3A_102 : i32
      %convert_element_type3A_104 = arith.extui %lt3A_103 : i1 to i32
      %cond3A_105 = arith.constant 0 : i32
      %cond3A_106 = arith.cmpi ne, %convert_element_type3A_104, %cond3A_105 : i32
      scf.if %cond3A_106 {
        %add3A_239 = arith.constant 2 : i32
        %add3A_240 = arith.addi %add3A_68, %add3A_239 : i32
        %dma_start3A_241 = arith.constant 0 : i32
        %dma_start3A_242 = arith.constant 0 : i32
        %dma_start3A_243 = tpu.memref_slice %arg2[%add3A, %add3A_240, %dma_start3A_241, %dma_start3A_242] : memref<32x80x2x128xi32, #tpu.memory_space<hbm>> -> memref<1x1x2x128xi32, #tpu.memory_space<hbm>>
        %dma_start3A_244 = tpu.memref_squeeze %dma_start3A_243 : memref<1x1x2x128xi32, #tpu.memory_space<hbm>> -> memref<1x2x128xi32, #tpu.memory_space<hbm>>
        %dma_start3A_245 = arith.constant 0 : i32
        %dma_start3A_246 = arith.constant 0 : i32
        %dma_start3A_247 = tpu.memref_slice %arg2[%add3A, %add3A_240, %dma_start3A_245, %dma_start3A_246] : memref<32x80x2x128xi32, #tpu.memory_space<hbm>> -> memref<1x1x2x128xi32, #tpu.memory_space<hbm>>
        %dma_start3A_248 = tpu.memref_squeeze %dma_start3A_247 : memref<1x1x2x128xi32, #tpu.memory_space<hbm>> -> memref<1x2x128xi32, #tpu.memory_space<hbm>>
        tpu.enqueue_dma source(%dma_start3A_248 : memref<1x2x128xi32, #tpu.memory_space<hbm>>) target(%arg7 : memref<1x2x128xi32, #tpu.memory_space<vmem>>) target_semaphore(%arg14 : memref<!tpu.dma_semaphore, #tpu.memory_space<semaphore_mem>>)
      } else {
      }
      %add3A_107 = arith.constant 1 : i32
      %add3A_108 = arith.addi %add3A_68, %add3A_107 : i32
      %ge3A_109 = arith.constant 1 : i32
      %ge3A_110 = arith.cmpi sge, %add3A_108, %ge3A_109 : i32
      %convert_element_type3A_111 = arith.extui %ge3A_110 : i1 to i32
      %cond3A_112 = arith.constant 0 : i32
      %cond3A_113 = arith.cmpi ne, %convert_element_type3A_111, %cond3A_112 : i32
      scf.if %cond3A_113 {
        %dma_wait3A_239 = arith.constant 0 : i32
        %dma_wait3A_240 = arith.constant 1 : i32
        %dma_wait3A_241 = arith.constant 0 : i32
        %dma_wait3A_242 = tpu.memref_slice %arg5[%dma_wait3A_239, %dma_wait3A_240, %dma_wait3A_241] : memref<1x2x128xi32, #tpu.memory_space<vmem>> -> memref<1x1x128xi32, #tpu.memory_space<vmem>>
        %dma_wait3A_243 = tpu.memref_squeeze %dma_wait3A_242 : memref<1x1x128xi32, #tpu.memory_space<vmem>> -> memref<128xi32, #tpu.memory_space<vmem>>
        %dma_wait3A_244 = arith.constant 0 : i32
        %dma_wait3A_245 = arith.constant 0 : i32
        %dma_wait3A_246 = tpu.memref_slice %arg11[%dma_wait3A_244, %dma_wait3A_245] : memref<10240x128xf32, #tpu.memory_space<vmem_shared>> -> memref<10240x128xf32, #tpu.memory_space<vmem_shared>>
        tpu.wait_indirect_dma semaphore(%arg18 : memref<!tpu.dma_semaphore, #tpu.memory_space<semaphore_mem>>) src(%arg9 : memref<128x128xf32, #tpu.memory_space<vmem>>) dst(%dma_wait3A_246 : memref<10240x128xf32, #tpu.memory_space<vmem_shared>>)
      } else {
      }
      %add3A_114 = arith.constant 1 : i32
      %add3A_115 = arith.addi %add3A_108, %add3A_114 : i32
      %lt3A_116 = arith.constant 80 : i32
      %lt3A_117 = arith.cmpi slt, %add3A_115, %lt3A_116 : i32
      %convert_element_type3A_118 = arith.extui %lt3A_117 : i1 to i32
      %cond3A_119 = arith.constant 0 : i32
      %cond3A_120 = arith.cmpi ne, %convert_element_type3A_118, %cond3A_119 : i32
      scf.if %cond3A_120 {
        %add3A_239 = arith.constant 1 : i32
        %add3A_240 = arith.addi %add3A_108, %add3A_239 : i32
        %dma_wait3A_241 = arith.constant 0 : i32
        %dma_wait3A_242 = arith.constant 0 : i32
        %dma_wait3A_243 = tpu.memref_slice %arg2[%add3A, %add3A_240, %dma_wait3A_241, %dma_wait3A_242] : memref<32x80x2x128xi32, #tpu.memory_space<hbm>> -> memref<1x1x2x128xi32, #tpu.memory_space<hbm>>
        %dma_wait3A_244 = tpu.memref_squeeze %dma_wait3A_243 : memref<1x1x2x128xi32, #tpu.memory_space<hbm>> -> memref<1x2x128xi32, #tpu.memory_space<hbm>>
        %dma_wait3A_245 = arith.constant 0 : i32
        %dma_wait3A_246 = arith.constant 0 : i32
        %dma_wait3A_247 = tpu.memref_slice %arg2[%add3A, %add3A_240, %dma_wait3A_245, %dma_wait3A_246] : memref<32x80x2x128xi32, #tpu.memory_space<hbm>> -> memref<1x1x2x128xi32, #tpu.memory_space<hbm>>
        %dma_wait3A_248 = tpu.memref_squeeze %dma_wait3A_247 : memref<1x1x2x128xi32, #tpu.memory_space<hbm>> -> memref<1x2x128xi32, #tpu.memory_space<hbm>>
        tpu.wait_dma2 semaphore(%arg14 : memref<!tpu.dma_semaphore, #tpu.memory_space<semaphore_mem>>) src(%dma_wait3A_248 : memref<1x2x128xi32, #tpu.memory_space<hbm>>) dst(%arg7 : memref<1x2x128xi32, #tpu.memory_space<vmem>>)
      } else {
      }
      %dma_wait3A_121 = arith.constant 0 : i32
      %dma_wait3A_122 = arith.constant 0 : i32
      %dma_wait3A_123 = arith.constant 0 : i32
      %dma_wait3A_124 = tpu.memref_slice %arg6[%dma_wait3A_121, %dma_wait3A_122, %dma_wait3A_123] : memref<1x2x128xi32, #tpu.memory_space<vmem>> -> memref<1x1x128xi32, #tpu.memory_space<vmem>>
      %dma_wait3A_125 = tpu.memref_squeeze %dma_wait3A_124 : memref<1x1x128xi32, #tpu.memory_space<vmem>> -> memref<128xi32, #tpu.memory_space<vmem>>
      %dma_wait3A_126 = arith.constant 0 : i32
      %dma_wait3A_127 = arith.constant 0 : i32
      %dma_wait3A_128 = tpu.memref_slice %arg3[%dma_wait3A_126, %dma_wait3A_127] : memref<10000x128xf32, #tpu.memory_space<hbm>> -> memref<10000x128xf32, #tpu.memory_space<hbm>>
      tpu.wait_indirect_dma semaphore(%arg17 : memref<!tpu.dma_semaphore, #tpu.memory_space<semaphore_mem>>) src(%dma_wait3A_128 : memref<10000x128xf32, #tpu.memory_space<hbm>>) dst(%arg10 : memref<128x128xf32, #tpu.memory_space<vmem>>)
      %add3A_129 = arith.constant 1 : i32
      %add3A_130 = arith.addi %add3A_108, %add3A_129 : i32
      %lt3A_131 = arith.constant 80 : i32
      %lt3A_132 = arith.cmpi slt, %add3A_130, %lt3A_131 : i32
      %convert_element_type3A_133 = arith.extui %lt3A_132 : i1 to i32
      %cond3A_134 = arith.constant 0 : i32
      %cond3A_135 = arith.cmpi ne, %convert_element_type3A_133, %cond3A_134 : i32
      scf.if %cond3A_135 {
        %dma_start3A_239 = arith.constant 0 : i32
        %dma_start3A_240 = arith.constant 0 : i32
        %dma_start3A_241 = arith.constant 0 : i32
        %dma_start3A_242 = tpu.memref_slice %arg7[%dma_start3A_239, %dma_start3A_240, %dma_start3A_241] : memref<1x2x128xi32, #tpu.memory_space<vmem>> -> memref<1x1x128xi32, #tpu.memory_space<vmem>>
        %dma_start3A_243 = tpu.memref_squeeze %dma_start3A_242 : memref<1x1x128xi32, #tpu.memory_space<vmem>> -> memref<128xi32, #tpu.memory_space<vmem>>
        %dma_start3A_244 = arith.constant 0 : i32
        %dma_start3A_245 = arith.constant 0 : i32
        %dma_start3A_246 = tpu.memref_slice %arg3[%dma_start3A_244, %dma_start3A_245] : memref<10000x128xf32, #tpu.memory_space<hbm>> -> memref<10000x128xf32, #tpu.memory_space<hbm>>
        tpu.enqueue_indirect_dma source(%dma_start3A_246 : memref<10000x128xf32, #tpu.memory_space<hbm>>) target(%arg9 : memref<128x128xf32, #tpu.memory_space<vmem>>) offsets(%dma_start3A_243 : memref<128xi32, #tpu.memory_space<vmem>>) semaphore(%arg16 : memref<!tpu.dma_semaphore, #tpu.memory_space<semaphore_mem>>)
      } else {
      }
      %dma_start3A_136 = arith.constant 0 : i32
      %dma_start3A_137 = arith.constant 1 : i32
      %dma_start3A_138 = arith.constant 0 : i32
      %dma_start3A_139 = tpu.memref_slice %arg6[%dma_start3A_136, %dma_start3A_137, %dma_start3A_138] : memref<1x2x128xi32, #tpu.memory_space<vmem>> -> memref<1x1x128xi32, #tpu.memory_space<vmem>>
      %dma_start3A_140 = tpu.memref_squeeze %dma_start3A_139 : memref<1x1x128xi32, #tpu.memory_space<vmem>> -> memref<128xi32, #tpu.memory_space<vmem>>
      %dma_start3A_141 = arith.constant 0 : i32
      %dma_start3A_142 = arith.constant 0 : i32
      %dma_start3A_143 = tpu.memref_slice %arg11[%dma_start3A_141, %dma_start3A_142] : memref<10240x128xf32, #tpu.memory_space<vmem_shared>> -> memref<10240x128xf32, #tpu.memory_space<vmem_shared>>
      tpu.enqueue_indirect_dma source(%arg10 : memref<128x128xf32, #tpu.memory_space<vmem>>) target(%dma_start3A_143 : memref<10240x128xf32, #tpu.memory_space<vmem_shared>>) offsets(%dma_start3A_140 : memref<128xi32, #tpu.memory_space<vmem>>) semaphore(%arg19 : memref<!tpu.dma_semaphore, #tpu.memory_space<semaphore_mem>>) {add = true}
      %add3A_144 = arith.constant 2 : i32
      %add3A_145 = arith.addi %add3A_108, %add3A_144 : i32
      %lt3A_146 = arith.constant 80 : i32
      %lt3A_147 = arith.cmpi slt, %add3A_145, %lt3A_146 : i32
      %convert_element_type3A_148 = arith.extui %lt3A_147 : i1 to i32
      %cond3A_149 = arith.constant 0 : i32
      %cond3A_150 = arith.cmpi ne, %convert_element_type3A_148, %cond3A_149 : i32
      scf.if %cond3A_150 {
        %add3A_239 = arith.constant 2 : i32
        %add3A_240 = arith.addi %add3A_108, %add3A_239 : i32
        %dma_start3A_241 = arith.constant 0 : i32
        %dma_start3A_242 = arith.constant 0 : i32
        %dma_start3A_243 = tpu.memref_slice %arg2[%add3A, %add3A_240, %dma_start3A_241, %dma_start3A_242] : memref<32x80x2x128xi32, #tpu.memory_space<hbm>> -> memref<1x1x2x128xi32, #tpu.memory_space<hbm>>
        %dma_start3A_244 = tpu.memref_squeeze %dma_start3A_243 : memref<1x1x2x128xi32, #tpu.memory_space<hbm>> -> memref<1x2x128xi32, #tpu.memory_space<hbm>>
        %dma_start3A_245 = arith.constant 0 : i32
        %dma_start3A_246 = arith.constant 0 : i32
        %dma_start3A_247 = tpu.memref_slice %arg2[%add3A, %add3A_240, %dma_start3A_245, %dma_start3A_246] : memref<32x80x2x128xi32, #tpu.memory_space<hbm>> -> memref<1x1x2x128xi32, #tpu.memory_space<hbm>>
        %dma_start3A_248 = tpu.memref_squeeze %dma_start3A_247 : memref<1x1x2x128xi32, #tpu.memory_space<hbm>> -> memref<1x2x128xi32, #tpu.memory_space<hbm>>
        tpu.enqueue_dma source(%dma_start3A_248 : memref<1x2x128xi32, #tpu.memory_space<hbm>>) target(%arg8 : memref<1x2x128xi32, #tpu.memory_space<vmem>>) target_semaphore(%arg15 : memref<!tpu.dma_semaphore, #tpu.memory_space<semaphore_mem>>)
      } else {
      }
      %add3A_151 = arith.constant 2 : i32
      %add3A_152 = arith.addi %add3A_68, %add3A_151 : i32
      %ge3A_153 = arith.constant 1 : i32
      %ge3A_154 = arith.cmpi sge, %add3A_152, %ge3A_153 : i32
      %convert_element_type3A_155 = arith.extui %ge3A_154 : i1 to i32
      %cond3A_156 = arith.constant 0 : i32
      %cond3A_157 = arith.cmpi ne, %convert_element_type3A_155, %cond3A_156 : i32
      scf.if %cond3A_157 {
        %dma_wait3A_239 = arith.constant 0 : i32
        %dma_wait3A_240 = arith.constant 1 : i32
        %dma_wait3A_241 = arith.constant 0 : i32
        %dma_wait3A_242 = tpu.memref_slice %arg6[%dma_wait3A_239, %dma_wait3A_240, %dma_wait3A_241] : memref<1x2x128xi32, #tpu.memory_space<vmem>> -> memref<1x1x128xi32, #tpu.memory_space<vmem>>
        %dma_wait3A_243 = tpu.memref_squeeze %dma_wait3A_242 : memref<1x1x128xi32, #tpu.memory_space<vmem>> -> memref<128xi32, #tpu.memory_space<vmem>>
        %dma_wait3A_244 = arith.constant 0 : i32
        %dma_wait3A_245 = arith.constant 0 : i32
        %dma_wait3A_246 = tpu.memref_slice %arg11[%dma_wait3A_244, %dma_wait3A_245] : memref<10240x128xf32, #tpu.memory_space<vmem_shared>> -> memref<10240x128xf32, #tpu.memory_space<vmem_shared>>
        tpu.wait_indirect_dma semaphore(%arg19 : memref<!tpu.dma_semaphore, #tpu.memory_space<semaphore_mem>>) src(%arg10 : memref<128x128xf32, #tpu.memory_space<vmem>>) dst(%dma_wait3A_246 : memref<10240x128xf32, #tpu.memory_space<vmem_shared>>)
      } else {
      }
      %add3A_158 = arith.constant 1 : i32
      %add3A_159 = arith.addi %add3A_152, %add3A_158 : i32
      %lt3A_160 = arith.constant 80 : i32
      %lt3A_161 = arith.cmpi slt, %add3A_159, %lt3A_160 : i32
      %convert_element_type3A_162 = arith.extui %lt3A_161 : i1 to i32
      %cond3A_163 = arith.constant 0 : i32
      %cond3A_164 = arith.cmpi ne, %convert_element_type3A_162, %cond3A_163 : i32
      scf.if %cond3A_164 {
        %add3A_239 = arith.constant 1 : i32
        %add3A_240 = arith.addi %add3A_152, %add3A_239 : i32
        %dma_wait3A_241 = arith.constant 0 : i32
        %dma_wait3A_242 = arith.constant 0 : i32
        %dma_wait3A_243 = tpu.memref_slice %arg2[%add3A, %add3A_240, %dma_wait3A_241, %dma_wait3A_242] : memref<32x80x2x128xi32, #tpu.memory_space<hbm>> -> memref<1x1x2x128xi32, #tpu.memory_space<hbm>>
        %dma_wait3A_244 = tpu.memref_squeeze %dma_wait3A_243 : memref<1x1x2x128xi32, #tpu.memory_space<hbm>> -> memref<1x2x128xi32, #tpu.memory_space<hbm>>
        %dma_wait3A_245 = arith.constant 0 : i32
        %dma_wait3A_246 = arith.constant 0 : i32
        %dma_wait3A_247 = tpu.memref_slice %arg2[%add3A, %add3A_240, %dma_wait3A_245, %dma_wait3A_246] : memref<32x80x2x128xi32, #tpu.memory_space<hbm>> -> memref<1x1x2x128xi32, #tpu.memory_space<hbm>>
        %dma_wait3A_248 = tpu.memref_squeeze %dma_wait3A_247 : memref<1x1x2x128xi32, #tpu.memory_space<hbm>> -> memref<1x2x128xi32, #tpu.memory_space<hbm>>
        tpu.wait_dma2 semaphore(%arg15 : memref<!tpu.dma_semaphore, #tpu.memory_space<semaphore_mem>>) src(%dma_wait3A_248 : memref<1x2x128xi32, #tpu.memory_space<hbm>>) dst(%arg8 : memref<1x2x128xi32, #tpu.memory_space<vmem>>)
      } else {
      }
      %dma_wait3A_165 = arith.constant 0 : i32
      %dma_wait3A_166 = arith.constant 0 : i32
      %dma_wait3A_167 = arith.constant 0 : i32
      %dma_wait3A_168 = tpu.memref_slice %arg7[%dma_wait3A_165, %dma_wait3A_166, %dma_wait3A_167] : memref<1x2x128xi32, #tpu.memory_space<vmem>> -> memref<1x1x128xi32, #tpu.memory_space<vmem>>
      %dma_wait3A_169 = tpu.memref_squeeze %dma_wait3A_168 : memref<1x1x128xi32, #tpu.memory_space<vmem>> -> memref<128xi32, #tpu.memory_space<vmem>>
      %dma_wait3A_170 = arith.constant 0 : i32
      %dma_wait3A_171 = arith.constant 0 : i32
      %dma_wait3A_172 = tpu.memref_slice %arg3[%dma_wait3A_170, %dma_wait3A_171] : memref<10000x128xf32, #tpu.memory_space<hbm>> -> memref<10000x128xf32, #tpu.memory_space<hbm>>
      tpu.wait_indirect_dma semaphore(%arg16 : memref<!tpu.dma_semaphore, #tpu.memory_space<semaphore_mem>>) src(%dma_wait3A_172 : memref<10000x128xf32, #tpu.memory_space<hbm>>) dst(%arg9 : memref<128x128xf32, #tpu.memory_space<vmem>>)
      %add3A_173 = arith.constant 1 : i32
      %add3A_174 = arith.addi %add3A_152, %add3A_173 : i32
      %lt3A_175 = arith.constant 80 : i32
      %lt3A_176 = arith.cmpi slt, %add3A_174, %lt3A_175 : i32
      %convert_element_type3A_177 = arith.extui %lt3A_176 : i1 to i32
      %cond3A_178 = arith.constant 0 : i32
      %cond3A_179 = arith.cmpi ne, %convert_element_type3A_177, %cond3A_178 : i32
      scf.if %cond3A_179 {
        %dma_start3A_239 = arith.constant 0 : i32
        %dma_start3A_240 = arith.constant 0 : i32
        %dma_start3A_241 = arith.constant 0 : i32
        %dma_start3A_242 = tpu.memref_slice %arg8[%dma_start3A_239, %dma_start3A_240, %dma_start3A_241] : memref<1x2x128xi32, #tpu.memory_space<vmem>> -> memref<1x1x128xi32, #tpu.memory_space<vmem>>
        %dma_start3A_243 = tpu.memref_squeeze %dma_start3A_242 : memref<1x1x128xi32, #tpu.memory_space<vmem>> -> memref<128xi32, #tpu.memory_space<vmem>>
        %dma_start3A_244 = arith.constant 0 : i32
        %dma_start3A_245 = arith.constant 0 : i32
        %dma_start3A_246 = tpu.memref_slice %arg3[%dma_start3A_244, %dma_start3A_245] : memref<10000x128xf32, #tpu.memory_space<hbm>> -> memref<10000x128xf32, #tpu.memory_space<hbm>>
        tpu.enqueue_indirect_dma source(%dma_start3A_246 : memref<10000x128xf32, #tpu.memory_space<hbm>>) target(%arg10 : memref<128x128xf32, #tpu.memory_space<vmem>>) offsets(%dma_start3A_243 : memref<128xi32, #tpu.memory_space<vmem>>) semaphore(%arg17 : memref<!tpu.dma_semaphore, #tpu.memory_space<semaphore_mem>>)
      } else {
      }
      %dma_start3A_180 = arith.constant 0 : i32
      %dma_start3A_181 = arith.constant 1 : i32
      %dma_start3A_182 = arith.constant 0 : i32
      %dma_start3A_183 = tpu.memref_slice %arg7[%dma_start3A_180, %dma_start3A_181, %dma_start3A_182] : memref<1x2x128xi32, #tpu.memory_space<vmem>> -> memref<1x1x128xi32, #tpu.memory_space<vmem>>
      %dma_start3A_184 = tpu.memref_squeeze %dma_start3A_183 : memref<1x1x128xi32, #tpu.memory_space<vmem>> -> memref<128xi32, #tpu.memory_space<vmem>>
      %dma_start3A_185 = arith.constant 0 : i32
      %dma_start3A_186 = arith.constant 0 : i32
      %dma_start3A_187 = tpu.memref_slice %arg11[%dma_start3A_185, %dma_start3A_186] : memref<10240x128xf32, #tpu.memory_space<vmem_shared>> -> memref<10240x128xf32, #tpu.memory_space<vmem_shared>>
      tpu.enqueue_indirect_dma source(%arg9 : memref<128x128xf32, #tpu.memory_space<vmem>>) target(%dma_start3A_187 : memref<10240x128xf32, #tpu.memory_space<vmem_shared>>) offsets(%dma_start3A_184 : memref<128xi32, #tpu.memory_space<vmem>>) semaphore(%arg18 : memref<!tpu.dma_semaphore, #tpu.memory_space<semaphore_mem>>) {add = true}
      %add3A_188 = arith.constant 2 : i32
      %add3A_189 = arith.addi %add3A_152, %add3A_188 : i32
      %lt3A_190 = arith.constant 80 : i32
      %lt3A_191 = arith.cmpi slt, %add3A_189, %lt3A_190 : i32
      %convert_element_type3A_192 = arith.extui %lt3A_191 : i1 to i32
      %cond3A_193 = arith.constant 0 : i32
      %cond3A_194 = arith.cmpi ne, %convert_element_type3A_192, %cond3A_193 : i32
      scf.if %cond3A_194 {
        %add3A_239 = arith.constant 2 : i32
        %add3A_240 = arith.addi %add3A_152, %add3A_239 : i32
        %dma_start3A_241 = arith.constant 0 : i32
        %dma_start3A_242 = arith.constant 0 : i32
        %dma_start3A_243 = tpu.memref_slice %arg2[%add3A, %add3A_240, %dma_start3A_241, %dma_start3A_242] : memref<32x80x2x128xi32, #tpu.memory_space<hbm>> -> memref<1x1x2x128xi32, #tpu.memory_space<hbm>>
        %dma_start3A_244 = tpu.memref_squeeze %dma_start3A_243 : memref<1x1x2x128xi32, #tpu.memory_space<hbm>> -> memref<1x2x128xi32, #tpu.memory_space<hbm>>
        %dma_start3A_245 = arith.constant 0 : i32
        %dma_start3A_246 = arith.constant 0 : i32
        %dma_start3A_247 = tpu.memref_slice %arg2[%add3A, %add3A_240, %dma_start3A_245, %dma_start3A_246] : memref<32x80x2x128xi32, #tpu.memory_space<hbm>> -> memref<1x1x2x128xi32, #tpu.memory_space<hbm>>
        %dma_start3A_248 = tpu.memref_squeeze %dma_start3A_247 : memref<1x1x2x128xi32, #tpu.memory_space<hbm>> -> memref<1x2x128xi32, #tpu.memory_space<hbm>>
        tpu.enqueue_dma source(%dma_start3A_248 : memref<1x2x128xi32, #tpu.memory_space<hbm>>) target(%arg5 : memref<1x2x128xi32, #tpu.memory_space<vmem>>) target_semaphore(%arg12 : memref<!tpu.dma_semaphore, #tpu.memory_space<semaphore_mem>>)
      } else {
      }
      %add3A_195 = arith.constant 3 : i32
      %add3A_196 = arith.addi %add3A_68, %add3A_195 : i32
      %ge3A_197 = arith.constant 1 : i32
      %ge3A_198 = arith.cmpi sge, %add3A_196, %ge3A_197 : i32
      %convert_element_type3A_199 = arith.extui %ge3A_198 : i1 to i32
      %cond3A_200 = arith.constant 0 : i32
      %cond3A_201 = arith.cmpi ne, %convert_element_type3A_199, %cond3A_200 : i32
      scf.if %cond3A_201 {
        %dma_wait3A_239 = arith.constant 0 : i32
        %dma_wait3A_240 = arith.constant 1 : i32
        %dma_wait3A_241 = arith.constant 0 : i32
        %dma_wait3A_242 = tpu.memref_slice %arg7[%dma_wait3A_239, %dma_wait3A_240, %dma_wait3A_241] : memref<1x2x128xi32, #tpu.memory_space<vmem>> -> memref<1x1x128xi32, #tpu.memory_space<vmem>>
        %dma_wait3A_243 = tpu.memref_squeeze %dma_wait3A_242 : memref<1x1x128xi32, #tpu.memory_space<vmem>> -> memref<128xi32, #tpu.memory_space<vmem>>
        %dma_wait3A_244 = arith.constant 0 : i32
        %dma_wait3A_245 = arith.constant 0 : i32
        %dma_wait3A_246 = tpu.memref_slice %arg11[%dma_wait3A_244, %dma_wait3A_245] : memref<10240x128xf32, #tpu.memory_space<vmem_shared>> -> memref<10240x128xf32, #tpu.memory_space<vmem_shared>>
        tpu.wait_indirect_dma semaphore(%arg18 : memref<!tpu.dma_semaphore, #tpu.memory_space<semaphore_mem>>) src(%arg9 : memref<128x128xf32, #tpu.memory_space<vmem>>) dst(%dma_wait3A_246 : memref<10240x128xf32, #tpu.memory_space<vmem_shared>>)
      } else {
      }
      %add3A_202 = arith.constant 1 : i32
      %add3A_203 = arith.addi %add3A_196, %add3A_202 : i32
      %lt3A_204 = arith.constant 80 : i32
      %lt3A_205 = arith.cmpi slt, %add3A_203, %lt3A_204 : i32
      %convert_element_type3A_206 = arith.extui %lt3A_205 : i1 to i32
      %cond3A_207 = arith.constant 0 : i32
      %cond3A_208 = arith.cmpi ne, %convert_element_type3A_206, %cond3A_207 : i32
      scf.if %cond3A_208 {
        %add3A_239 = arith.constant 1 : i32
        %add3A_240 = arith.addi %add3A_196, %add3A_239 : i32
        %dma_wait3A_241 = arith.constant 0 : i32
        %dma_wait3A_242 = arith.constant 0 : i32
        %dma_wait3A_243 = tpu.memref_slice %arg2[%add3A, %add3A_240, %dma_wait3A_241, %dma_wait3A_242] : memref<32x80x2x128xi32, #tpu.memory_space<hbm>> -> memref<1x1x2x128xi32, #tpu.memory_space<hbm>>
        %dma_wait3A_244 = tpu.memref_squeeze %dma_wait3A_243 : memref<1x1x2x128xi32, #tpu.memory_space<hbm>> -> memref<1x2x128xi32, #tpu.memory_space<hbm>>
        %dma_wait3A_245 = arith.constant 0 : i32
        %dma_wait3A_246 = arith.constant 0 : i32
        %dma_wait3A_247 = tpu.memref_slice %arg2[%add3A, %add3A_240, %dma_wait3A_245, %dma_wait3A_246] : memref<32x80x2x128xi32, #tpu.memory_space<hbm>> -> memref<1x1x2x128xi32, #tpu.memory_space<hbm>>
        %dma_wait3A_248 = tpu.memref_squeeze %dma_wait3A_247 : memref<1x1x2x128xi32, #tpu.memory_space<hbm>> -> memref<1x2x128xi32, #tpu.memory_space<hbm>>
        tpu.wait_dma2 semaphore(%arg12 : memref<!tpu.dma_semaphore, #tpu.memory_space<semaphore_mem>>) src(%dma_wait3A_248 : memref<1x2x128xi32, #tpu.memory_space<hbm>>) dst(%arg5 : memref<1x2x128xi32, #tpu.memory_space<vmem>>)
      } else {
      }
      %dma_wait3A_209 = arith.constant 0 : i32
      %dma_wait3A_210 = arith.constant 0 : i32
      %dma_wait3A_211 = arith.constant 0 : i32
      %dma_wait3A_212 = tpu.memref_slice %arg8[%dma_wait3A_209, %dma_wait3A_210, %dma_wait3A_211] : memref<1x2x128xi32, #tpu.memory_space<vmem>> -> memref<1x1x128xi32, #tpu.memory_space<vmem>>
      %dma_wait3A_213 = tpu.memref_squeeze %dma_wait3A_212 : memref<1x1x128xi32, #tpu.memory_space<vmem>> -> memref<128xi32, #tpu.memory_space<vmem>>
      %dma_wait3A_214 = arith.constant 0 : i32
      %dma_wait3A_215 = arith.constant 0 : i32
      %dma_wait3A_216 = tpu.memref_slice %arg3[%dma_wait3A_214, %dma_wait3A_215] : memref<10000x128xf32, #tpu.memory_space<hbm>> -> memref<10000x128xf32, #tpu.memory_space<hbm>>
      tpu.wait_indirect_dma semaphore(%arg17 : memref<!tpu.dma_semaphore, #tpu.memory_space<semaphore_mem>>) src(%dma_wait3A_216 : memref<10000x128xf32, #tpu.memory_space<hbm>>) dst(%arg10 : memref<128x128xf32, #tpu.memory_space<vmem>>)
      %add3A_217 = arith.constant 1 : i32
      %add3A_218 = arith.addi %add3A_196, %add3A_217 : i32
      %lt3A_219 = arith.constant 80 : i32
      %lt3A_220 = arith.cmpi slt, %add3A_218, %lt3A_219 : i32
      %convert_element_type3A_221 = arith.extui %lt3A_220 : i1 to i32
      %cond3A_222 = arith.constant 0 : i32
      %cond3A_223 = arith.cmpi ne, %convert_element_type3A_221, %cond3A_222 : i32
      scf.if %cond3A_223 {
        %dma_start3A_239 = arith.constant 0 : i32
        %dma_start3A_240 = arith.constant 0 : i32
        %dma_start3A_241 = arith.constant 0 : i32
        %dma_start3A_242 = tpu.memref_slice %arg5[%dma_start3A_239, %dma_start3A_240, %dma_start3A_241] : memref<1x2x128xi32, #tpu.memory_space<vmem>> -> memref<1x1x128xi32, #tpu.memory_space<vmem>>
        %dma_start3A_243 = tpu.memref_squeeze %dma_start3A_242 : memref<1x1x128xi32, #tpu.memory_space<vmem>> -> memref<128xi32, #tpu.memory_space<vmem>>
        %dma_start3A_244 = arith.constant 0 : i32
        %dma_start3A_245 = arith.constant 0 : i32
        %dma_start3A_246 = tpu.memref_slice %arg3[%dma_start3A_244, %dma_start3A_245] : memref<10000x128xf32, #tpu.memory_space<hbm>> -> memref<10000x128xf32, #tpu.memory_space<hbm>>
        tpu.enqueue_indirect_dma source(%dma_start3A_246 : memref<10000x128xf32, #tpu.memory_space<hbm>>) target(%arg9 : memref<128x128xf32, #tpu.memory_space<vmem>>) offsets(%dma_start3A_243 : memref<128xi32, #tpu.memory_space<vmem>>) semaphore(%arg16 : memref<!tpu.dma_semaphore, #tpu.memory_space<semaphore_mem>>)
      } else {
      }
      %dma_start3A_224 = arith.constant 0 : i32
      %dma_start3A_225 = arith.constant 1 : i32
      %dma_start3A_226 = arith.constant 0 : i32
      %dma_start3A_227 = tpu.memref_slice %arg8[%dma_start3A_224, %dma_start3A_225, %dma_start3A_226] : memref<1x2x128xi32, #tpu.memory_space<vmem>> -> memref<1x1x128xi32, #tpu.memory_space<vmem>>
      %dma_start3A_228 = tpu.memref_squeeze %dma_start3A_227 : memref<1x1x128xi32, #tpu.memory_space<vmem>> -> memref<128xi32, #tpu.memory_space<vmem>>
      %dma_start3A_229 = arith.constant 0 : i32
      %dma_start3A_230 = arith.constant 0 : i32
      %dma_start3A_231 = tpu.memref_slice %arg11[%dma_start3A_229, %dma_start3A_230] : memref<10240x128xf32, #tpu.memory_space<vmem_shared>> -> memref<10240x128xf32, #tpu.memory_space<vmem_shared>>
      tpu.enqueue_indirect_dma source(%arg10 : memref<128x128xf32, #tpu.memory_space<vmem>>) target(%dma_start3A_231 : memref<10240x128xf32, #tpu.memory_space<vmem_shared>>) offsets(%dma_start3A_228 : memref<128xi32, #tpu.memory_space<vmem>>) semaphore(%arg19 : memref<!tpu.dma_semaphore, #tpu.memory_space<semaphore_mem>>) {add = true}
      %add3A_232 = arith.constant 2 : i32
      %add3A_233 = arith.addi %add3A_196, %add3A_232 : i32
      %lt3A_234 = arith.constant 80 : i32
      %lt3A_235 = arith.cmpi slt, %add3A_233, %lt3A_234 : i32
      %convert_element_type3A_236 = arith.extui %lt3A_235 : i1 to i32
      %cond3A_237 = arith.constant 0 : i32
      %cond3A_238 = arith.cmpi ne, %convert_element_type3A_236, %cond3A_237 : i32
      scf.if %cond3A_238 {
        %add3A_239 = arith.constant 2 : i32
        %add3A_240 = arith.addi %add3A_196, %add3A_239 : i32
        %dma_start3A_241 = arith.constant 0 : i32
        %dma_start3A_242 = arith.constant 0 : i32
        %dma_start3A_243 = tpu.memref_slice %arg2[%add3A, %add3A_240, %dma_start3A_241, %dma_start3A_242] : memref<32x80x2x128xi32, #tpu.memory_space<hbm>> -> memref<1x1x2x128xi32, #tpu.memory_space<hbm>>
        %dma_start3A_244 = tpu.memref_squeeze %dma_start3A_243 : memref<1x1x2x128xi32, #tpu.memory_space<hbm>> -> memref<1x2x128xi32, #tpu.memory_space<hbm>>
        %dma_start3A_245 = arith.constant 0 : i32
        %dma_start3A_246 = arith.constant 0 : i32
        %dma_start3A_247 = tpu.memref_slice %arg2[%add3A, %add3A_240, %dma_start3A_245, %dma_start3A_246] : memref<32x80x2x128xi32, #tpu.memory_space<hbm>> -> memref<1x1x2x128xi32, #tpu.memory_space<hbm>>
        %dma_start3A_248 = tpu.memref_squeeze %dma_start3A_247 : memref<1x1x2x128xi32, #tpu.memory_space<hbm>> -> memref<1x2x128xi32, #tpu.memory_space<hbm>>
        tpu.enqueue_dma source(%dma_start3A_248 : memref<1x2x128xi32, #tpu.memory_space<hbm>>) target(%arg6 : memref<1x2x128xi32, #tpu.memory_space<vmem>>) target_semaphore(%arg13 : memref<!tpu.dma_semaphore, #tpu.memory_space<semaphore_mem>>)
      } else {
      }
    }
    %scan3A_50 = arith.constant 20 : i32
    %dma_wait3A_51 = arith.constant 0 : i32
    %dma_wait3A_52 = arith.constant 1 : i32
    %dma_wait3A_53 = arith.constant 0 : i32
    %dma_wait3A_54 = tpu.memref_slice %arg8[%dma_wait3A_51, %dma_wait3A_52, %dma_wait3A_53] : memref<1x2x128xi32, #tpu.memory_space<vmem>> -> memref<1x1x128xi32, #tpu.memory_space<vmem>>
    %dma_wait3A_55 = tpu.memref_squeeze %dma_wait3A_54 : memref<1x1x128xi32, #tpu.memory_space<vmem>> -> memref<128xi32, #tpu.memory_space<vmem>>
    %dma_wait3A_56 = arith.constant 0 : i32
    %dma_wait3A_57 = arith.constant 0 : i32
    %dma_wait3A_58 = tpu.memref_slice %arg11[%dma_wait3A_56, %dma_wait3A_57] : memref<10240x128xf32, #tpu.memory_space<vmem_shared>> -> memref<10240x128xf32, #tpu.memory_space<vmem_shared>>
    tpu.wait_indirect_dma semaphore(%arg19 : memref<!tpu.dma_semaphore, #tpu.memory_space<semaphore_mem>>) src(%arg10 : memref<128x128xf32, #tpu.memory_space<vmem>>) dst(%dma_wait3A_58 : memref<10240x128xf32, #tpu.memory_space<vmem_shared>>)
    %barrier3A_59 = arith.constant 0 : index
    tpu.barrier barrier_id(%barrier3A_59)
    %mul3A_60 = arith.constant 640 : i32
    %mul3A_61 = arith.muli %arg1, %mul3A_60 : i32
    %mul3A_62 = arith.constant 640 : i32
    %mul3A_63 = arith.muli %arg1, %mul3A_62 : i32
    "tpu.region"() ({
      %run_scoped3A = tpu.sem_alloc : memref<!tpu.dma_semaphore, #tpu.memory_space<semaphore_mem>>
      %dma_start3A_64 = arith.constant 0 : i32
      %dma_start3A_65 = arith.constant 0 : i32
      %dma_start3A_66 = tpu.memref_slice %arg4[%arg0, %dma_start3A_64, %dma_start3A_65] : memref<2x10240x128xf32, #tpu.memory_space<hbm>> -> memref<1x10240x128xf32, #tpu.memory_space<hbm>>
      %dma_start3A_67 = tpu.memref_squeeze %dma_start3A_66 : memref<1x10240x128xf32, #tpu.memory_space<hbm>> -> memref<10240x128xf32, #tpu.memory_space<hbm>>
      %dma_start3A_68 = arith.constant 0 : i32
      %dma_start3A_69 = tpu.memref_slice %dma_start3A_67[%mul3A_63, %dma_start3A_68] : memref<10240x128xf32, #tpu.memory_space<hbm>> -> memref<640x128xf32, #tpu.memory_space<hbm>>
      %dma_start3A_70 = arith.constant 0 : i32
      %dma_start3A_71 = tpu.memref_slice %arg11[%mul3A_61, %dma_start3A_70] : memref<10240x128xf32, #tpu.memory_space<vmem_shared>> -> memref<640x128xf32, #tpu.memory_space<vmem_shared>>
      tpu.enqueue_dma source(%dma_start3A_71 : memref<640x128xf32, #tpu.memory_space<vmem_shared>>) target(%dma_start3A_69 : memref<640x128xf32, #tpu.memory_space<hbm>>) target_semaphore(%run_scoped3A : memref<!tpu.dma_semaphore, #tpu.memory_space<semaphore_mem>>)
      %dma_wait3A_72 = arith.constant 0 : i32
      %dma_wait3A_73 = arith.constant 0 : i32
      %dma_wait3A_74 = tpu.memref_slice %arg4[%arg0, %dma_wait3A_72, %dma_wait3A_73] : memref<2x10240x128xf32, #tpu.memory_space<hbm>> -> memref<1x10240x128xf32, #tpu.memory_space<hbm>>
      %dma_wait3A_75 = tpu.memref_squeeze %dma_wait3A_74 : memref<1x10240x128xf32, #tpu.memory_space<hbm>> -> memref<10240x128xf32, #tpu.memory_space<hbm>>
      %dma_wait3A_76 = arith.constant 0 : i32
      %dma_wait3A_77 = tpu.memref_slice %dma_wait3A_75[%mul3A_63, %dma_wait3A_76] : memref<10240x128xf32, #tpu.memory_space<hbm>> -> memref<640x128xf32, #tpu.memory_space<hbm>>
      %dma_wait3A_78 = arith.constant 0 : i32
      %dma_wait3A_79 = tpu.memref_slice %arg11[%mul3A_61, %dma_wait3A_78] : memref<10240x128xf32, #tpu.memory_space<vmem_shared>> -> memref<640x128xf32, #tpu.memory_space<vmem_shared>>
      tpu.wait_dma2 semaphore(%run_scoped3A : memref<!tpu.dma_semaphore, #tpu.memory_space<semaphore_mem>>) src(%dma_wait3A_79 : memref<640x128xf32, #tpu.memory_space<vmem_shared>>) dst(%dma_wait3A_77 : memref<640x128xf32, #tpu.memory_space<hbm>>)
      tpu.yield
    }) : () -> ()
    return
  }
}

#map = affine_map<(d0, d1) -> (0, 0, 0, 0)>
#map1 = affine_map<(d0, d1) -> (0, 0)>
#map2 = affine_map<(d0, d1) -> (0, 0, 0)>
module attributes {stable_mosaic.version = 14 : i64} {
  func.func @_sc_agg_kernel(%arg0: i32, %arg1: i32, %arg2: memref<32x80x2x128xi32, #tpu.memory_space<hbm>>, %arg3: memref<10000x128xf32, #tpu.memory_space<hbm>>, %arg4: memref<2x10240x128xf32, #tpu.memory_space<hbm>>, %arg5: memref<1x2x128xi32, #tpu.memory_space<vmem>>, %arg6: memref<1x2x128xi32, #tpu.memory_space<vmem>>, %arg7: memref<1x2x128xi32, #tpu.memory_space<vmem>>, %arg8: memref<1x2x128xi32, #tpu.memory_space<vmem>>, %arg9: memref<128x128xf32, #tpu.memory_space<vmem>>, %arg10: memref<128x128xf32, #tpu.memory_space<vmem>>, %arg11: memref<10240x128xf32, #tpu.memory_space<vmem_shared>>, %arg12: memref<!tpu.dma_semaphore, #tpu.memory_space<semaphore_mem>>, %arg13: memref<!tpu.dma_semaphore, #tpu.memory_space<semaphore_mem>>, %arg14: memref<!tpu.dma_semaphore, #tpu.memory_space<semaphore_mem>>, %arg15: memref<!tpu.dma_semaphore, #tpu.memory_space<semaphore_mem>>, %arg16: memref<!tpu.dma_semaphore, #tpu.memory_space<semaphore_mem>>, %arg17: memref<!tpu.dma_semaphore, #tpu.memory_space<semaphore_mem>>, %arg18: memref<!tpu.dma_semaphore, #tpu.memory_space<semaphore_mem>>, %arg19: memref<!tpu.dma_semaphore, #tpu.memory_space<semaphore_mem>>) attributes {dimension_semantics = [#tpu.dimension_semantics<core_parallel>, #tpu.dimension_semantics<subcore_parallel>], iteration_bounds = array<i64: 2, 16>, scalar_prefetch = 0 : i64, scratch_operands = 15 : i64, tpu.core_type = #tpu.core_type<sc_vector_subcore>, window_params = [{transform_indices = #map}, {transform_indices = #map1}, {transform_indices = #map2}]} {
    %mul3A = arith.constant 16 : i32
    %mul3A_0 = arith.muli %arg0, %mul3A : i32
    %add3A = arith.addi %mul3A_0, %arg1 : i32
    %dma_start3A = arith.constant 0 : i32
    %dma_start3A_1 = arith.constant 0 : i32
    %dma_start3A_2 = arith.constant 0 : i32
    %dma_start3A_3 = tpu.memref_slice %arg2[%add3A, %dma_start3A, %dma_start3A_1, %dma_start3A_2] : memref<32x80x2x128xi32, #tpu.memory_space<hbm>> -> memref<1x1x2x128xi32, #tpu.memory_space<hbm>>
    %dma_start3A_4 = tpu.memref_squeeze %dma_start3A_3 : memref<1x1x2x128xi32, #tpu.memory_space<hbm>> -> memref<1x2x128xi32, #tpu.memory_space<hbm>>
    %dma_start3A_5 = arith.constant 0 : i32
    %dma_start3A_6 = arith.constant 0 : i32
    %dma_start3A_7 = arith.constant 0 : i32
    %dma_start3A_8 = tpu.memref_slice %arg2[%add3A, %dma_start3A_5, %dma_start3A_6, %dma_start3A_7] : memref<32x80x2x128xi32, #tpu.memory_space<hbm>> -> memref<1x1x2x128xi32, #tpu.memory_space<hbm>>
    %dma_start3A_9 = tpu.memref_squeeze %dma_start3A_8 : memref<1x1x2x128xi32, #tpu.memory_space<hbm>> -> memref<1x2x128xi32, #tpu.memory_space<hbm>>
    tpu.enqueue_dma source(%dma_start3A_9 : memref<1x2x128xi32, #tpu.memory_space<hbm>>) target(%arg5 : memref<1x2x128xi32, #tpu.memory_space<vmem>>) target_semaphore(%arg12 : memref<!tpu.dma_semaphore, #tpu.memory_space<semaphore_mem>>)
    %dma_wait3A = arith.constant 0 : i32
    %dma_wait3A_10 = arith.constant 0 : i32
    %dma_wait3A_11 = arith.constant 0 : i32
    %dma_wait3A_12 = tpu.memref_slice %arg2[%add3A, %dma_wait3A, %dma_wait3A_10, %dma_wait3A_11] : memref<32x80x2x128xi32, #tpu.memory_space<hbm>> -> memref<1x1x2x128xi32, #tpu.memory_space<hbm>>
    %dma_wait3A_13 = tpu.memref_squeeze %dma_wait3A_12 : memref<1x1x2x128xi32, #tpu.memory_space<hbm>> -> memref<1x2x128xi32, #tpu.memory_space<hbm>>
    %dma_wait3A_14 = arith.constant 0 : i32
    %dma_wait3A_15 = arith.constant 0 : i32
    %dma_wait3A_16 = arith.constant 0 : i32
    %dma_wait3A_17 = tpu.memref_slice %arg2[%add3A, %dma_wait3A_14, %dma_wait3A_15, %dma_wait3A_16] : memref<32x80x2x128xi32, #tpu.memory_space<hbm>> -> memref<1x1x2x128xi32, #tpu.memory_space<hbm>>
    %dma_wait3A_18 = tpu.memref_squeeze %dma_wait3A_17 : memref<1x1x2x128xi32, #tpu.memory_space<hbm>> -> memref<1x2x128xi32, #tpu.memory_space<hbm>>
    tpu.wait_dma2 semaphore(%arg12 : memref<!tpu.dma_semaphore, #tpu.memory_space<semaphore_mem>>) src(%dma_wait3A_18 : memref<1x2x128xi32, #tpu.memory_space<hbm>>) dst(%arg5 : memref<1x2x128xi32, #tpu.memory_space<vmem>>)
    %dma_start3A_19 = arith.constant 0 : i32
    %dma_start3A_20 = arith.constant 0 : i32
    %dma_start3A_21 = arith.constant 0 : i32
    %dma_start3A_22 = tpu.memref_slice %arg5[%dma_start3A_19, %dma_start3A_20, %dma_start3A_21] : memref<1x2x128xi32, #tpu.memory_space<vmem>> -> memref<1x1x128xi32, #tpu.memory_space<vmem>>
    %dma_start3A_23 = tpu.memref_squeeze %dma_start3A_22 : memref<1x1x128xi32, #tpu.memory_space<vmem>> -> memref<128xi32, #tpu.memory_space<vmem>>
    %dma_start3A_24 = arith.constant 0 : i32
    %dma_start3A_25 = arith.constant 0 : i32
    %dma_start3A_26 = tpu.memref_slice %arg3[%dma_start3A_24, %dma_start3A_25] : memref<10000x128xf32, #tpu.memory_space<hbm>> -> memref<10000x128xf32, #tpu.memory_space<hbm>>
    tpu.enqueue_indirect_dma source(%dma_start3A_26 : memref<10000x128xf32, #tpu.memory_space<hbm>>) target(%arg9 : memref<128x128xf32, #tpu.memory_space<vmem>>) offsets(%dma_start3A_23 : memref<128xi32, #tpu.memory_space<vmem>>) semaphore(%arg16 : memref<!tpu.dma_semaphore, #tpu.memory_space<semaphore_mem>>)
    %dma_start3A_27 = arith.constant 1 : i32
    %dma_start3A_28 = arith.constant 0 : i32
    %dma_start3A_29 = arith.constant 0 : i32
    %dma_start3A_30 = tpu.memref_slice %arg2[%add3A, %dma_start3A_27, %dma_start3A_28, %dma_start3A_29] : memref<32x80x2x128xi32, #tpu.memory_space<hbm>> -> memref<1x1x2x128xi32, #tpu.memory_space<hbm>>
    %dma_start3A_31 = tpu.memref_squeeze %dma_start3A_30 : memref<1x1x2x128xi32, #tpu.memory_space<hbm>> -> memref<1x2x128xi32, #tpu.memory_space<hbm>>
    %dma_start3A_32 = arith.constant 1 : i32
    %dma_start3A_33 = arith.constant 0 : i32
    %dma_start3A_34 = arith.constant 0 : i32
    %dma_start3A_35 = tpu.memref_slice %arg2[%add3A, %dma_start3A_32, %dma_start3A_33, %dma_start3A_34] : memref<32x80x2x128xi32, #tpu.memory_space<hbm>> -> memref<1x1x2x128xi32, #tpu.memory_space<hbm>>
    %dma_start3A_36 = tpu.memref_squeeze %dma_start3A_35 : memref<1x1x2x128xi32, #tpu.memory_space<hbm>> -> memref<1x2x128xi32, #tpu.memory_space<hbm>>
    tpu.enqueue_dma source(%dma_start3A_36 : memref<1x2x128xi32, #tpu.memory_space<hbm>>) target(%arg6 : memref<1x2x128xi32, #tpu.memory_space<vmem>>) target_semaphore(%arg13 : memref<!tpu.dma_semaphore, #tpu.memory_space<semaphore_mem>>)
    %scan3A = arith.constant 0 : i32
    %scan3A_37 = arith.constant 128 : i32
    %scan3A_38 = arith.addi %scan3A, %scan3A_37 : i32
    %scan3A_39 = arith.constant 1 : i32
    scf.for %scan3A_64 = %scan3A to %scan3A_38 step %scan3A_39  : i32 {
      %mul3A_65 = arith.constant 1 : i32
      %mul3A_66 = arith.muli %scan3A_64, %mul3A_65 : i32
      %add3A_67 = arith.constant 0 : i32
      %add3A_68 = arith.addi %add3A_67, %mul3A_66 : i32
      %scan3A_69 = arith.constant 0 : i32
      %scan3A_70 = arith.constant 8 : i32
      %scan3A_71 = arith.addi %scan3A_69, %scan3A_70 : i32
      %scan3A_72 = arith.constant 1 : i32
      scf.for %scan3A_74 = %scan3A_69 to %scan3A_71 step %scan3A_72  : i32 {
        %mul3A_75 = arith.constant 16 : i32
        %mul3A_76 = arith.muli %scan3A_74, %mul3A_75 : i32
        %add3A_77 = arith.constant 0 : i32
        %add3A_78 = arith.addi %add3A_77, %mul3A_76 : i32
        %broadcast_in_dim3A = arith.constant 0.000000e+00 : f32
        %broadcast_in_dim3A_79 = vector.broadcast %broadcast_in_dim3A : f32 to vector<1x16xf32>
        %swap3A = arith.index_cast %add3A_68 : i32 to index
        %swap3A_80 = arith.index_cast %add3A_78 : i32 to index
        %swap3A_81 = tpu.vector_load %arg10[%swap3A, %swap3A_80] {strides = array<i32>} : memref<128x128xf32, #tpu.memory_space<vmem>>, vector<1x16xf32>,
        %swap3A_82 = vector.shape_cast %swap3A_81 : vector<1x16xf32> to vector<1x16xf32>
        %swap3A_83 = vector.shape_cast %broadcast_in_dim3A_79 : vector<1x16xf32> to vector<1x16xf32>
        tpu.vector_store %arg10[%swap3A, %swap3A_80], %swap3A_83 {strides = array<i32>} : memref<128x128xf32, #tpu.memory_space<vmem>>, vector<1x16xf32>,
      }
      %scan3A_73 = arith.constant 8 : i32
    }
    %scan3A_40 = arith.constant 128 : i32
    %scan3A_41 = arith.constant 0 : i32
    %scan3A_42 = arith.constant 5 : i32
    %scan3A_43 = arith.addi %scan3A_41, %scan3A_42 : i32
    %scan3A_44 = arith.constant 1 : i32
    scf.for %scan3A_64 = %scan3A_41 to %scan3A_43 step %scan3A_44  : i32 {
      %mul3A_65 = arith.constant 1 : i32
      %mul3A_66 = arith.muli %scan3A_64, %mul3A_65 : i32
      %add3A_67 = arith.constant 0 : i32
      %add3A_68 = arith.addi %add3A_67, %mul3A_66 : i32
      %mul3A_69 = arith.constant 640 : i32
      %mul3A_70 = arith.muli %arg1, %mul3A_69 : i32
      %mul3A_71 = arith.constant 128 : i32
      %mul3A_72 = arith.muli %add3A_68, %mul3A_71 : i32
      %add3A_73 = arith.addi %mul3A_70, %mul3A_72 : i32
      "tpu.region"() ({
        %run_scoped3A = tpu.sem_alloc : memref<!tpu.dma_semaphore, #tpu.memory_space<semaphore_mem>>
        %dma_start3A_74 = arith.constant 0 : i32
        %dma_start3A_75 = tpu.memref_slice %arg11[%add3A_73, %dma_start3A_74] : memref<10240x128xf32, #tpu.memory_space<vmem_shared>> -> memref<128x128xf32, #tpu.memory_space<vmem_shared>>
        %dma_start3A_76 = arith.constant 0 : i32
        %dma_start3A_77 = tpu.memref_slice %arg11[%add3A_73, %dma_start3A_76] : memref<10240x128xf32, #tpu.memory_space<vmem_shared>> -> memref<128x128xf32, #tpu.memory_space<vmem_shared>>
        tpu.enqueue_dma source(%arg10 : memref<128x128xf32, #tpu.memory_space<vmem>>) target(%dma_start3A_77 : memref<128x128xf32, #tpu.memory_space<vmem_shared>>) target_semaphore(%run_scoped3A : memref<!tpu.dma_semaphore, #tpu.memory_space<semaphore_mem>>)
        %dma_wait3A_78 = arith.constant 0 : i32
        %dma_wait3A_79 = tpu.memref_slice %arg11[%add3A_73, %dma_wait3A_78] : memref<10240x128xf32, #tpu.memory_space<vmem_shared>> -> memref<128x128xf32, #tpu.memory_space<vmem_shared>>
        %dma_wait3A_80 = arith.constant 0 : i32
        %dma_wait3A_81 = tpu.memref_slice %arg11[%add3A_73, %dma_wait3A_80] : memref<10240x128xf32, #tpu.memory_space<vmem_shared>> -> memref<128x128xf32, #tpu.memory_space<vmem_shared>>
        tpu.wait_dma2 semaphore(%run_scoped3A : memref<!tpu.dma_semaphore, #tpu.memory_space<semaphore_mem>>) src(%arg10 : memref<128x128xf32, #tpu.memory_space<vmem>>) dst(%dma_wait3A_81 : memref<128x128xf32, #tpu.memory_space<vmem_shared>>)
        tpu.yield
      }) : () -> ()
    }
    %scan3A_45 = arith.constant 5 : i32
    %barrier3A = arith.constant 0 : index
    tpu.barrier barrier_id(%barrier3A)
    %scan3A_46 = arith.constant 0 : i32
    %scan3A_47 = arith.constant 20 : i32
    %scan3A_48 = arith.addi %scan3A_46, %scan3A_47 : i32
    %scan3A_49 = arith.constant 1 : i32
    scf.for %scan3A_64 = %scan3A_46 to %scan3A_48 step %scan3A_49  : i32 {
      %mul3A_65 = arith.constant 4 : i32
      %mul3A_66 = arith.muli %scan3A_64, %mul3A_65 : i32
      %add3A_67 = arith.constant 0 : i32
      %add3A_68 = arith.addi %add3A_67, %mul3A_66 : i32
      %ge3A = arith.constant 1 : i32
      %ge3A_69 = arith.cmpi sge, %add3A_68, %ge3A : i32
      %convert_element_type3A = arith.extui %ge3A_69 : i1 to i32
      %cond3A = arith.constant 0 : i32
      %cond3A_70 = arith.cmpi ne, %convert_element_type3A, %cond3A : i32
      scf.if %cond3A_70 {
        %dma_wait3A_239 = arith.constant 0 : i32
        %dma_wait3A_240 = arith.constant 1 : i32
        %dma_wait3A_241 = arith.constant 0 : i32
        %dma_wait3A_242 = tpu.memref_slice %arg8[%dma_wait3A_239, %dma_wait3A_240, %dma_wait3A_241] : memref<1x2x128xi32, #tpu.memory_space<vmem>> -> memref<1x1x128xi32, #tpu.memory_space<vmem>>
        %dma_wait3A_243 = tpu.memref_squeeze %dma_wait3A_242 : memref<1x1x128xi32, #tpu.memory_space<vmem>> -> memref<128xi32, #tpu.memory_space<vmem>>
        %dma_wait3A_244 = arith.constant 0 : i32
        %dma_wait3A_245 = arith.constant 0 : i32
        %dma_wait3A_246 = tpu.memref_slice %arg11[%dma_wait3A_244, %dma_wait3A_245] : memref<10240x128xf32, #tpu.memory_space<vmem_shared>> -> memref<10240x128xf32, #tpu.memory_space<vmem_shared>>
        tpu.wait_indirect_dma semaphore(%arg19 : memref<!tpu.dma_semaphore, #tpu.memory_space<semaphore_mem>>) src(%arg10 : memref<128x128xf32, #tpu.memory_space<vmem>>) dst(%dma_wait3A_246 : memref<10240x128xf32, #tpu.memory_space<vmem_shared>>)
      } else {
      }
      %add3A_71 = arith.constant 1 : i32
      %add3A_72 = arith.addi %add3A_68, %add3A_71 : i32
      %lt3A = arith.constant 80 : i32
      %lt3A_73 = arith.cmpi slt, %add3A_72, %lt3A : i32
      %convert_element_type3A_74 = arith.extui %lt3A_73 : i1 to i32
      %cond3A_75 = arith.constant 0 : i32
      %cond3A_76 = arith.cmpi ne, %convert_element_type3A_74, %cond3A_75 : i32
      scf.if %cond3A_76 {
        %add3A_239 = arith.constant 1 : i32
        %add3A_240 = arith.addi %add3A_68, %add3A_239 : i32
        %dma_wait3A_241 = arith.constant 0 : i32
        %dma_wait3A_242 = arith.constant 0 : i32
        %dma_wait3A_243 = tpu.memref_slice %arg2[%add3A, %add3A_240, %dma_wait3A_241, %dma_wait3A_242] : memref<32x80x2x128xi32, #tpu.memory_space<hbm>> -> memref<1x1x2x128xi32, #tpu.memory_space<hbm>>
        %dma_wait3A_244 = tpu.memref_squeeze %dma_wait3A_243 : memref<1x1x2x128xi32, #tpu.memory_space<hbm>> -> memref<1x2x128xi32, #tpu.memory_space<hbm>>
        %dma_wait3A_245 = arith.constant 0 : i32
        %dma_wait3A_246 = arith.constant 0 : i32
        %dma_wait3A_247 = tpu.memref_slice %arg2[%add3A, %add3A_240, %dma_wait3A_245, %dma_wait3A_246] : memref<32x80x2x128xi32, #tpu.memory_space<hbm>> -> memref<1x1x2x128xi32, #tpu.memory_space<hbm>>
        %dma_wait3A_248 = tpu.memref_squeeze %dma_wait3A_247 : memref<1x1x2x128xi32, #tpu.memory_space<hbm>> -> memref<1x2x128xi32, #tpu.memory_space<hbm>>
        tpu.wait_dma2 semaphore(%arg13 : memref<!tpu.dma_semaphore, #tpu.memory_space<semaphore_mem>>) src(%dma_wait3A_248 : memref<1x2x128xi32, #tpu.memory_space<hbm>>) dst(%arg6 : memref<1x2x128xi32, #tpu.memory_space<vmem>>)
      } else {
      }
      %dma_wait3A_77 = arith.constant 0 : i32
      %dma_wait3A_78 = arith.constant 0 : i32
      %dma_wait3A_79 = arith.constant 0 : i32
      %dma_wait3A_80 = tpu.memref_slice %arg5[%dma_wait3A_77, %dma_wait3A_78, %dma_wait3A_79] : memref<1x2x128xi32, #tpu.memory_space<vmem>> -> memref<1x1x128xi32, #tpu.memory_space<vmem>>
      %dma_wait3A_81 = tpu.memref_squeeze %dma_wait3A_80 : memref<1x1x128xi32, #tpu.memory_space<vmem>> -> memref<128xi32, #tpu.memory_space<vmem>>
      %dma_wait3A_82 = arith.constant 0 : i32
      %dma_wait3A_83 = arith.constant 0 : i32
      %dma_wait3A_84 = tpu.memref_slice %arg3[%dma_wait3A_82, %dma_wait3A_83] : memref<10000x128xf32, #tpu.memory_space<hbm>> -> memref<10000x128xf32, #tpu.memory_space<hbm>>
      tpu.wait_indirect_dma semaphore(%arg16 : memref<!tpu.dma_semaphore, #tpu.memory_space<semaphore_mem>>) src(%dma_wait3A_84 : memref<10000x128xf32, #tpu.memory_space<hbm>>) dst(%arg9 : memref<128x128xf32, #tpu.memory_space<vmem>>)
      %add3A_85 = arith.constant 1 : i32
      %add3A_86 = arith.addi %add3A_68, %add3A_85 : i32
      %lt3A_87 = arith.constant 80 : i32
      %lt3A_88 = arith.cmpi slt, %add3A_86, %lt3A_87 : i32
      %convert_element_type3A_89 = arith.extui %lt3A_88 : i1 to i32
      %cond3A_90 = arith.constant 0 : i32
      %cond3A_91 = arith.cmpi ne, %convert_element_type3A_89, %cond3A_90 : i32
      scf.if %cond3A_91 {
        %dma_start3A_239 = arith.constant 0 : i32
        %dma_start3A_240 = arith.constant 0 : i32
        %dma_start3A_241 = arith.constant 0 : i32
        %dma_start3A_242 = tpu.memref_slice %arg6[%dma_start3A_239, %dma_start3A_240, %dma_start3A_241] : memref<1x2x128xi32, #tpu.memory_space<vmem>> -> memref<1x1x128xi32, #tpu.memory_space<vmem>>
        %dma_start3A_243 = tpu.memref_squeeze %dma_start3A_242 : memref<1x1x128xi32, #tpu.memory_space<vmem>> -> memref<128xi32, #tpu.memory_space<vmem>>
        %dma_start3A_244 = arith.constant 0 : i32
        %dma_start3A_245 = arith.constant 0 : i32
        %dma_start3A_246 = tpu.memref_slice %arg3[%dma_start3A_244, %dma_start3A_245] : memref<10000x128xf32, #tpu.memory_space<hbm>> -> memref<10000x128xf32, #tpu.memory_space<hbm>>
        tpu.enqueue_indirect_dma source(%dma_start3A_246 : memref<10000x128xf32, #tpu.memory_space<hbm>>) target(%arg10 : memref<128x128xf32, #tpu.memory_space<vmem>>) offsets(%dma_start3A_243 : memref<128xi32, #tpu.memory_space<vmem>>) semaphore(%arg17 : memref<!tpu.dma_semaphore, #tpu.memory_space<semaphore_mem>>)
      } else {
      }
      %dma_start3A_92 = arith.constant 0 : i32
      %dma_start3A_93 = arith.constant 1 : i32
      %dma_start3A_94 = arith.constant 0 : i32
      %dma_start3A_95 = tpu.memref_slice %arg5[%dma_start3A_92, %dma_start3A_93, %dma_start3A_94] : memref<1x2x128xi32, #tpu.memory_space<vmem>> -> memref<1x1x128xi32, #tpu.memory_space<vmem>>
      %dma_start3A_96 = tpu.memref_squeeze %dma_start3A_95 : memref<1x1x128xi32, #tpu.memory_space<vmem>> -> memref<128xi32, #tpu.memory_space<vmem>>
      %dma_start3A_97 = arith.constant 0 : i32
      %dma_start3A_98 = arith.constant 0 : i32
      %dma_start3A_99 = tpu.memref_slice %arg11[%dma_start3A_97, %dma_start3A_98] : memref<10240x128xf32, #tpu.memory_space<vmem_shared>> -> memref<10240x128xf32, #tpu.memory_space<vmem_shared>>
      tpu.enqueue_indirect_dma source(%arg9 : memref<128x128xf32, #tpu.memory_space<vmem>>) target(%dma_start3A_99 : memref<10240x128xf32, #tpu.memory_space<vmem_shared>>) offsets(%dma_start3A_96 : memref<128xi32, #tpu.memory_space<vmem>>) semaphore(%arg18 : memref<!tpu.dma_semaphore, #tpu.memory_space<semaphore_mem>>) {add = true}
      %add3A_100 = arith.constant 2 : i32
      %add3A_101 = arith.addi %add3A_68, %add3A_100 : i32
      %lt3A_102 = arith.constant 80 : i32
      %lt3A_103 = arith.cmpi slt, %add3A_101, %lt3A_102 : i32
      %convert_element_type3A_104 = arith.extui %lt3A_103 : i1 to i32
      %cond3A_105 = arith.constant 0 : i32
      %cond3A_106 = arith.cmpi ne, %convert_element_type3A_104, %cond3A_105 : i32
      scf.if %cond3A_106 {
        %add3A_239 = arith.constant 2 : i32
        %add3A_240 = arith.addi %add3A_68, %add3A_239 : i32
        %dma_start3A_241 = arith.constant 0 : i32
        %dma_start3A_242 = arith.constant 0 : i32
        %dma_start3A_243 = tpu.memref_slice %arg2[%add3A, %add3A_240, %dma_start3A_241, %dma_start3A_242] : memref<32x80x2x128xi32, #tpu.memory_space<hbm>> -> memref<1x1x2x128xi32, #tpu.memory_space<hbm>>
        %dma_start3A_244 = tpu.memref_squeeze %dma_start3A_243 : memref<1x1x2x128xi32, #tpu.memory_space<hbm>> -> memref<1x2x128xi32, #tpu.memory_space<hbm>>
        %dma_start3A_245 = arith.constant 0 : i32
        %dma_start3A_246 = arith.constant 0 : i32
        %dma_start3A_247 = tpu.memref_slice %arg2[%add3A, %add3A_240, %dma_start3A_245, %dma_start3A_246] : memref<32x80x2x128xi32, #tpu.memory_space<hbm>> -> memref<1x1x2x128xi32, #tpu.memory_space<hbm>>
        %dma_start3A_248 = tpu.memref_squeeze %dma_start3A_247 : memref<1x1x2x128xi32, #tpu.memory_space<hbm>> -> memref<1x2x128xi32, #tpu.memory_space<hbm>>
        tpu.enqueue_dma source(%dma_start3A_248 : memref<1x2x128xi32, #tpu.memory_space<hbm>>) target(%arg7 : memref<1x2x128xi32, #tpu.memory_space<vmem>>) target_semaphore(%arg14 : memref<!tpu.dma_semaphore, #tpu.memory_space<semaphore_mem>>)
      } else {
      }
      %add3A_107 = arith.constant 1 : i32
      %add3A_108 = arith.addi %add3A_68, %add3A_107 : i32
      %ge3A_109 = arith.constant 1 : i32
      %ge3A_110 = arith.cmpi sge, %add3A_108, %ge3A_109 : i32
      %convert_element_type3A_111 = arith.extui %ge3A_110 : i1 to i32
      %cond3A_112 = arith.constant 0 : i32
      %cond3A_113 = arith.cmpi ne, %convert_element_type3A_111, %cond3A_112 : i32
      scf.if %cond3A_113 {
        %dma_wait3A_239 = arith.constant 0 : i32
        %dma_wait3A_240 = arith.constant 1 : i32
        %dma_wait3A_241 = arith.constant 0 : i32
        %dma_wait3A_242 = tpu.memref_slice %arg5[%dma_wait3A_239, %dma_wait3A_240, %dma_wait3A_241] : memref<1x2x128xi32, #tpu.memory_space<vmem>> -> memref<1x1x128xi32, #tpu.memory_space<vmem>>
        %dma_wait3A_243 = tpu.memref_squeeze %dma_wait3A_242 : memref<1x1x128xi32, #tpu.memory_space<vmem>> -> memref<128xi32, #tpu.memory_space<vmem>>
        %dma_wait3A_244 = arith.constant 0 : i32
        %dma_wait3A_245 = arith.constant 0 : i32
        %dma_wait3A_246 = tpu.memref_slice %arg11[%dma_wait3A_244, %dma_wait3A_245] : memref<10240x128xf32, #tpu.memory_space<vmem_shared>> -> memref<10240x128xf32, #tpu.memory_space<vmem_shared>>
        tpu.wait_indirect_dma semaphore(%arg18 : memref<!tpu.dma_semaphore, #tpu.memory_space<semaphore_mem>>) src(%arg9 : memref<128x128xf32, #tpu.memory_space<vmem>>) dst(%dma_wait3A_246 : memref<10240x128xf32, #tpu.memory_space<vmem_shared>>)
      } else {
      }
      %add3A_114 = arith.constant 1 : i32
      %add3A_115 = arith.addi %add3A_108, %add3A_114 : i32
      %lt3A_116 = arith.constant 80 : i32
      %lt3A_117 = arith.cmpi slt, %add3A_115, %lt3A_116 : i32
      %convert_element_type3A_118 = arith.extui %lt3A_117 : i1 to i32
      %cond3A_119 = arith.constant 0 : i32
      %cond3A_120 = arith.cmpi ne, %convert_element_type3A_118, %cond3A_119 : i32
      scf.if %cond3A_120 {
        %add3A_239 = arith.constant 1 : i32
        %add3A_240 = arith.addi %add3A_108, %add3A_239 : i32
        %dma_wait3A_241 = arith.constant 0 : i32
        %dma_wait3A_242 = arith.constant 0 : i32
        %dma_wait3A_243 = tpu.memref_slice %arg2[%add3A, %add3A_240, %dma_wait3A_241, %dma_wait3A_242] : memref<32x80x2x128xi32, #tpu.memory_space<hbm>> -> memref<1x1x2x128xi32, #tpu.memory_space<hbm>>
        %dma_wait3A_244 = tpu.memref_squeeze %dma_wait3A_243 : memref<1x1x2x128xi32, #tpu.memory_space<hbm>> -> memref<1x2x128xi32, #tpu.memory_space<hbm>>
        %dma_wait3A_245 = arith.constant 0 : i32
        %dma_wait3A_246 = arith.constant 0 : i32
        %dma_wait3A_247 = tpu.memref_slice %arg2[%add3A, %add3A_240, %dma_wait3A_245, %dma_wait3A_246] : memref<32x80x2x128xi32, #tpu.memory_space<hbm>> -> memref<1x1x2x128xi32, #tpu.memory_space<hbm>>
        %dma_wait3A_248 = tpu.memref_squeeze %dma_wait3A_247 : memref<1x1x2x128xi32, #tpu.memory_space<hbm>> -> memref<1x2x128xi32, #tpu.memory_space<hbm>>
        tpu.wait_dma2 semaphore(%arg14 : memref<!tpu.dma_semaphore, #tpu.memory_space<semaphore_mem>>) src(%dma_wait3A_248 : memref<1x2x128xi32, #tpu.memory_space<hbm>>) dst(%arg7 : memref<1x2x128xi32, #tpu.memory_space<vmem>>)
      } else {
      }
      %dma_wait3A_121 = arith.constant 0 : i32
      %dma_wait3A_122 = arith.constant 0 : i32
      %dma_wait3A_123 = arith.constant 0 : i32
      %dma_wait3A_124 = tpu.memref_slice %arg6[%dma_wait3A_121, %dma_wait3A_122, %dma_wait3A_123] : memref<1x2x128xi32, #tpu.memory_space<vmem>> -> memref<1x1x128xi32, #tpu.memory_space<vmem>>
      %dma_wait3A_125 = tpu.memref_squeeze %dma_wait3A_124 : memref<1x1x128xi32, #tpu.memory_space<vmem>> -> memref<128xi32, #tpu.memory_space<vmem>>
      %dma_wait3A_126 = arith.constant 0 : i32
      %dma_wait3A_127 = arith.constant 0 : i32
      %dma_wait3A_128 = tpu.memref_slice %arg3[%dma_wait3A_126, %dma_wait3A_127] : memref<10000x128xf32, #tpu.memory_space<hbm>> -> memref<10000x128xf32, #tpu.memory_space<hbm>>
      tpu.wait_indirect_dma semaphore(%arg17 : memref<!tpu.dma_semaphore, #tpu.memory_space<semaphore_mem>>) src(%dma_wait3A_128 : memref<10000x128xf32, #tpu.memory_space<hbm>>) dst(%arg10 : memref<128x128xf32, #tpu.memory_space<vmem>>)
      %add3A_129 = arith.constant 1 : i32
      %add3A_130 = arith.addi %add3A_108, %add3A_129 : i32
      %lt3A_131 = arith.constant 80 : i32
      %lt3A_132 = arith.cmpi slt, %add3A_130, %lt3A_131 : i32
      %convert_element_type3A_133 = arith.extui %lt3A_132 : i1 to i32
      %cond3A_134 = arith.constant 0 : i32
      %cond3A_135 = arith.cmpi ne, %convert_element_type3A_133, %cond3A_134 : i32
      scf.if %cond3A_135 {
        %dma_start3A_239 = arith.constant 0 : i32
        %dma_start3A_240 = arith.constant 0 : i32
        %dma_start3A_241 = arith.constant 0 : i32
        %dma_start3A_242 = tpu.memref_slice %arg7[%dma_start3A_239, %dma_start3A_240, %dma_start3A_241] : memref<1x2x128xi32, #tpu.memory_space<vmem>> -> memref<1x1x128xi32, #tpu.memory_space<vmem>>
        %dma_start3A_243 = tpu.memref_squeeze %dma_start3A_242 : memref<1x1x128xi32, #tpu.memory_space<vmem>> -> memref<128xi32, #tpu.memory_space<vmem>>
        %dma_start3A_244 = arith.constant 0 : i32
        %dma_start3A_245 = arith.constant 0 : i32
        %dma_start3A_246 = tpu.memref_slice %arg3[%dma_start3A_244, %dma_start3A_245] : memref<10000x128xf32, #tpu.memory_space<hbm>> -> memref<10000x128xf32, #tpu.memory_space<hbm>>
        tpu.enqueue_indirect_dma source(%dma_start3A_246 : memref<10000x128xf32, #tpu.memory_space<hbm>>) target(%arg9 : memref<128x128xf32, #tpu.memory_space<vmem>>) offsets(%dma_start3A_243 : memref<128xi32, #tpu.memory_space<vmem>>) semaphore(%arg16 : memref<!tpu.dma_semaphore, #tpu.memory_space<semaphore_mem>>)
      } else {
      }
      %dma_start3A_136 = arith.constant 0 : i32
      %dma_start3A_137 = arith.constant 1 : i32
      %dma_start3A_138 = arith.constant 0 : i32
      %dma_start3A_139 = tpu.memref_slice %arg6[%dma_start3A_136, %dma_start3A_137, %dma_start3A_138] : memref<1x2x128xi32, #tpu.memory_space<vmem>> -> memref<1x1x128xi32, #tpu.memory_space<vmem>>
      %dma_start3A_140 = tpu.memref_squeeze %dma_start3A_139 : memref<1x1x128xi32, #tpu.memory_space<vmem>> -> memref<128xi32, #tpu.memory_space<vmem>>
      %dma_start3A_141 = arith.constant 0 : i32
      %dma_start3A_142 = arith.constant 0 : i32
      %dma_start3A_143 = tpu.memref_slice %arg11[%dma_start3A_141, %dma_start3A_142] : memref<10240x128xf32, #tpu.memory_space<vmem_shared>> -> memref<10240x128xf32, #tpu.memory_space<vmem_shared>>
      tpu.enqueue_indirect_dma source(%arg10 : memref<128x128xf32, #tpu.memory_space<vmem>>) target(%dma_start3A_143 : memref<10240x128xf32, #tpu.memory_space<vmem_shared>>) offsets(%dma_start3A_140 : memref<128xi32, #tpu.memory_space<vmem>>) semaphore(%arg19 : memref<!tpu.dma_semaphore, #tpu.memory_space<semaphore_mem>>) {add = true}
      %add3A_144 = arith.constant 2 : i32
      %add3A_145 = arith.addi %add3A_108, %add3A_144 : i32
      %lt3A_146 = arith.constant 80 : i32
      %lt3A_147 = arith.cmpi slt, %add3A_145, %lt3A_146 : i32
      %convert_element_type3A_148 = arith.extui %lt3A_147 : i1 to i32
      %cond3A_149 = arith.constant 0 : i32
      %cond3A_150 = arith.cmpi ne, %convert_element_type3A_148, %cond3A_149 : i32
      scf.if %cond3A_150 {
        %add3A_239 = arith.constant 2 : i32
        %add3A_240 = arith.addi %add3A_108, %add3A_239 : i32
        %dma_start3A_241 = arith.constant 0 : i32
        %dma_start3A_242 = arith.constant 0 : i32
        %dma_start3A_243 = tpu.memref_slice %arg2[%add3A, %add3A_240, %dma_start3A_241, %dma_start3A_242] : memref<32x80x2x128xi32, #tpu.memory_space<hbm>> -> memref<1x1x2x128xi32, #tpu.memory_space<hbm>>
        %dma_start3A_244 = tpu.memref_squeeze %dma_start3A_243 : memref<1x1x2x128xi32, #tpu.memory_space<hbm>> -> memref<1x2x128xi32, #tpu.memory_space<hbm>>
        %dma_start3A_245 = arith.constant 0 : i32
        %dma_start3A_246 = arith.constant 0 : i32
        %dma_start3A_247 = tpu.memref_slice %arg2[%add3A, %add3A_240, %dma_start3A_245, %dma_start3A_246] : memref<32x80x2x128xi32, #tpu.memory_space<hbm>> -> memref<1x1x2x128xi32, #tpu.memory_space<hbm>>
        %dma_start3A_248 = tpu.memref_squeeze %dma_start3A_247 : memref<1x1x2x128xi32, #tpu.memory_space<hbm>> -> memref<1x2x128xi32, #tpu.memory_space<hbm>>
        tpu.enqueue_dma source(%dma_start3A_248 : memref<1x2x128xi32, #tpu.memory_space<hbm>>) target(%arg8 : memref<1x2x128xi32, #tpu.memory_space<vmem>>) target_semaphore(%arg15 : memref<!tpu.dma_semaphore, #tpu.memory_space<semaphore_mem>>)
      } else {
      }
      %add3A_151 = arith.constant 2 : i32
      %add3A_152 = arith.addi %add3A_68, %add3A_151 : i32
      %ge3A_153 = arith.constant 1 : i32
      %ge3A_154 = arith.cmpi sge, %add3A_152, %ge3A_153 : i32
      %convert_element_type3A_155 = arith.extui %ge3A_154 : i1 to i32
      %cond3A_156 = arith.constant 0 : i32
      %cond3A_157 = arith.cmpi ne, %convert_element_type3A_155, %cond3A_156 : i32
      scf.if %cond3A_157 {
        %dma_wait3A_239 = arith.constant 0 : i32
        %dma_wait3A_240 = arith.constant 1 : i32
        %dma_wait3A_241 = arith.constant 0 : i32
        %dma_wait3A_242 = tpu.memref_slice %arg6[%dma_wait3A_239, %dma_wait3A_240, %dma_wait3A_241] : memref<1x2x128xi32, #tpu.memory_space<vmem>> -> memref<1x1x128xi32, #tpu.memory_space<vmem>>
        %dma_wait3A_243 = tpu.memref_squeeze %dma_wait3A_242 : memref<1x1x128xi32, #tpu.memory_space<vmem>> -> memref<128xi32, #tpu.memory_space<vmem>>
        %dma_wait3A_244 = arith.constant 0 : i32
        %dma_wait3A_245 = arith.constant 0 : i32
        %dma_wait3A_246 = tpu.memref_slice %arg11[%dma_wait3A_244, %dma_wait3A_245] : memref<10240x128xf32, #tpu.memory_space<vmem_shared>> -> memref<10240x128xf32, #tpu.memory_space<vmem_shared>>
        tpu.wait_indirect_dma semaphore(%arg19 : memref<!tpu.dma_semaphore, #tpu.memory_space<semaphore_mem>>) src(%arg10 : memref<128x128xf32, #tpu.memory_space<vmem>>) dst(%dma_wait3A_246 : memref<10240x128xf32, #tpu.memory_space<vmem_shared>>)
      } else {
      }
      %add3A_158 = arith.constant 1 : i32
      %add3A_159 = arith.addi %add3A_152, %add3A_158 : i32
      %lt3A_160 = arith.constant 80 : i32
      %lt3A_161 = arith.cmpi slt, %add3A_159, %lt3A_160 : i32
      %convert_element_type3A_162 = arith.extui %lt3A_161 : i1 to i32
      %cond3A_163 = arith.constant 0 : i32
      %cond3A_164 = arith.cmpi ne, %convert_element_type3A_162, %cond3A_163 : i32
      scf.if %cond3A_164 {
        %add3A_239 = arith.constant 1 : i32
        %add3A_240 = arith.addi %add3A_152, %add3A_239 : i32
        %dma_wait3A_241 = arith.constant 0 : i32
        %dma_wait3A_242 = arith.constant 0 : i32
        %dma_wait3A_243 = tpu.memref_slice %arg2[%add3A, %add3A_240, %dma_wait3A_241, %dma_wait3A_242] : memref<32x80x2x128xi32, #tpu.memory_space<hbm>> -> memref<1x1x2x128xi32, #tpu.memory_space<hbm>>
        %dma_wait3A_244 = tpu.memref_squeeze %dma_wait3A_243 : memref<1x1x2x128xi32, #tpu.memory_space<hbm>> -> memref<1x2x128xi32, #tpu.memory_space<hbm>>
        %dma_wait3A_245 = arith.constant 0 : i32
        %dma_wait3A_246 = arith.constant 0 : i32
        %dma_wait3A_247 = tpu.memref_slice %arg2[%add3A, %add3A_240, %dma_wait3A_245, %dma_wait3A_246] : memref<32x80x2x128xi32, #tpu.memory_space<hbm>> -> memref<1x1x2x128xi32, #tpu.memory_space<hbm>>
        %dma_wait3A_248 = tpu.memref_squeeze %dma_wait3A_247 : memref<1x1x2x128xi32, #tpu.memory_space<hbm>> -> memref<1x2x128xi32, #tpu.memory_space<hbm>>
        tpu.wait_dma2 semaphore(%arg15 : memref<!tpu.dma_semaphore, #tpu.memory_space<semaphore_mem>>) src(%dma_wait3A_248 : memref<1x2x128xi32, #tpu.memory_space<hbm>>) dst(%arg8 : memref<1x2x128xi32, #tpu.memory_space<vmem>>)
      } else {
      }
      %dma_wait3A_165 = arith.constant 0 : i32
      %dma_wait3A_166 = arith.constant 0 : i32
      %dma_wait3A_167 = arith.constant 0 : i32
      %dma_wait3A_168 = tpu.memref_slice %arg7[%dma_wait3A_165, %dma_wait3A_166, %dma_wait3A_167] : memref<1x2x128xi32, #tpu.memory_space<vmem>> -> memref<1x1x128xi32, #tpu.memory_space<vmem>>
      %dma_wait3A_169 = tpu.memref_squeeze %dma_wait3A_168 : memref<1x1x128xi32, #tpu.memory_space<vmem>> -> memref<128xi32, #tpu.memory_space<vmem>>
      %dma_wait3A_170 = arith.constant 0 : i32
      %dma_wait3A_171 = arith.constant 0 : i32
      %dma_wait3A_172 = tpu.memref_slice %arg3[%dma_wait3A_170, %dma_wait3A_171] : memref<10000x128xf32, #tpu.memory_space<hbm>> -> memref<10000x128xf32, #tpu.memory_space<hbm>>
      tpu.wait_indirect_dma semaphore(%arg16 : memref<!tpu.dma_semaphore, #tpu.memory_space<semaphore_mem>>) src(%dma_wait3A_172 : memref<10000x128xf32, #tpu.memory_space<hbm>>) dst(%arg9 : memref<128x128xf32, #tpu.memory_space<vmem>>)
      %add3A_173 = arith.constant 1 : i32
      %add3A_174 = arith.addi %add3A_152, %add3A_173 : i32
      %lt3A_175 = arith.constant 80 : i32
      %lt3A_176 = arith.cmpi slt, %add3A_174, %lt3A_175 : i32
      %convert_element_type3A_177 = arith.extui %lt3A_176 : i1 to i32
      %cond3A_178 = arith.constant 0 : i32
      %cond3A_179 = arith.cmpi ne, %convert_element_type3A_177, %cond3A_178 : i32
      scf.if %cond3A_179 {
        %dma_start3A_239 = arith.constant 0 : i32
        %dma_start3A_240 = arith.constant 0 : i32
        %dma_start3A_241 = arith.constant 0 : i32
        %dma_start3A_242 = tpu.memref_slice %arg8[%dma_start3A_239, %dma_start3A_240, %dma_start3A_241] : memref<1x2x128xi32, #tpu.memory_space<vmem>> -> memref<1x1x128xi32, #tpu.memory_space<vmem>>
        %dma_start3A_243 = tpu.memref_squeeze %dma_start3A_242 : memref<1x1x128xi32, #tpu.memory_space<vmem>> -> memref<128xi32, #tpu.memory_space<vmem>>
        %dma_start3A_244 = arith.constant 0 : i32
        %dma_start3A_245 = arith.constant 0 : i32
        %dma_start3A_246 = tpu.memref_slice %arg3[%dma_start3A_244, %dma_start3A_245] : memref<10000x128xf32, #tpu.memory_space<hbm>> -> memref<10000x128xf32, #tpu.memory_space<hbm>>
        tpu.enqueue_indirect_dma source(%dma_start3A_246 : memref<10000x128xf32, #tpu.memory_space<hbm>>) target(%arg10 : memref<128x128xf32, #tpu.memory_space<vmem>>) offsets(%dma_start3A_243 : memref<128xi32, #tpu.memory_space<vmem>>) semaphore(%arg17 : memref<!tpu.dma_semaphore, #tpu.memory_space<semaphore_mem>>)
      } else {
      }
      %dma_start3A_180 = arith.constant 0 : i32
      %dma_start3A_181 = arith.constant 1 : i32
      %dma_start3A_182 = arith.constant 0 : i32
      %dma_start3A_183 = tpu.memref_slice %arg7[%dma_start3A_180, %dma_start3A_181, %dma_start3A_182] : memref<1x2x128xi32, #tpu.memory_space<vmem>> -> memref<1x1x128xi32, #tpu.memory_space<vmem>>
      %dma_start3A_184 = tpu.memref_squeeze %dma_start3A_183 : memref<1x1x128xi32, #tpu.memory_space<vmem>> -> memref<128xi32, #tpu.memory_space<vmem>>
      %dma_start3A_185 = arith.constant 0 : i32
      %dma_start3A_186 = arith.constant 0 : i32
      %dma_start3A_187 = tpu.memref_slice %arg11[%dma_start3A_185, %dma_start3A_186] : memref<10240x128xf32, #tpu.memory_space<vmem_shared>> -> memref<10240x128xf32, #tpu.memory_space<vmem_shared>>
      tpu.enqueue_indirect_dma source(%arg9 : memref<128x128xf32, #tpu.memory_space<vmem>>) target(%dma_start3A_187 : memref<10240x128xf32, #tpu.memory_space<vmem_shared>>) offsets(%dma_start3A_184 : memref<128xi32, #tpu.memory_space<vmem>>) semaphore(%arg18 : memref<!tpu.dma_semaphore, #tpu.memory_space<semaphore_mem>>) {add = true}
      %add3A_188 = arith.constant 2 : i32
      %add3A_189 = arith.addi %add3A_152, %add3A_188 : i32
      %lt3A_190 = arith.constant 80 : i32
      %lt3A_191 = arith.cmpi slt, %add3A_189, %lt3A_190 : i32
      %convert_element_type3A_192 = arith.extui %lt3A_191 : i1 to i32
      %cond3A_193 = arith.constant 0 : i32
      %cond3A_194 = arith.cmpi ne, %convert_element_type3A_192, %cond3A_193 : i32
      scf.if %cond3A_194 {
        %add3A_239 = arith.constant 2 : i32
        %add3A_240 = arith.addi %add3A_152, %add3A_239 : i32
        %dma_start3A_241 = arith.constant 0 : i32
        %dma_start3A_242 = arith.constant 0 : i32
        %dma_start3A_243 = tpu.memref_slice %arg2[%add3A, %add3A_240, %dma_start3A_241, %dma_start3A_242] : memref<32x80x2x128xi32, #tpu.memory_space<hbm>> -> memref<1x1x2x128xi32, #tpu.memory_space<hbm>>
        %dma_start3A_244 = tpu.memref_squeeze %dma_start3A_243 : memref<1x1x2x128xi32, #tpu.memory_space<hbm>> -> memref<1x2x128xi32, #tpu.memory_space<hbm>>
        %dma_start3A_245 = arith.constant 0 : i32
        %dma_start3A_246 = arith.constant 0 : i32
        %dma_start3A_247 = tpu.memref_slice %arg2[%add3A, %add3A_240, %dma_start3A_245, %dma_start3A_246] : memref<32x80x2x128xi32, #tpu.memory_space<hbm>> -> memref<1x1x2x128xi32, #tpu.memory_space<hbm>>
        %dma_start3A_248 = tpu.memref_squeeze %dma_start3A_247 : memref<1x1x2x128xi32, #tpu.memory_space<hbm>> -> memref<1x2x128xi32, #tpu.memory_space<hbm>>
        tpu.enqueue_dma source(%dma_start3A_248 : memref<1x2x128xi32, #tpu.memory_space<hbm>>) target(%arg5 : memref<1x2x128xi32, #tpu.memory_space<vmem>>) target_semaphore(%arg12 : memref<!tpu.dma_semaphore, #tpu.memory_space<semaphore_mem>>)
      } else {
      }
      %add3A_195 = arith.constant 3 : i32
      %add3A_196 = arith.addi %add3A_68, %add3A_195 : i32
      %ge3A_197 = arith.constant 1 : i32
      %ge3A_198 = arith.cmpi sge, %add3A_196, %ge3A_197 : i32
      %convert_element_type3A_199 = arith.extui %ge3A_198 : i1 to i32
      %cond3A_200 = arith.constant 0 : i32
      %cond3A_201 = arith.cmpi ne, %convert_element_type3A_199, %cond3A_200 : i32
      scf.if %cond3A_201 {
        %dma_wait3A_239 = arith.constant 0 : i32
        %dma_wait3A_240 = arith.constant 1 : i32
        %dma_wait3A_241 = arith.constant 0 : i32
        %dma_wait3A_242 = tpu.memref_slice %arg7[%dma_wait3A_239, %dma_wait3A_240, %dma_wait3A_241] : memref<1x2x128xi32, #tpu.memory_space<vmem>> -> memref<1x1x128xi32, #tpu.memory_space<vmem>>
        %dma_wait3A_243 = tpu.memref_squeeze %dma_wait3A_242 : memref<1x1x128xi32, #tpu.memory_space<vmem>> -> memref<128xi32, #tpu.memory_space<vmem>>
        %dma_wait3A_244 = arith.constant 0 : i32
        %dma_wait3A_245 = arith.constant 0 : i32
        %dma_wait3A_246 = tpu.memref_slice %arg11[%dma_wait3A_244, %dma_wait3A_245] : memref<10240x128xf32, #tpu.memory_space<vmem_shared>> -> memref<10240x128xf32, #tpu.memory_space<vmem_shared>>
        tpu.wait_indirect_dma semaphore(%arg18 : memref<!tpu.dma_semaphore, #tpu.memory_space<semaphore_mem>>) src(%arg9 : memref<128x128xf32, #tpu.memory_space<vmem>>) dst(%dma_wait3A_246 : memref<10240x128xf32, #tpu.memory_space<vmem_shared>>)
      } else {
      }
      %add3A_202 = arith.constant 1 : i32
      %add3A_203 = arith.addi %add3A_196, %add3A_202 : i32
      %lt3A_204 = arith.constant 80 : i32
      %lt3A_205 = arith.cmpi slt, %add3A_203, %lt3A_204 : i32
      %convert_element_type3A_206 = arith.extui %lt3A_205 : i1 to i32
      %cond3A_207 = arith.constant 0 : i32
      %cond3A_208 = arith.cmpi ne, %convert_element_type3A_206, %cond3A_207 : i32
      scf.if %cond3A_208 {
        %add3A_239 = arith.constant 1 : i32
        %add3A_240 = arith.addi %add3A_196, %add3A_239 : i32
        %dma_wait3A_241 = arith.constant 0 : i32
        %dma_wait3A_242 = arith.constant 0 : i32
        %dma_wait3A_243 = tpu.memref_slice %arg2[%add3A, %add3A_240, %dma_wait3A_241, %dma_wait3A_242] : memref<32x80x2x128xi32, #tpu.memory_space<hbm>> -> memref<1x1x2x128xi32, #tpu.memory_space<hbm>>
        %dma_wait3A_244 = tpu.memref_squeeze %dma_wait3A_243 : memref<1x1x2x128xi32, #tpu.memory_space<hbm>> -> memref<1x2x128xi32, #tpu.memory_space<hbm>>
        %dma_wait3A_245 = arith.constant 0 : i32
        %dma_wait3A_246 = arith.constant 0 : i32
        %dma_wait3A_247 = tpu.memref_slice %arg2[%add3A, %add3A_240, %dma_wait3A_245, %dma_wait3A_246] : memref<32x80x2x128xi32, #tpu.memory_space<hbm>> -> memref<1x1x2x128xi32, #tpu.memory_space<hbm>>
        %dma_wait3A_248 = tpu.memref_squeeze %dma_wait3A_247 : memref<1x1x2x128xi32, #tpu.memory_space<hbm>> -> memref<1x2x128xi32, #tpu.memory_space<hbm>>
        tpu.wait_dma2 semaphore(%arg12 : memref<!tpu.dma_semaphore, #tpu.memory_space<semaphore_mem>>) src(%dma_wait3A_248 : memref<1x2x128xi32, #tpu.memory_space<hbm>>) dst(%arg5 : memref<1x2x128xi32, #tpu.memory_space<vmem>>)
      } else {
      }
      %dma_wait3A_209 = arith.constant 0 : i32
      %dma_wait3A_210 = arith.constant 0 : i32
      %dma_wait3A_211 = arith.constant 0 : i32
      %dma_wait3A_212 = tpu.memref_slice %arg8[%dma_wait3A_209, %dma_wait3A_210, %dma_wait3A_211] : memref<1x2x128xi32, #tpu.memory_space<vmem>> -> memref<1x1x128xi32, #tpu.memory_space<vmem>>
      %dma_wait3A_213 = tpu.memref_squeeze %dma_wait3A_212 : memref<1x1x128xi32, #tpu.memory_space<vmem>> -> memref<128xi32, #tpu.memory_space<vmem>>
      %dma_wait3A_214 = arith.constant 0 : i32
      %dma_wait3A_215 = arith.constant 0 : i32
      %dma_wait3A_216 = tpu.memref_slice %arg3[%dma_wait3A_214, %dma_wait3A_215] : memref<10000x128xf32, #tpu.memory_space<hbm>> -> memref<10000x128xf32, #tpu.memory_space<hbm>>
      tpu.wait_indirect_dma semaphore(%arg17 : memref<!tpu.dma_semaphore, #tpu.memory_space<semaphore_mem>>) src(%dma_wait3A_216 : memref<10000x128xf32, #tpu.memory_space<hbm>>) dst(%arg10 : memref<128x128xf32, #tpu.memory_space<vmem>>)
      %add3A_217 = arith.constant 1 : i32
      %add3A_218 = arith.addi %add3A_196, %add3A_217 : i32
      %lt3A_219 = arith.constant 80 : i32
      %lt3A_220 = arith.cmpi slt, %add3A_218, %lt3A_219 : i32
      %convert_element_type3A_221 = arith.extui %lt3A_220 : i1 to i32
      %cond3A_222 = arith.constant 0 : i32
      %cond3A_223 = arith.cmpi ne, %convert_element_type3A_221, %cond3A_222 : i32
      scf.if %cond3A_223 {
        %dma_start3A_239 = arith.constant 0 : i32
        %dma_start3A_240 = arith.constant 0 : i32
        %dma_start3A_241 = arith.constant 0 : i32
        %dma_start3A_242 = tpu.memref_slice %arg5[%dma_start3A_239, %dma_start3A_240, %dma_start3A_241] : memref<1x2x128xi32, #tpu.memory_space<vmem>> -> memref<1x1x128xi32, #tpu.memory_space<vmem>>
        %dma_start3A_243 = tpu.memref_squeeze %dma_start3A_242 : memref<1x1x128xi32, #tpu.memory_space<vmem>> -> memref<128xi32, #tpu.memory_space<vmem>>
        %dma_start3A_244 = arith.constant 0 : i32
        %dma_start3A_245 = arith.constant 0 : i32
        %dma_start3A_246 = tpu.memref_slice %arg3[%dma_start3A_244, %dma_start3A_245] : memref<10000x128xf32, #tpu.memory_space<hbm>> -> memref<10000x128xf32, #tpu.memory_space<hbm>>
        tpu.enqueue_indirect_dma source(%dma_start3A_246 : memref<10000x128xf32, #tpu.memory_space<hbm>>) target(%arg9 : memref<128x128xf32, #tpu.memory_space<vmem>>) offsets(%dma_start3A_243 : memref<128xi32, #tpu.memory_space<vmem>>) semaphore(%arg16 : memref<!tpu.dma_semaphore, #tpu.memory_space<semaphore_mem>>)
      } else {
      }
      %dma_start3A_224 = arith.constant 0 : i32
      %dma_start3A_225 = arith.constant 1 : i32
      %dma_start3A_226 = arith.constant 0 : i32
      %dma_start3A_227 = tpu.memref_slice %arg8[%dma_start3A_224, %dma_start3A_225, %dma_start3A_226] : memref<1x2x128xi32, #tpu.memory_space<vmem>> -> memref<1x1x128xi32, #tpu.memory_space<vmem>>
      %dma_start3A_228 = tpu.memref_squeeze %dma_start3A_227 : memref<1x1x128xi32, #tpu.memory_space<vmem>> -> memref<128xi32, #tpu.memory_space<vmem>>
      %dma_start3A_229 = arith.constant 0 : i32
      %dma_start3A_230 = arith.constant 0 : i32
      %dma_start3A_231 = tpu.memref_slice %arg11[%dma_start3A_229, %dma_start3A_230] : memref<10240x128xf32, #tpu.memory_space<vmem_shared>> -> memref<10240x128xf32, #tpu.memory_space<vmem_shared>>
      tpu.enqueue_indirect_dma source(%arg10 : memref<128x128xf32, #tpu.memory_space<vmem>>) target(%dma_start3A_231 : memref<10240x128xf32, #tpu.memory_space<vmem_shared>>) offsets(%dma_start3A_228 : memref<128xi32, #tpu.memory_space<vmem>>) semaphore(%arg19 : memref<!tpu.dma_semaphore, #tpu.memory_space<semaphore_mem>>) {add = true}
      %add3A_232 = arith.constant 2 : i32
      %add3A_233 = arith.addi %add3A_196, %add3A_232 : i32
      %lt3A_234 = arith.constant 80 : i32
      %lt3A_235 = arith.cmpi slt, %add3A_233, %lt3A_234 : i32
      %convert_element_type3A_236 = arith.extui %lt3A_235 : i1 to i32
      %cond3A_237 = arith.constant 0 : i32
      %cond3A_238 = arith.cmpi ne, %convert_element_type3A_236, %cond3A_237 : i32
      scf.if %cond3A_238 {
        %add3A_239 = arith.constant 2 : i32
        %add3A_240 = arith.addi %add3A_196, %add3A_239 : i32
        %dma_start3A_241 = arith.constant 0 : i32
        %dma_start3A_242 = arith.constant 0 : i32
        %dma_start3A_243 = tpu.memref_slice %arg2[%add3A, %add3A_240, %dma_start3A_241, %dma_start3A_242] : memref<32x80x2x128xi32, #tpu.memory_space<hbm>> -> memref<1x1x2x128xi32, #tpu.memory_space<hbm>>
        %dma_start3A_244 = tpu.memref_squeeze %dma_start3A_243 : memref<1x1x2x128xi32, #tpu.memory_space<hbm>> -> memref<1x2x128xi32, #tpu.memory_space<hbm>>
        %dma_start3A_245 = arith.constant 0 : i32
        %dma_start3A_246 = arith.constant 0 : i32
        %dma_start3A_247 = tpu.memref_slice %arg2[%add3A, %add3A_240, %dma_start3A_245, %dma_start3A_246] : memref<32x80x2x128xi32, #tpu.memory_space<hbm>> -> memref<1x1x2x128xi32, #tpu.memory_space<hbm>>
        %dma_start3A_248 = tpu.memref_squeeze %dma_start3A_247 : memref<1x1x2x128xi32, #tpu.memory_space<hbm>> -> memref<1x2x128xi32, #tpu.memory_space<hbm>>
        tpu.enqueue_dma source(%dma_start3A_248 : memref<1x2x128xi32, #tpu.memory_space<hbm>>) target(%arg6 : memref<1x2x128xi32, #tpu.memory_space<vmem>>) target_semaphore(%arg13 : memref<!tpu.dma_semaphore, #tpu.memory_space<semaphore_mem>>)
      } else {
      }
    }
    %scan3A_50 = arith.constant 20 : i32
    %dma_wait3A_51 = arith.constant 0 : i32
    %dma_wait3A_52 = arith.constant 1 : i32
    %dma_wait3A_53 = arith.constant 0 : i32
    %dma_wait3A_54 = tpu.memref_slice %arg8[%dma_wait3A_51, %dma_wait3A_52, %dma_wait3A_53] : memref<1x2x128xi32, #tpu.memory_space<vmem>> -> memref<1x1x128xi32, #tpu.memory_space<vmem>>
    %dma_wait3A_55 = tpu.memref_squeeze %dma_wait3A_54 : memref<1x1x128xi32, #tpu.memory_space<vmem>> -> memref<128xi32, #tpu.memory_space<vmem>>
    %dma_wait3A_56 = arith.constant 0 : i32
    %dma_wait3A_57 = arith.constant 0 : i32
    %dma_wait3A_58 = tpu.memref_slice %arg11[%dma_wait3A_56, %dma_wait3A_57] : memref<10240x128xf32, #tpu.memory_space<vmem_shared>> -> memref<10240x128xf32, #tpu.memory_space<vmem_shared>>
    tpu.wait_indirect_dma semaphore(%arg19 : memref<!tpu.dma_semaphore, #tpu.memory_space<semaphore_mem>>) src(%arg10 : memref<128x128xf32, #tpu.memory_space<vmem>>) dst(%dma_wait3A_58 : memref<10240x128xf32, #tpu.memory_space<vmem_shared>>)
    %barrier3A_59 = arith.constant 0 : index
    tpu.barrier barrier_id(%barrier3A_59)
    %mul3A_60 = arith.constant 640 : i32
    %mul3A_61 = arith.muli %arg1, %mul3A_60 : i32
    %mul3A_62 = arith.constant 640 : i32
    %mul3A_63 = arith.muli %arg1, %mul3A_62 : i32
    "tpu.region"() ({
      %run_scoped3A = tpu.sem_alloc : memref<!tpu.dma_semaphore, #tpu.memory_space<semaphore_mem>>
      %dma_start3A_64 = arith.constant 0 : i32
      %dma_start3A_65 = arith.constant 0 : i32
      %dma_start3A_66 = tpu.memref_slice %arg4[%arg0, %dma_start3A_64, %dma_start3A_65] : memref<2x10240x128xf32, #tpu.memory_space<hbm>> -> memref<1x10240x128xf32, #tpu.memory_space<hbm>>
      %dma_start3A_67 = tpu.memref_squeeze %dma_start3A_66 : memref<1x10240x128xf32, #tpu.memory_space<hbm>> -> memref<10240x128xf32, #tpu.memory_space<hbm>>
      %dma_start3A_68 = arith.constant 0 : i32
      %dma_start3A_69 = tpu.memref_slice %dma_start3A_67[%mul3A_63, %dma_start3A_68] : memref<10240x128xf32, #tpu.memory_space<hbm>> -> memref<640x128xf32, #tpu.memory_space<hbm>>
      %dma_start3A_70 = arith.constant 0 : i32
      %dma_start3A_71 = tpu.memref_slice %arg11[%mul3A_61, %dma_start3A_70] : memref<10240x128xf32, #tpu.memory_space<vmem_shared>> -> memref<640x128xf32, #tpu.memory_space<vmem_shared>>
      tpu.enqueue_dma source(%dma_start3A_71 : memref<640x128xf32, #tpu.memory_space<vmem_shared>>) target(%dma_start3A_69 : memref<640x128xf32, #tpu.memory_space<hbm>>) target_semaphore(%run_scoped3A : memref<!tpu.dma_semaphore, #tpu.memory_space<semaphore_mem>>)
      %dma_wait3A_72 = arith.constant 0 : i32
      %dma_wait3A_73 = arith.constant 0 : i32
      %dma_wait3A_74 = tpu.memref_slice %arg4[%arg0, %dma_wait3A_72, %dma_wait3A_73] : memref<2x10240x128xf32, #tpu.memory_space<hbm>> -> memref<1x10240x128xf32, #tpu.memory_space<hbm>>
      %dma_wait3A_75 = tpu.memref_squeeze %dma_wait3A_74 : memref<1x10240x128xf32, #tpu.memory_space<hbm>> -> memref<10240x128xf32, #tpu.memory_space<hbm>>
      %dma_wait3A_76 = arith.constant 0 : i32
      %dma_wait3A_77 = tpu.memref_slice %dma_wait3A_75[%mul3A_63, %dma_wait3A_76] : memref<10240x128xf32, #tpu.memory_space<hbm>> -> memref<640x128xf32, #tpu.memory_space<hbm>>
      %dma_wait3A_78 = arith.constant 0 : i32
      %dma_wait3A_79 = tpu.memref_slice %arg11[%mul3A_61, %dma_wait3A_78] : memref<10240x128xf32, #tpu.memory_space<vmem_shared>> -> memref<640x128xf32, #tpu.memory_space<vmem_shared>>
      tpu.wait_dma2 semaphore(%run_scoped3A : memref<!tpu.dma_semaphore, #tpu.memory_space<semaphore_mem>>) src(%dma_wait3A_79 : memref<640x128xf32, #tpu.memory_space<vmem_shared>>) dst(%dma_wait3A_77 : memref<640x128xf32, #tpu.memory_space<hbm>>)
      tpu.yield
    }) : () -> ()
    return
  }
}

#map = affine_map<(d0, d1) -> (0, 0, 0, 0)>
#map1 = affine_map<(d0, d1) -> (0, 0)>
#map2 = affine_map<(d0, d1) -> (0, 0, 0)>
module attributes {stable_mosaic.version = 14 : i64} {
  func.func @_sc_agg_kernel(%arg0: i32, %arg1: i32, %arg2: memref<32x80x2x128xi32, #tpu.memory_space<hbm>>, %arg3: memref<10000x128xf32, #tpu.memory_space<hbm>>, %arg4: memref<2x10240x128xf32, #tpu.memory_space<hbm>>, %arg5: memref<1x2x128xi32, #tpu.memory_space<vmem>>, %arg6: memref<1x2x128xi32, #tpu.memory_space<vmem>>, %arg7: memref<1x2x128xi32, #tpu.memory_space<vmem>>, %arg8: memref<1x2x128xi32, #tpu.memory_space<vmem>>, %arg9: memref<128x128xf32, #tpu.memory_space<vmem>>, %arg10: memref<128x128xf32, #tpu.memory_space<vmem>>, %arg11: memref<10240x128xf32, #tpu.memory_space<vmem_shared>>, %arg12: memref<!tpu.dma_semaphore, #tpu.memory_space<semaphore_mem>>, %arg13: memref<!tpu.dma_semaphore, #tpu.memory_space<semaphore_mem>>, %arg14: memref<!tpu.dma_semaphore, #tpu.memory_space<semaphore_mem>>, %arg15: memref<!tpu.dma_semaphore, #tpu.memory_space<semaphore_mem>>, %arg16: memref<!tpu.dma_semaphore, #tpu.memory_space<semaphore_mem>>, %arg17: memref<!tpu.dma_semaphore, #tpu.memory_space<semaphore_mem>>, %arg18: memref<!tpu.dma_semaphore, #tpu.memory_space<semaphore_mem>>, %arg19: memref<!tpu.dma_semaphore, #tpu.memory_space<semaphore_mem>>) attributes {dimension_semantics = [#tpu.dimension_semantics<core_parallel>, #tpu.dimension_semantics<subcore_parallel>], iteration_bounds = array<i64: 2, 16>, scalar_prefetch = 0 : i64, scratch_operands = 15 : i64, tpu.core_type = #tpu.core_type<sc_vector_subcore>, window_params = [{transform_indices = #map}, {transform_indices = #map1}, {transform_indices = #map2}]} {
    %mul3A = arith.constant 16 : i32
    %mul3A_0 = arith.muli %arg0, %mul3A : i32
    %add3A = arith.addi %mul3A_0, %arg1 : i32
    %dma_start3A = arith.constant 0 : i32
    %dma_start3A_1 = arith.constant 0 : i32
    %dma_start3A_2 = arith.constant 0 : i32
    %dma_start3A_3 = tpu.memref_slice %arg2[%add3A, %dma_start3A, %dma_start3A_1, %dma_start3A_2] : memref<32x80x2x128xi32, #tpu.memory_space<hbm>> -> memref<1x1x2x128xi32, #tpu.memory_space<hbm>>
    %dma_start3A_4 = tpu.memref_squeeze %dma_start3A_3 : memref<1x1x2x128xi32, #tpu.memory_space<hbm>> -> memref<1x2x128xi32, #tpu.memory_space<hbm>>
    %dma_start3A_5 = arith.constant 0 : i32
    %dma_start3A_6 = arith.constant 0 : i32
    %dma_start3A_7 = arith.constant 0 : i32
    %dma_start3A_8 = tpu.memref_slice %arg2[%add3A, %dma_start3A_5, %dma_start3A_6, %dma_start3A_7] : memref<32x80x2x128xi32, #tpu.memory_space<hbm>> -> memref<1x1x2x128xi32, #tpu.memory_space<hbm>>
    %dma_start3A_9 = tpu.memref_squeeze %dma_start3A_8 : memref<1x1x2x128xi32, #tpu.memory_space<hbm>> -> memref<1x2x128xi32, #tpu.memory_space<hbm>>
    tpu.enqueue_dma source(%dma_start3A_9 : memref<1x2x128xi32, #tpu.memory_space<hbm>>) target(%arg5 : memref<1x2x128xi32, #tpu.memory_space<vmem>>) target_semaphore(%arg12 : memref<!tpu.dma_semaphore, #tpu.memory_space<semaphore_mem>>)
    %dma_wait3A = arith.constant 0 : i32
    %dma_wait3A_10 = arith.constant 0 : i32
    %dma_wait3A_11 = arith.constant 0 : i32
    %dma_wait3A_12 = tpu.memref_slice %arg2[%add3A, %dma_wait3A, %dma_wait3A_10, %dma_wait3A_11] : memref<32x80x2x128xi32, #tpu.memory_space<hbm>> -> memref<1x1x2x128xi32, #tpu.memory_space<hbm>>
    %dma_wait3A_13 = tpu.memref_squeeze %dma_wait3A_12 : memref<1x1x2x128xi32, #tpu.memory_space<hbm>> -> memref<1x2x128xi32, #tpu.memory_space<hbm>>
    %dma_wait3A_14 = arith.constant 0 : i32
    %dma_wait3A_15 = arith.constant 0 : i32
    %dma_wait3A_16 = arith.constant 0 : i32
    %dma_wait3A_17 = tpu.memref_slice %arg2[%add3A, %dma_wait3A_14, %dma_wait3A_15, %dma_wait3A_16] : memref<32x80x2x128xi32, #tpu.memory_space<hbm>> -> memref<1x1x2x128xi32, #tpu.memory_space<hbm>>
    %dma_wait3A_18 = tpu.memref_squeeze %dma_wait3A_17 : memref<1x1x2x128xi32, #tpu.memory_space<hbm>> -> memref<1x2x128xi32, #tpu.memory_space<hbm>>
    tpu.wait_dma2 semaphore(%arg12 : memref<!tpu.dma_semaphore, #tpu.memory_space<semaphore_mem>>) src(%dma_wait3A_18 : memref<1x2x128xi32, #tpu.memory_space<hbm>>) dst(%arg5 : memref<1x2x128xi32, #tpu.memory_space<vmem>>)
    %dma_start3A_19 = arith.constant 0 : i32
    %dma_start3A_20 = arith.constant 0 : i32
    %dma_start3A_21 = arith.constant 0 : i32
    %dma_start3A_22 = tpu.memref_slice %arg5[%dma_start3A_19, %dma_start3A_20, %dma_start3A_21] : memref<1x2x128xi32, #tpu.memory_space<vmem>> -> memref<1x1x128xi32, #tpu.memory_space<vmem>>
    %dma_start3A_23 = tpu.memref_squeeze %dma_start3A_22 : memref<1x1x128xi32, #tpu.memory_space<vmem>> -> memref<128xi32, #tpu.memory_space<vmem>>
    %dma_start3A_24 = arith.constant 0 : i32
    %dma_start3A_25 = arith.constant 0 : i32
    %dma_start3A_26 = tpu.memref_slice %arg3[%dma_start3A_24, %dma_start3A_25] : memref<10000x128xf32, #tpu.memory_space<hbm>> -> memref<10000x128xf32, #tpu.memory_space<hbm>>
    tpu.enqueue_indirect_dma source(%dma_start3A_26 : memref<10000x128xf32, #tpu.memory_space<hbm>>) target(%arg9 : memref<128x128xf32, #tpu.memory_space<vmem>>) offsets(%dma_start3A_23 : memref<128xi32, #tpu.memory_space<vmem>>) semaphore(%arg16 : memref<!tpu.dma_semaphore, #tpu.memory_space<semaphore_mem>>)
    %dma_start3A_27 = arith.constant 1 : i32
    %dma_start3A_28 = arith.constant 0 : i32
    %dma_start3A_29 = arith.constant 0 : i32
    %dma_start3A_30 = tpu.memref_slice %arg2[%add3A, %dma_start3A_27, %dma_start3A_28, %dma_start3A_29] : memref<32x80x2x128xi32, #tpu.memory_space<hbm>> -> memref<1x1x2x128xi32, #tpu.memory_space<hbm>>
    %dma_start3A_31 = tpu.memref_squeeze %dma_start3A_30 : memref<1x1x2x128xi32, #tpu.memory_space<hbm>> -> memref<1x2x128xi32, #tpu.memory_space<hbm>>
    %dma_start3A_32 = arith.constant 1 : i32
    %dma_start3A_33 = arith.constant 0 : i32
    %dma_start3A_34 = arith.constant 0 : i32
    %dma_start3A_35 = tpu.memref_slice %arg2[%add3A, %dma_start3A_32, %dma_start3A_33, %dma_start3A_34] : memref<32x80x2x128xi32, #tpu.memory_space<hbm>> -> memref<1x1x2x128xi32, #tpu.memory_space<hbm>>
    %dma_start3A_36 = tpu.memref_squeeze %dma_start3A_35 : memref<1x1x2x128xi32, #tpu.memory_space<hbm>> -> memref<1x2x128xi32, #tpu.memory_space<hbm>>
    tpu.enqueue_dma source(%dma_start3A_36 : memref<1x2x128xi32, #tpu.memory_space<hbm>>) target(%arg6 : memref<1x2x128xi32, #tpu.memory_space<vmem>>) target_semaphore(%arg13 : memref<!tpu.dma_semaphore, #tpu.memory_space<semaphore_mem>>)
    %scan3A = arith.constant 0 : i32
    %scan3A_37 = arith.constant 128 : i32
    %scan3A_38 = arith.addi %scan3A, %scan3A_37 : i32
    %scan3A_39 = arith.constant 1 : i32
    scf.for %scan3A_64 = %scan3A to %scan3A_38 step %scan3A_39  : i32 {
      %mul3A_65 = arith.constant 1 : i32
      %mul3A_66 = arith.muli %scan3A_64, %mul3A_65 : i32
      %add3A_67 = arith.constant 0 : i32
      %add3A_68 = arith.addi %add3A_67, %mul3A_66 : i32
      %scan3A_69 = arith.constant 0 : i32
      %scan3A_70 = arith.constant 8 : i32
      %scan3A_71 = arith.addi %scan3A_69, %scan3A_70 : i32
      %scan3A_72 = arith.constant 1 : i32
      scf.for %scan3A_74 = %scan3A_69 to %scan3A_71 step %scan3A_72  : i32 {
        %mul3A_75 = arith.constant 16 : i32
        %mul3A_76 = arith.muli %scan3A_74, %mul3A_75 : i32
        %add3A_77 = arith.constant 0 : i32
        %add3A_78 = arith.addi %add3A_77, %mul3A_76 : i32
        %broadcast_in_dim3A = arith.constant 0.000000e+00 : f32
        %broadcast_in_dim3A_79 = vector.broadcast %broadcast_in_dim3A : f32 to vector<1x16xf32>
        %swap3A = arith.index_cast %add3A_68 : i32 to index
        %swap3A_80 = arith.index_cast %add3A_78 : i32 to index
        %swap3A_81 = tpu.vector_load %arg10[%swap3A, %swap3A_80] {strides = array<i32>} : memref<128x128xf32, #tpu.memory_space<vmem>>, vector<1x16xf32>,
        %swap3A_82 = vector.shape_cast %swap3A_81 : vector<1x16xf32> to vector<1x16xf32>
        %swap3A_83 = vector.shape_cast %broadcast_in_dim3A_79 : vector<1x16xf32> to vector<1x16xf32>
        tpu.vector_store %arg10[%swap3A, %swap3A_80], %swap3A_83 {strides = array<i32>} : memref<128x128xf32, #tpu.memory_space<vmem>>, vector<1x16xf32>,
      }
      %scan3A_73 = arith.constant 8 : i32
    }
    %scan3A_40 = arith.constant 128 : i32
    %scan3A_41 = arith.constant 0 : i32
    %scan3A_42 = arith.constant 5 : i32
    %scan3A_43 = arith.addi %scan3A_41, %scan3A_42 : i32
    %scan3A_44 = arith.constant 1 : i32
    scf.for %scan3A_64 = %scan3A_41 to %scan3A_43 step %scan3A_44  : i32 {
      %mul3A_65 = arith.constant 1 : i32
      %mul3A_66 = arith.muli %scan3A_64, %mul3A_65 : i32
      %add3A_67 = arith.constant 0 : i32
      %add3A_68 = arith.addi %add3A_67, %mul3A_66 : i32
      %mul3A_69 = arith.constant 640 : i32
      %mul3A_70 = arith.muli %arg1, %mul3A_69 : i32
      %mul3A_71 = arith.constant 128 : i32
      %mul3A_72 = arith.muli %add3A_68, %mul3A_71 : i32
      %add3A_73 = arith.addi %mul3A_70, %mul3A_72 : i32
      "tpu.region"() ({
        %run_scoped3A = tpu.sem_alloc : memref<!tpu.dma_semaphore, #tpu.memory_space<semaphore_mem>>
        %dma_start3A_74 = arith.constant 0 : i32
        %dma_start3A_75 = tpu.memref_slice %arg11[%add3A_73, %dma_start3A_74] : memref<10240x128xf32, #tpu.memory_space<vmem_shared>> -> memref<128x128xf32, #tpu.memory_space<vmem_shared>>
        %dma_start3A_76 = arith.constant 0 : i32
        %dma_start3A_77 = tpu.memref_slice %arg11[%add3A_73, %dma_start3A_76] : memref<10240x128xf32, #tpu.memory_space<vmem_shared>> -> memref<128x128xf32, #tpu.memory_space<vmem_shared>>
        tpu.enqueue_dma source(%arg10 : memref<128x128xf32, #tpu.memory_space<vmem>>) target(%dma_start3A_77 : memref<128x128xf32, #tpu.memory_space<vmem_shared>>) target_semaphore(%run_scoped3A : memref<!tpu.dma_semaphore, #tpu.memory_space<semaphore_mem>>)
        %dma_wait3A_78 = arith.constant 0 : i32
        %dma_wait3A_79 = tpu.memref_slice %arg11[%add3A_73, %dma_wait3A_78] : memref<10240x128xf32, #tpu.memory_space<vmem_shared>> -> memref<128x128xf32, #tpu.memory_space<vmem_shared>>
        %dma_wait3A_80 = arith.constant 0 : i32
        %dma_wait3A_81 = tpu.memref_slice %arg11[%add3A_73, %dma_wait3A_80] : memref<10240x128xf32, #tpu.memory_space<vmem_shared>> -> memref<128x128xf32, #tpu.memory_space<vmem_shared>>
        tpu.wait_dma2 semaphore(%run_scoped3A : memref<!tpu.dma_semaphore, #tpu.memory_space<semaphore_mem>>) src(%arg10 : memref<128x128xf32, #tpu.memory_space<vmem>>) dst(%dma_wait3A_81 : memref<128x128xf32, #tpu.memory_space<vmem_shared>>)
        tpu.yield
      }) : () -> ()
    }
    %scan3A_45 = arith.constant 5 : i32
    %barrier3A = arith.constant 0 : index
    tpu.barrier barrier_id(%barrier3A)
    %scan3A_46 = arith.constant 0 : i32
    %scan3A_47 = arith.constant 20 : i32
    %scan3A_48 = arith.addi %scan3A_46, %scan3A_47 : i32
    %scan3A_49 = arith.constant 1 : i32
    scf.for %scan3A_64 = %scan3A_46 to %scan3A_48 step %scan3A_49  : i32 {
      %mul3A_65 = arith.constant 4 : i32
      %mul3A_66 = arith.muli %scan3A_64, %mul3A_65 : i32
      %add3A_67 = arith.constant 0 : i32
      %add3A_68 = arith.addi %add3A_67, %mul3A_66 : i32
      %ge3A = arith.constant 1 : i32
      %ge3A_69 = arith.cmpi sge, %add3A_68, %ge3A : i32
      %convert_element_type3A = arith.extui %ge3A_69 : i1 to i32
      %cond3A = arith.constant 0 : i32
      %cond3A_70 = arith.cmpi ne, %convert_element_type3A, %cond3A : i32
      scf.if %cond3A_70 {
        %dma_wait3A_239 = arith.constant 0 : i32
        %dma_wait3A_240 = arith.constant 1 : i32
        %dma_wait3A_241 = arith.constant 0 : i32
        %dma_wait3A_242 = tpu.memref_slice %arg8[%dma_wait3A_239, %dma_wait3A_240, %dma_wait3A_241] : memref<1x2x128xi32, #tpu.memory_space<vmem>> -> memref<1x1x128xi32, #tpu.memory_space<vmem>>
        %dma_wait3A_243 = tpu.memref_squeeze %dma_wait3A_242 : memref<1x1x128xi32, #tpu.memory_space<vmem>> -> memref<128xi32, #tpu.memory_space<vmem>>
        %dma_wait3A_244 = arith.constant 0 : i32
        %dma_wait3A_245 = arith.constant 0 : i32
        %dma_wait3A_246 = tpu.memref_slice %arg11[%dma_wait3A_244, %dma_wait3A_245] : memref<10240x128xf32, #tpu.memory_space<vmem_shared>> -> memref<10240x128xf32, #tpu.memory_space<vmem_shared>>
        tpu.wait_indirect_dma semaphore(%arg19 : memref<!tpu.dma_semaphore, #tpu.memory_space<semaphore_mem>>) src(%arg10 : memref<128x128xf32, #tpu.memory_space<vmem>>) dst(%dma_wait3A_246 : memref<10240x128xf32, #tpu.memory_space<vmem_shared>>)
      } else {
      }
      %add3A_71 = arith.constant 1 : i32
      %add3A_72 = arith.addi %add3A_68, %add3A_71 : i32
      %lt3A = arith.constant 80 : i32
      %lt3A_73 = arith.cmpi slt, %add3A_72, %lt3A : i32
      %convert_element_type3A_74 = arith.extui %lt3A_73 : i1 to i32
      %cond3A_75 = arith.constant 0 : i32
      %cond3A_76 = arith.cmpi ne, %convert_element_type3A_74, %cond3A_75 : i32
      scf.if %cond3A_76 {
        %add3A_239 = arith.constant 1 : i32
        %add3A_240 = arith.addi %add3A_68, %add3A_239 : i32
        %dma_wait3A_241 = arith.constant 0 : i32
        %dma_wait3A_242 = arith.constant 0 : i32
        %dma_wait3A_243 = tpu.memref_slice %arg2[%add3A, %add3A_240, %dma_wait3A_241, %dma_wait3A_242] : memref<32x80x2x128xi32, #tpu.memory_space<hbm>> -> memref<1x1x2x128xi32, #tpu.memory_space<hbm>>
        %dma_wait3A_244 = tpu.memref_squeeze %dma_wait3A_243 : memref<1x1x2x128xi32, #tpu.memory_space<hbm>> -> memref<1x2x128xi32, #tpu.memory_space<hbm>>
        %dma_wait3A_245 = arith.constant 0 : i32
        %dma_wait3A_246 = arith.constant 0 : i32
        %dma_wait3A_247 = tpu.memref_slice %arg2[%add3A, %add3A_240, %dma_wait3A_245, %dma_wait3A_246] : memref<32x80x2x128xi32, #tpu.memory_space<hbm>> -> memref<1x1x2x128xi32, #tpu.memory_space<hbm>>
        %dma_wait3A_248 = tpu.memref_squeeze %dma_wait3A_247 : memref<1x1x2x128xi32, #tpu.memory_space<hbm>> -> memref<1x2x128xi32, #tpu.memory_space<hbm>>
        tpu.wait_dma2 semaphore(%arg13 : memref<!tpu.dma_semaphore, #tpu.memory_space<semaphore_mem>>) src(%dma_wait3A_248 : memref<1x2x128xi32, #tpu.memory_space<hbm>>) dst(%arg6 : memref<1x2x128xi32, #tpu.memory_space<vmem>>)
      } else {
      }
      %dma_wait3A_77 = arith.constant 0 : i32
      %dma_wait3A_78 = arith.constant 0 : i32
      %dma_wait3A_79 = arith.constant 0 : i32
      %dma_wait3A_80 = tpu.memref_slice %arg5[%dma_wait3A_77, %dma_wait3A_78, %dma_wait3A_79] : memref<1x2x128xi32, #tpu.memory_space<vmem>> -> memref<1x1x128xi32, #tpu.memory_space<vmem>>
      %dma_wait3A_81 = tpu.memref_squeeze %dma_wait3A_80 : memref<1x1x128xi32, #tpu.memory_space<vmem>> -> memref<128xi32, #tpu.memory_space<vmem>>
      %dma_wait3A_82 = arith.constant 0 : i32
      %dma_wait3A_83 = arith.constant 0 : i32
      %dma_wait3A_84 = tpu.memref_slice %arg3[%dma_wait3A_82, %dma_wait3A_83] : memref<10000x128xf32, #tpu.memory_space<hbm>> -> memref<10000x128xf32, #tpu.memory_space<hbm>>
      tpu.wait_indirect_dma semaphore(%arg16 : memref<!tpu.dma_semaphore, #tpu.memory_space<semaphore_mem>>) src(%dma_wait3A_84 : memref<10000x128xf32, #tpu.memory_space<hbm>>) dst(%arg9 : memref<128x128xf32, #tpu.memory_space<vmem>>)
      %add3A_85 = arith.constant 1 : i32
      %add3A_86 = arith.addi %add3A_68, %add3A_85 : i32
      %lt3A_87 = arith.constant 80 : i32
      %lt3A_88 = arith.cmpi slt, %add3A_86, %lt3A_87 : i32
      %convert_element_type3A_89 = arith.extui %lt3A_88 : i1 to i32
      %cond3A_90 = arith.constant 0 : i32
      %cond3A_91 = arith.cmpi ne, %convert_element_type3A_89, %cond3A_90 : i32
      scf.if %cond3A_91 {
        %dma_start3A_239 = arith.constant 0 : i32
        %dma_start3A_240 = arith.constant 0 : i32
        %dma_start3A_241 = arith.constant 0 : i32
        %dma_start3A_242 = tpu.memref_slice %arg6[%dma_start3A_239, %dma_start3A_240, %dma_start3A_241] : memref<1x2x128xi32, #tpu.memory_space<vmem>> -> memref<1x1x128xi32, #tpu.memory_space<vmem>>
        %dma_start3A_243 = tpu.memref_squeeze %dma_start3A_242 : memref<1x1x128xi32, #tpu.memory_space<vmem>> -> memref<128xi32, #tpu.memory_space<vmem>>
        %dma_start3A_244 = arith.constant 0 : i32
        %dma_start3A_245 = arith.constant 0 : i32
        %dma_start3A_246 = tpu.memref_slice %arg3[%dma_start3A_244, %dma_start3A_245] : memref<10000x128xf32, #tpu.memory_space<hbm>> -> memref<10000x128xf32, #tpu.memory_space<hbm>>
        tpu.enqueue_indirect_dma source(%dma_start3A_246 : memref<10000x128xf32, #tpu.memory_space<hbm>>) target(%arg10 : memref<128x128xf32, #tpu.memory_space<vmem>>) offsets(%dma_start3A_243 : memref<128xi32, #tpu.memory_space<vmem>>) semaphore(%arg17 : memref<!tpu.dma_semaphore, #tpu.memory_space<semaphore_mem>>)
      } else {
      }
      %dma_start3A_92 = arith.constant 0 : i32
      %dma_start3A_93 = arith.constant 1 : i32
      %dma_start3A_94 = arith.constant 0 : i32
      %dma_start3A_95 = tpu.memref_slice %arg5[%dma_start3A_92, %dma_start3A_93, %dma_start3A_94] : memref<1x2x128xi32, #tpu.memory_space<vmem>> -> memref<1x1x128xi32, #tpu.memory_space<vmem>>
      %dma_start3A_96 = tpu.memref_squeeze %dma_start3A_95 : memref<1x1x128xi32, #tpu.memory_space<vmem>> -> memref<128xi32, #tpu.memory_space<vmem>>
      %dma_start3A_97 = arith.constant 0 : i32
      %dma_start3A_98 = arith.constant 0 : i32
      %dma_start3A_99 = tpu.memref_slice %arg11[%dma_start3A_97, %dma_start3A_98] : memref<10240x128xf32, #tpu.memory_space<vmem_shared>> -> memref<10240x128xf32, #tpu.memory_space<vmem_shared>>
      tpu.enqueue_indirect_dma source(%arg9 : memref<128x128xf32, #tpu.memory_space<vmem>>) target(%dma_start3A_99 : memref<10240x128xf32, #tpu.memory_space<vmem_shared>>) offsets(%dma_start3A_96 : memref<128xi32, #tpu.memory_space<vmem>>) semaphore(%arg18 : memref<!tpu.dma_semaphore, #tpu.memory_space<semaphore_mem>>) {add = true}
      %add3A_100 = arith.constant 2 : i32
      %add3A_101 = arith.addi %add3A_68, %add3A_100 : i32
      %lt3A_102 = arith.constant 80 : i32
      %lt3A_103 = arith.cmpi slt, %add3A_101, %lt3A_102 : i32
      %convert_element_type3A_104 = arith.extui %lt3A_103 : i1 to i32
      %cond3A_105 = arith.constant 0 : i32
      %cond3A_106 = arith.cmpi ne, %convert_element_type3A_104, %cond3A_105 : i32
      scf.if %cond3A_106 {
        %add3A_239 = arith.constant 2 : i32
        %add3A_240 = arith.addi %add3A_68, %add3A_239 : i32
        %dma_start3A_241 = arith.constant 0 : i32
        %dma_start3A_242 = arith.constant 0 : i32
        %dma_start3A_243 = tpu.memref_slice %arg2[%add3A, %add3A_240, %dma_start3A_241, %dma_start3A_242] : memref<32x80x2x128xi32, #tpu.memory_space<hbm>> -> memref<1x1x2x128xi32, #tpu.memory_space<hbm>>
        %dma_start3A_244 = tpu.memref_squeeze %dma_start3A_243 : memref<1x1x2x128xi32, #tpu.memory_space<hbm>> -> memref<1x2x128xi32, #tpu.memory_space<hbm>>
        %dma_start3A_245 = arith.constant 0 : i32
        %dma_start3A_246 = arith.constant 0 : i32
        %dma_start3A_247 = tpu.memref_slice %arg2[%add3A, %add3A_240, %dma_start3A_245, %dma_start3A_246] : memref<32x80x2x128xi32, #tpu.memory_space<hbm>> -> memref<1x1x2x128xi32, #tpu.memory_space<hbm>>
        %dma_start3A_248 = tpu.memref_squeeze %dma_start3A_247 : memref<1x1x2x128xi32, #tpu.memory_space<hbm>> -> memref<1x2x128xi32, #tpu.memory_space<hbm>>
        tpu.enqueue_dma source(%dma_start3A_248 : memref<1x2x128xi32, #tpu.memory_space<hbm>>) target(%arg7 : memref<1x2x128xi32, #tpu.memory_space<vmem>>) target_semaphore(%arg14 : memref<!tpu.dma_semaphore, #tpu.memory_space<semaphore_mem>>)
      } else {
      }
      %add3A_107 = arith.constant 1 : i32
      %add3A_108 = arith.addi %add3A_68, %add3A_107 : i32
      %ge3A_109 = arith.constant 1 : i32
      %ge3A_110 = arith.cmpi sge, %add3A_108, %ge3A_109 : i32
      %convert_element_type3A_111 = arith.extui %ge3A_110 : i1 to i32
      %cond3A_112 = arith.constant 0 : i32
      %cond3A_113 = arith.cmpi ne, %convert_element_type3A_111, %cond3A_112 : i32
      scf.if %cond3A_113 {
        %dma_wait3A_239 = arith.constant 0 : i32
        %dma_wait3A_240 = arith.constant 1 : i32
        %dma_wait3A_241 = arith.constant 0 : i32
        %dma_wait3A_242 = tpu.memref_slice %arg5[%dma_wait3A_239, %dma_wait3A_240, %dma_wait3A_241] : memref<1x2x128xi32, #tpu.memory_space<vmem>> -> memref<1x1x128xi32, #tpu.memory_space<vmem>>
        %dma_wait3A_243 = tpu.memref_squeeze %dma_wait3A_242 : memref<1x1x128xi32, #tpu.memory_space<vmem>> -> memref<128xi32, #tpu.memory_space<vmem>>
        %dma_wait3A_244 = arith.constant 0 : i32
        %dma_wait3A_245 = arith.constant 0 : i32
        %dma_wait3A_246 = tpu.memref_slice %arg11[%dma_wait3A_244, %dma_wait3A_245] : memref<10240x128xf32, #tpu.memory_space<vmem_shared>> -> memref<10240x128xf32, #tpu.memory_space<vmem_shared>>
        tpu.wait_indirect_dma semaphore(%arg18 : memref<!tpu.dma_semaphore, #tpu.memory_space<semaphore_mem>>) src(%arg9 : memref<128x128xf32, #tpu.memory_space<vmem>>) dst(%dma_wait3A_246 : memref<10240x128xf32, #tpu.memory_space<vmem_shared>>)
      } else {
      }
      %add3A_114 = arith.constant 1 : i32
      %add3A_115 = arith.addi %add3A_108, %add3A_114 : i32
      %lt3A_116 = arith.constant 80 : i32
      %lt3A_117 = arith.cmpi slt, %add3A_115, %lt3A_116 : i32
      %convert_element_type3A_118 = arith.extui %lt3A_117 : i1 to i32
      %cond3A_119 = arith.constant 0 : i32
      %cond3A_120 = arith.cmpi ne, %convert_element_type3A_118, %cond3A_119 : i32
      scf.if %cond3A_120 {
        %add3A_239 = arith.constant 1 : i32
        %add3A_240 = arith.addi %add3A_108, %add3A_239 : i32
        %dma_wait3A_241 = arith.constant 0 : i32
        %dma_wait3A_242 = arith.constant 0 : i32
        %dma_wait3A_243 = tpu.memref_slice %arg2[%add3A, %add3A_240, %dma_wait3A_241, %dma_wait3A_242] : memref<32x80x2x128xi32, #tpu.memory_space<hbm>> -> memref<1x1x2x128xi32, #tpu.memory_space<hbm>>
        %dma_wait3A_244 = tpu.memref_squeeze %dma_wait3A_243 : memref<1x1x2x128xi32, #tpu.memory_space<hbm>> -> memref<1x2x128xi32, #tpu.memory_space<hbm>>
        %dma_wait3A_245 = arith.constant 0 : i32
        %dma_wait3A_246 = arith.constant 0 : i32
        %dma_wait3A_247 = tpu.memref_slice %arg2[%add3A, %add3A_240, %dma_wait3A_245, %dma_wait3A_246] : memref<32x80x2x128xi32, #tpu.memory_space<hbm>> -> memref<1x1x2x128xi32, #tpu.memory_space<hbm>>
        %dma_wait3A_248 = tpu.memref_squeeze %dma_wait3A_247 : memref<1x1x2x128xi32, #tpu.memory_space<hbm>> -> memref<1x2x128xi32, #tpu.memory_space<hbm>>
        tpu.wait_dma2 semaphore(%arg14 : memref<!tpu.dma_semaphore, #tpu.memory_space<semaphore_mem>>) src(%dma_wait3A_248 : memref<1x2x128xi32, #tpu.memory_space<hbm>>) dst(%arg7 : memref<1x2x128xi32, #tpu.memory_space<vmem>>)
      } else {
      }
      %dma_wait3A_121 = arith.constant 0 : i32
      %dma_wait3A_122 = arith.constant 0 : i32
      %dma_wait3A_123 = arith.constant 0 : i32
      %dma_wait3A_124 = tpu.memref_slice %arg6[%dma_wait3A_121, %dma_wait3A_122, %dma_wait3A_123] : memref<1x2x128xi32, #tpu.memory_space<vmem>> -> memref<1x1x128xi32, #tpu.memory_space<vmem>>
      %dma_wait3A_125 = tpu.memref_squeeze %dma_wait3A_124 : memref<1x1x128xi32, #tpu.memory_space<vmem>> -> memref<128xi32, #tpu.memory_space<vmem>>
      %dma_wait3A_126 = arith.constant 0 : i32
      %dma_wait3A_127 = arith.constant 0 : i32
      %dma_wait3A_128 = tpu.memref_slice %arg3[%dma_wait3A_126, %dma_wait3A_127] : memref<10000x128xf32, #tpu.memory_space<hbm>> -> memref<10000x128xf32, #tpu.memory_space<hbm>>
      tpu.wait_indirect_dma semaphore(%arg17 : memref<!tpu.dma_semaphore, #tpu.memory_space<semaphore_mem>>) src(%dma_wait3A_128 : memref<10000x128xf32, #tpu.memory_space<hbm>>) dst(%arg10 : memref<128x128xf32, #tpu.memory_space<vmem>>)
      %add3A_129 = arith.constant 1 : i32
      %add3A_130 = arith.addi %add3A_108, %add3A_129 : i32
      %lt3A_131 = arith.constant 80 : i32
      %lt3A_132 = arith.cmpi slt, %add3A_130, %lt3A_131 : i32
      %convert_element_type3A_133 = arith.extui %lt3A_132 : i1 to i32
      %cond3A_134 = arith.constant 0 : i32
      %cond3A_135 = arith.cmpi ne, %convert_element_type3A_133, %cond3A_134 : i32
      scf.if %cond3A_135 {
        %dma_start3A_239 = arith.constant 0 : i32
        %dma_start3A_240 = arith.constant 0 : i32
        %dma_start3A_241 = arith.constant 0 : i32
        %dma_start3A_242 = tpu.memref_slice %arg7[%dma_start3A_239, %dma_start3A_240, %dma_start3A_241] : memref<1x2x128xi32, #tpu.memory_space<vmem>> -> memref<1x1x128xi32, #tpu.memory_space<vmem>>
        %dma_start3A_243 = tpu.memref_squeeze %dma_start3A_242 : memref<1x1x128xi32, #tpu.memory_space<vmem>> -> memref<128xi32, #tpu.memory_space<vmem>>
        %dma_start3A_244 = arith.constant 0 : i32
        %dma_start3A_245 = arith.constant 0 : i32
        %dma_start3A_246 = tpu.memref_slice %arg3[%dma_start3A_244, %dma_start3A_245] : memref<10000x128xf32, #tpu.memory_space<hbm>> -> memref<10000x128xf32, #tpu.memory_space<hbm>>
        tpu.enqueue_indirect_dma source(%dma_start3A_246 : memref<10000x128xf32, #tpu.memory_space<hbm>>) target(%arg9 : memref<128x128xf32, #tpu.memory_space<vmem>>) offsets(%dma_start3A_243 : memref<128xi32, #tpu.memory_space<vmem>>) semaphore(%arg16 : memref<!tpu.dma_semaphore, #tpu.memory_space<semaphore_mem>>)
      } else {
      }
      %dma_start3A_136 = arith.constant 0 : i32
      %dma_start3A_137 = arith.constant 1 : i32
      %dma_start3A_138 = arith.constant 0 : i32
      %dma_start3A_139 = tpu.memref_slice %arg6[%dma_start3A_136, %dma_start3A_137, %dma_start3A_138] : memref<1x2x128xi32, #tpu.memory_space<vmem>> -> memref<1x1x128xi32, #tpu.memory_space<vmem>>
      %dma_start3A_140 = tpu.memref_squeeze %dma_start3A_139 : memref<1x1x128xi32, #tpu.memory_space<vmem>> -> memref<128xi32, #tpu.memory_space<vmem>>
      %dma_start3A_141 = arith.constant 0 : i32
      %dma_start3A_142 = arith.constant 0 : i32
      %dma_start3A_143 = tpu.memref_slice %arg11[%dma_start3A_141, %dma_start3A_142] : memref<10240x128xf32, #tpu.memory_space<vmem_shared>> -> memref<10240x128xf32, #tpu.memory_space<vmem_shared>>
      tpu.enqueue_indirect_dma source(%arg10 : memref<128x128xf32, #tpu.memory_space<vmem>>) target(%dma_start3A_143 : memref<10240x128xf32, #tpu.memory_space<vmem_shared>>) offsets(%dma_start3A_140 : memref<128xi32, #tpu.memory_space<vmem>>) semaphore(%arg19 : memref<!tpu.dma_semaphore, #tpu.memory_space<semaphore_mem>>) {add = true}
      %add3A_144 = arith.constant 2 : i32
      %add3A_145 = arith.addi %add3A_108, %add3A_144 : i32
      %lt3A_146 = arith.constant 80 : i32
      %lt3A_147 = arith.cmpi slt, %add3A_145, %lt3A_146 : i32
      %convert_element_type3A_148 = arith.extui %lt3A_147 : i1 to i32
      %cond3A_149 = arith.constant 0 : i32
      %cond3A_150 = arith.cmpi ne, %convert_element_type3A_148, %cond3A_149 : i32
      scf.if %cond3A_150 {
        %add3A_239 = arith.constant 2 : i32
        %add3A_240 = arith.addi %add3A_108, %add3A_239 : i32
        %dma_start3A_241 = arith.constant 0 : i32
        %dma_start3A_242 = arith.constant 0 : i32
        %dma_start3A_243 = tpu.memref_slice %arg2[%add3A, %add3A_240, %dma_start3A_241, %dma_start3A_242] : memref<32x80x2x128xi32, #tpu.memory_space<hbm>> -> memref<1x1x2x128xi32, #tpu.memory_space<hbm>>
        %dma_start3A_244 = tpu.memref_squeeze %dma_start3A_243 : memref<1x1x2x128xi32, #tpu.memory_space<hbm>> -> memref<1x2x128xi32, #tpu.memory_space<hbm>>
        %dma_start3A_245 = arith.constant 0 : i32
        %dma_start3A_246 = arith.constant 0 : i32
        %dma_start3A_247 = tpu.memref_slice %arg2[%add3A, %add3A_240, %dma_start3A_245, %dma_start3A_246] : memref<32x80x2x128xi32, #tpu.memory_space<hbm>> -> memref<1x1x2x128xi32, #tpu.memory_space<hbm>>
        %dma_start3A_248 = tpu.memref_squeeze %dma_start3A_247 : memref<1x1x2x128xi32, #tpu.memory_space<hbm>> -> memref<1x2x128xi32, #tpu.memory_space<hbm>>
        tpu.enqueue_dma source(%dma_start3A_248 : memref<1x2x128xi32, #tpu.memory_space<hbm>>) target(%arg8 : memref<1x2x128xi32, #tpu.memory_space<vmem>>) target_semaphore(%arg15 : memref<!tpu.dma_semaphore, #tpu.memory_space<semaphore_mem>>)
      } else {
      }
      %add3A_151 = arith.constant 2 : i32
      %add3A_152 = arith.addi %add3A_68, %add3A_151 : i32
      %ge3A_153 = arith.constant 1 : i32
      %ge3A_154 = arith.cmpi sge, %add3A_152, %ge3A_153 : i32
      %convert_element_type3A_155 = arith.extui %ge3A_154 : i1 to i32
      %cond3A_156 = arith.constant 0 : i32
      %cond3A_157 = arith.cmpi ne, %convert_element_type3A_155, %cond3A_156 : i32
      scf.if %cond3A_157 {
        %dma_wait3A_239 = arith.constant 0 : i32
        %dma_wait3A_240 = arith.constant 1 : i32
        %dma_wait3A_241 = arith.constant 0 : i32
        %dma_wait3A_242 = tpu.memref_slice %arg6[%dma_wait3A_239, %dma_wait3A_240, %dma_wait3A_241] : memref<1x2x128xi32, #tpu.memory_space<vmem>> -> memref<1x1x128xi32, #tpu.memory_space<vmem>>
        %dma_wait3A_243 = tpu.memref_squeeze %dma_wait3A_242 : memref<1x1x128xi32, #tpu.memory_space<vmem>> -> memref<128xi32, #tpu.memory_space<vmem>>
        %dma_wait3A_244 = arith.constant 0 : i32
        %dma_wait3A_245 = arith.constant 0 : i32
        %dma_wait3A_246 = tpu.memref_slice %arg11[%dma_wait3A_244, %dma_wait3A_245] : memref<10240x128xf32, #tpu.memory_space<vmem_shared>> -> memref<10240x128xf32, #tpu.memory_space<vmem_shared>>
        tpu.wait_indirect_dma semaphore(%arg19 : memref<!tpu.dma_semaphore, #tpu.memory_space<semaphore_mem>>) src(%arg10 : memref<128x128xf32, #tpu.memory_space<vmem>>) dst(%dma_wait3A_246 : memref<10240x128xf32, #tpu.memory_space<vmem_shared>>)
      } else {
      }
      %add3A_158 = arith.constant 1 : i32
      %add3A_159 = arith.addi %add3A_152, %add3A_158 : i32
      %lt3A_160 = arith.constant 80 : i32
      %lt3A_161 = arith.cmpi slt, %add3A_159, %lt3A_160 : i32
      %convert_element_type3A_162 = arith.extui %lt3A_161 : i1 to i32
      %cond3A_163 = arith.constant 0 : i32
      %cond3A_164 = arith.cmpi ne, %convert_element_type3A_162, %cond3A_163 : i32
      scf.if %cond3A_164 {
        %add3A_239 = arith.constant 1 : i32
        %add3A_240 = arith.addi %add3A_152, %add3A_239 : i32
        %dma_wait3A_241 = arith.constant 0 : i32
        %dma_wait3A_242 = arith.constant 0 : i32
        %dma_wait3A_243 = tpu.memref_slice %arg2[%add3A, %add3A_240, %dma_wait3A_241, %dma_wait3A_242] : memref<32x80x2x128xi32, #tpu.memory_space<hbm>> -> memref<1x1x2x128xi32, #tpu.memory_space<hbm>>
        %dma_wait3A_244 = tpu.memref_squeeze %dma_wait3A_243 : memref<1x1x2x128xi32, #tpu.memory_space<hbm>> -> memref<1x2x128xi32, #tpu.memory_space<hbm>>
        %dma_wait3A_245 = arith.constant 0 : i32
        %dma_wait3A_246 = arith.constant 0 : i32
        %dma_wait3A_247 = tpu.memref_slice %arg2[%add3A, %add3A_240, %dma_wait3A_245, %dma_wait3A_246] : memref<32x80x2x128xi32, #tpu.memory_space<hbm>> -> memref<1x1x2x128xi32, #tpu.memory_space<hbm>>
        %dma_wait3A_248 = tpu.memref_squeeze %dma_wait3A_247 : memref<1x1x2x128xi32, #tpu.memory_space<hbm>> -> memref<1x2x128xi32, #tpu.memory_space<hbm>>
        tpu.wait_dma2 semaphore(%arg15 : memref<!tpu.dma_semaphore, #tpu.memory_space<semaphore_mem>>) src(%dma_wait3A_248 : memref<1x2x128xi32, #tpu.memory_space<hbm>>) dst(%arg8 : memref<1x2x128xi32, #tpu.memory_space<vmem>>)
      } else {
      }
      %dma_wait3A_165 = arith.constant 0 : i32
      %dma_wait3A_166 = arith.constant 0 : i32
      %dma_wait3A_167 = arith.constant 0 : i32
      %dma_wait3A_168 = tpu.memref_slice %arg7[%dma_wait3A_165, %dma_wait3A_166, %dma_wait3A_167] : memref<1x2x128xi32, #tpu.memory_space<vmem>> -> memref<1x1x128xi32, #tpu.memory_space<vmem>>
      %dma_wait3A_169 = tpu.memref_squeeze %dma_wait3A_168 : memref<1x1x128xi32, #tpu.memory_space<vmem>> -> memref<128xi32, #tpu.memory_space<vmem>>
      %dma_wait3A_170 = arith.constant 0 : i32
      %dma_wait3A_171 = arith.constant 0 : i32
      %dma_wait3A_172 = tpu.memref_slice %arg3[%dma_wait3A_170, %dma_wait3A_171] : memref<10000x128xf32, #tpu.memory_space<hbm>> -> memref<10000x128xf32, #tpu.memory_space<hbm>>
      tpu.wait_indirect_dma semaphore(%arg16 : memref<!tpu.dma_semaphore, #tpu.memory_space<semaphore_mem>>) src(%dma_wait3A_172 : memref<10000x128xf32, #tpu.memory_space<hbm>>) dst(%arg9 : memref<128x128xf32, #tpu.memory_space<vmem>>)
      %add3A_173 = arith.constant 1 : i32
      %add3A_174 = arith.addi %add3A_152, %add3A_173 : i32
      %lt3A_175 = arith.constant 80 : i32
      %lt3A_176 = arith.cmpi slt, %add3A_174, %lt3A_175 : i32
      %convert_element_type3A_177 = arith.extui %lt3A_176 : i1 to i32
      %cond3A_178 = arith.constant 0 : i32
      %cond3A_179 = arith.cmpi ne, %convert_element_type3A_177, %cond3A_178 : i32
      scf.if %cond3A_179 {
        %dma_start3A_239 = arith.constant 0 : i32
        %dma_start3A_240 = arith.constant 0 : i32
        %dma_start3A_241 = arith.constant 0 : i32
        %dma_start3A_242 = tpu.memref_slice %arg8[%dma_start3A_239, %dma_start3A_240, %dma_start3A_241] : memref<1x2x128xi32, #tpu.memory_space<vmem>> -> memref<1x1x128xi32, #tpu.memory_space<vmem>>
        %dma_start3A_243 = tpu.memref_squeeze %dma_start3A_242 : memref<1x1x128xi32, #tpu.memory_space<vmem>> -> memref<128xi32, #tpu.memory_space<vmem>>
        %dma_start3A_244 = arith.constant 0 : i32
        %dma_start3A_245 = arith.constant 0 : i32
        %dma_start3A_246 = tpu.memref_slice %arg3[%dma_start3A_244, %dma_start3A_245] : memref<10000x128xf32, #tpu.memory_space<hbm>> -> memref<10000x128xf32, #tpu.memory_space<hbm>>
        tpu.enqueue_indirect_dma source(%dma_start3A_246 : memref<10000x128xf32, #tpu.memory_space<hbm>>) target(%arg10 : memref<128x128xf32, #tpu.memory_space<vmem>>) offsets(%dma_start3A_243 : memref<128xi32, #tpu.memory_space<vmem>>) semaphore(%arg17 : memref<!tpu.dma_semaphore, #tpu.memory_space<semaphore_mem>>)
      } else {
      }
      %dma_start3A_180 = arith.constant 0 : i32
      %dma_start3A_181 = arith.constant 1 : i32
      %dma_start3A_182 = arith.constant 0 : i32
      %dma_start3A_183 = tpu.memref_slice %arg7[%dma_start3A_180, %dma_start3A_181, %dma_start3A_182] : memref<1x2x128xi32, #tpu.memory_space<vmem>> -> memref<1x1x128xi32, #tpu.memory_space<vmem>>
      %dma_start3A_184 = tpu.memref_squeeze %dma_start3A_183 : memref<1x1x128xi32, #tpu.memory_space<vmem>> -> memref<128xi32, #tpu.memory_space<vmem>>
      %dma_start3A_185 = arith.constant 0 : i32
      %dma_start3A_186 = arith.constant 0 : i32
      %dma_start3A_187 = tpu.memref_slice %arg11[%dma_start3A_185, %dma_start3A_186] : memref<10240x128xf32, #tpu.memory_space<vmem_shared>> -> memref<10240x128xf32, #tpu.memory_space<vmem_shared>>
      tpu.enqueue_indirect_dma source(%arg9 : memref<128x128xf32, #tpu.memory_space<vmem>>) target(%dma_start3A_187 : memref<10240x128xf32, #tpu.memory_space<vmem_shared>>) offsets(%dma_start3A_184 : memref<128xi32, #tpu.memory_space<vmem>>) semaphore(%arg18 : memref<!tpu.dma_semaphore, #tpu.memory_space<semaphore_mem>>) {add = true}
      %add3A_188 = arith.constant 2 : i32
      %add3A_189 = arith.addi %add3A_152, %add3A_188 : i32
      %lt3A_190 = arith.constant 80 : i32
      %lt3A_191 = arith.cmpi slt, %add3A_189, %lt3A_190 : i32
      %convert_element_type3A_192 = arith.extui %lt3A_191 : i1 to i32
      %cond3A_193 = arith.constant 0 : i32
      %cond3A_194 = arith.cmpi ne, %convert_element_type3A_192, %cond3A_193 : i32
      scf.if %cond3A_194 {
        %add3A_239 = arith.constant 2 : i32
        %add3A_240 = arith.addi %add3A_152, %add3A_239 : i32
        %dma_start3A_241 = arith.constant 0 : i32
        %dma_start3A_242 = arith.constant 0 : i32
        %dma_start3A_243 = tpu.memref_slice %arg2[%add3A, %add3A_240, %dma_start3A_241, %dma_start3A_242] : memref<32x80x2x128xi32, #tpu.memory_space<hbm>> -> memref<1x1x2x128xi32, #tpu.memory_space<hbm>>
        %dma_start3A_244 = tpu.memref_squeeze %dma_start3A_243 : memref<1x1x2x128xi32, #tpu.memory_space<hbm>> -> memref<1x2x128xi32, #tpu.memory_space<hbm>>
        %dma_start3A_245 = arith.constant 0 : i32
        %dma_start3A_246 = arith.constant 0 : i32
        %dma_start3A_247 = tpu.memref_slice %arg2[%add3A, %add3A_240, %dma_start3A_245, %dma_start3A_246] : memref<32x80x2x128xi32, #tpu.memory_space<hbm>> -> memref<1x1x2x128xi32, #tpu.memory_space<hbm>>
        %dma_start3A_248 = tpu.memref_squeeze %dma_start3A_247 : memref<1x1x2x128xi32, #tpu.memory_space<hbm>> -> memref<1x2x128xi32, #tpu.memory_space<hbm>>
        tpu.enqueue_dma source(%dma_start3A_248 : memref<1x2x128xi32, #tpu.memory_space<hbm>>) target(%arg5 : memref<1x2x128xi32, #tpu.memory_space<vmem>>) target_semaphore(%arg12 : memref<!tpu.dma_semaphore, #tpu.memory_space<semaphore_mem>>)
      } else {
      }
      %add3A_195 = arith.constant 3 : i32
      %add3A_196 = arith.addi %add3A_68, %add3A_195 : i32
      %ge3A_197 = arith.constant 1 : i32
      %ge3A_198 = arith.cmpi sge, %add3A_196, %ge3A_197 : i32
      %convert_element_type3A_199 = arith.extui %ge3A_198 : i1 to i32
      %cond3A_200 = arith.constant 0 : i32
      %cond3A_201 = arith.cmpi ne, %convert_element_type3A_199, %cond3A_200 : i32
      scf.if %cond3A_201 {
        %dma_wait3A_239 = arith.constant 0 : i32
        %dma_wait3A_240 = arith.constant 1 : i32
        %dma_wait3A_241 = arith.constant 0 : i32
        %dma_wait3A_242 = tpu.memref_slice %arg7[%dma_wait3A_239, %dma_wait3A_240, %dma_wait3A_241] : memref<1x2x128xi32, #tpu.memory_space<vmem>> -> memref<1x1x128xi32, #tpu.memory_space<vmem>>
        %dma_wait3A_243 = tpu.memref_squeeze %dma_wait3A_242 : memref<1x1x128xi32, #tpu.memory_space<vmem>> -> memref<128xi32, #tpu.memory_space<vmem>>
        %dma_wait3A_244 = arith.constant 0 : i32
        %dma_wait3A_245 = arith.constant 0 : i32
        %dma_wait3A_246 = tpu.memref_slice %arg11[%dma_wait3A_244, %dma_wait3A_245] : memref<10240x128xf32, #tpu.memory_space<vmem_shared>> -> memref<10240x128xf32, #tpu.memory_space<vmem_shared>>
        tpu.wait_indirect_dma semaphore(%arg18 : memref<!tpu.dma_semaphore, #tpu.memory_space<semaphore_mem>>) src(%arg9 : memref<128x128xf32, #tpu.memory_space<vmem>>) dst(%dma_wait3A_246 : memref<10240x128xf32, #tpu.memory_space<vmem_shared>>)
      } else {
      }
      %add3A_202 = arith.constant 1 : i32
      %add3A_203 = arith.addi %add3A_196, %add3A_202 : i32
      %lt3A_204 = arith.constant 80 : i32
      %lt3A_205 = arith.cmpi slt, %add3A_203, %lt3A_204 : i32
      %convert_element_type3A_206 = arith.extui %lt3A_205 : i1 to i32
      %cond3A_207 = arith.constant 0 : i32
      %cond3A_208 = arith.cmpi ne, %convert_element_type3A_206, %cond3A_207 : i32
      scf.if %cond3A_208 {
        %add3A_239 = arith.constant 1 : i32
        %add3A_240 = arith.addi %add3A_196, %add3A_239 : i32
        %dma_wait3A_241 = arith.constant 0 : i32
        %dma_wait3A_242 = arith.constant 0 : i32
        %dma_wait3A_243 = tpu.memref_slice %arg2[%add3A, %add3A_240, %dma_wait3A_241, %dma_wait3A_242] : memref<32x80x2x128xi32, #tpu.memory_space<hbm>> -> memref<1x1x2x128xi32, #tpu.memory_space<hbm>>
        %dma_wait3A_244 = tpu.memref_squeeze %dma_wait3A_243 : memref<1x1x2x128xi32, #tpu.memory_space<hbm>> -> memref<1x2x128xi32, #tpu.memory_space<hbm>>
        %dma_wait3A_245 = arith.constant 0 : i32
        %dma_wait3A_246 = arith.constant 0 : i32
        %dma_wait3A_247 = tpu.memref_slice %arg2[%add3A, %add3A_240, %dma_wait3A_245, %dma_wait3A_246] : memref<32x80x2x128xi32, #tpu.memory_space<hbm>> -> memref<1x1x2x128xi32, #tpu.memory_space<hbm>>
        %dma_wait3A_248 = tpu.memref_squeeze %dma_wait3A_247 : memref<1x1x2x128xi32, #tpu.memory_space<hbm>> -> memref<1x2x128xi32, #tpu.memory_space<hbm>>
        tpu.wait_dma2 semaphore(%arg12 : memref<!tpu.dma_semaphore, #tpu.memory_space<semaphore_mem>>) src(%dma_wait3A_248 : memref<1x2x128xi32, #tpu.memory_space<hbm>>) dst(%arg5 : memref<1x2x128xi32, #tpu.memory_space<vmem>>)
      } else {
      }
      %dma_wait3A_209 = arith.constant 0 : i32
      %dma_wait3A_210 = arith.constant 0 : i32
      %dma_wait3A_211 = arith.constant 0 : i32
      %dma_wait3A_212 = tpu.memref_slice %arg8[%dma_wait3A_209, %dma_wait3A_210, %dma_wait3A_211] : memref<1x2x128xi32, #tpu.memory_space<vmem>> -> memref<1x1x128xi32, #tpu.memory_space<vmem>>
      %dma_wait3A_213 = tpu.memref_squeeze %dma_wait3A_212 : memref<1x1x128xi32, #tpu.memory_space<vmem>> -> memref<128xi32, #tpu.memory_space<vmem>>
      %dma_wait3A_214 = arith.constant 0 : i32
      %dma_wait3A_215 = arith.constant 0 : i32
      %dma_wait3A_216 = tpu.memref_slice %arg3[%dma_wait3A_214, %dma_wait3A_215] : memref<10000x128xf32, #tpu.memory_space<hbm>> -> memref<10000x128xf32, #tpu.memory_space<hbm>>
      tpu.wait_indirect_dma semaphore(%arg17 : memref<!tpu.dma_semaphore, #tpu.memory_space<semaphore_mem>>) src(%dma_wait3A_216 : memref<10000x128xf32, #tpu.memory_space<hbm>>) dst(%arg10 : memref<128x128xf32, #tpu.memory_space<vmem>>)
      %add3A_217 = arith.constant 1 : i32
      %add3A_218 = arith.addi %add3A_196, %add3A_217 : i32
      %lt3A_219 = arith.constant 80 : i32
      %lt3A_220 = arith.cmpi slt, %add3A_218, %lt3A_219 : i32
      %convert_element_type3A_221 = arith.extui %lt3A_220 : i1 to i32
      %cond3A_222 = arith.constant 0 : i32
      %cond3A_223 = arith.cmpi ne, %convert_element_type3A_221, %cond3A_222 : i32
      scf.if %cond3A_223 {
        %dma_start3A_239 = arith.constant 0 : i32
        %dma_start3A_240 = arith.constant 0 : i32
        %dma_start3A_241 = arith.constant 0 : i32
        %dma_start3A_242 = tpu.memref_slice %arg5[%dma_start3A_239, %dma_start3A_240, %dma_start3A_241] : memref<1x2x128xi32, #tpu.memory_space<vmem>> -> memref<1x1x128xi32, #tpu.memory_space<vmem>>
        %dma_start3A_243 = tpu.memref_squeeze %dma_start3A_242 : memref<1x1x128xi32, #tpu.memory_space<vmem>> -> memref<128xi32, #tpu.memory_space<vmem>>
        %dma_start3A_244 = arith.constant 0 : i32
        %dma_start3A_245 = arith.constant 0 : i32
        %dma_start3A_246 = tpu.memref_slice %arg3[%dma_start3A_244, %dma_start3A_245] : memref<10000x128xf32, #tpu.memory_space<hbm>> -> memref<10000x128xf32, #tpu.memory_space<hbm>>
        tpu.enqueue_indirect_dma source(%dma_start3A_246 : memref<10000x128xf32, #tpu.memory_space<hbm>>) target(%arg9 : memref<128x128xf32, #tpu.memory_space<vmem>>) offsets(%dma_start3A_243 : memref<128xi32, #tpu.memory_space<vmem>>) semaphore(%arg16 : memref<!tpu.dma_semaphore, #tpu.memory_space<semaphore_mem>>)
      } else {
      }
      %dma_start3A_224 = arith.constant 0 : i32
      %dma_start3A_225 = arith.constant 1 : i32
      %dma_start3A_226 = arith.constant 0 : i32
      %dma_start3A_227 = tpu.memref_slice %arg8[%dma_start3A_224, %dma_start3A_225, %dma_start3A_226] : memref<1x2x128xi32, #tpu.memory_space<vmem>> -> memref<1x1x128xi32, #tpu.memory_space<vmem>>
      %dma_start3A_228 = tpu.memref_squeeze %dma_start3A_227 : memref<1x1x128xi32, #tpu.memory_space<vmem>> -> memref<128xi32, #tpu.memory_space<vmem>>
      %dma_start3A_229 = arith.constant 0 : i32
      %dma_start3A_230 = arith.constant 0 : i32
      %dma_start3A_231 = tpu.memref_slice %arg11[%dma_start3A_229, %dma_start3A_230] : memref<10240x128xf32, #tpu.memory_space<vmem_shared>> -> memref<10240x128xf32, #tpu.memory_space<vmem_shared>>
      tpu.enqueue_indirect_dma source(%arg10 : memref<128x128xf32, #tpu.memory_space<vmem>>) target(%dma_start3A_231 : memref<10240x128xf32, #tpu.memory_space<vmem_shared>>) offsets(%dma_start3A_228 : memref<128xi32, #tpu.memory_space<vmem>>) semaphore(%arg19 : memref<!tpu.dma_semaphore, #tpu.memory_space<semaphore_mem>>) {add = true}
      %add3A_232 = arith.constant 2 : i32
      %add3A_233 = arith.addi %add3A_196, %add3A_232 : i32
      %lt3A_234 = arith.constant 80 : i32
      %lt3A_235 = arith.cmpi slt, %add3A_233, %lt3A_234 : i32
      %convert_element_type3A_236 = arith.extui %lt3A_235 : i1 to i32
      %cond3A_237 = arith.constant 0 : i32
      %cond3A_238 = arith.cmpi ne, %convert_element_type3A_236, %cond3A_237 : i32
      scf.if %cond3A_238 {
        %add3A_239 = arith.constant 2 : i32
        %add3A_240 = arith.addi %add3A_196, %add3A_239 : i32
        %dma_start3A_241 = arith.constant 0 : i32
        %dma_start3A_242 = arith.constant 0 : i32
        %dma_start3A_243 = tpu.memref_slice %arg2[%add3A, %add3A_240, %dma_start3A_241, %dma_start3A_242] : memref<32x80x2x128xi32, #tpu.memory_space<hbm>> -> memref<1x1x2x128xi32, #tpu.memory_space<hbm>>
        %dma_start3A_244 = tpu.memref_squeeze %dma_start3A_243 : memref<1x1x2x128xi32, #tpu.memory_space<hbm>> -> memref<1x2x128xi32, #tpu.memory_space<hbm>>
        %dma_start3A_245 = arith.constant 0 : i32
        %dma_start3A_246 = arith.constant 0 : i32
        %dma_start3A_247 = tpu.memref_slice %arg2[%add3A, %add3A_240, %dma_start3A_245, %dma_start3A_246] : memref<32x80x2x128xi32, #tpu.memory_space<hbm>> -> memref<1x1x2x128xi32, #tpu.memory_space<hbm>>
        %dma_start3A_248 = tpu.memref_squeeze %dma_start3A_247 : memref<1x1x2x128xi32, #tpu.memory_space<hbm>> -> memref<1x2x128xi32, #tpu.memory_space<hbm>>
        tpu.enqueue_dma source(%dma_start3A_248 : memref<1x2x128xi32, #tpu.memory_space<hbm>>) target(%arg6 : memref<1x2x128xi32, #tpu.memory_space<vmem>>) target_semaphore(%arg13 : memref<!tpu.dma_semaphore, #tpu.memory_space<semaphore_mem>>)
      } else {
      }
    }
    %scan3A_50 = arith.constant 20 : i32
    %dma_wait3A_51 = arith.constant 0 : i32
    %dma_wait3A_52 = arith.constant 1 : i32
    %dma_wait3A_53 = arith.constant 0 : i32
    %dma_wait3A_54 = tpu.memref_slice %arg8[%dma_wait3A_51, %dma_wait3A_52, %dma_wait3A_53] : memref<1x2x128xi32, #tpu.memory_space<vmem>> -> memref<1x1x128xi32, #tpu.memory_space<vmem>>
    %dma_wait3A_55 = tpu.memref_squeeze %dma_wait3A_54 : memref<1x1x128xi32, #tpu.memory_space<vmem>> -> memref<128xi32, #tpu.memory_space<vmem>>
    %dma_wait3A_56 = arith.constant 0 : i32
    %dma_wait3A_57 = arith.constant 0 : i32
    %dma_wait3A_58 = tpu.memref_slice %arg11[%dma_wait3A_56, %dma_wait3A_57] : memref<10240x128xf32, #tpu.memory_space<vmem_shared>> -> memref<10240x128xf32, #tpu.memory_space<vmem_shared>>
    tpu.wait_indirect_dma semaphore(%arg19 : memref<!tpu.dma_semaphore, #tpu.memory_space<semaphore_mem>>) src(%arg10 : memref<128x128xf32, #tpu.memory_space<vmem>>) dst(%dma_wait3A_58 : memref<10240x128xf32, #tpu.memory_space<vmem_shared>>)
    %barrier3A_59 = arith.constant 0 : index
    tpu.barrier barrier_id(%barrier3A_59)
    %mul3A_60 = arith.constant 640 : i32
    %mul3A_61 = arith.muli %arg1, %mul3A_60 : i32
    %mul3A_62 = arith.constant 640 : i32
    %mul3A_63 = arith.muli %arg1, %mul3A_62 : i32
    "tpu.region"() ({
      %run_scoped3A = tpu.sem_alloc : memref<!tpu.dma_semaphore, #tpu.memory_space<semaphore_mem>>
      %dma_start3A_64 = arith.constant 0 : i32
      %dma_start3A_65 = arith.constant 0 : i32
      %dma_start3A_66 = tpu.memref_slice %arg4[%arg0, %dma_start3A_64, %dma_start3A_65] : memref<2x10240x128xf32, #tpu.memory_space<hbm>> -> memref<1x10240x128xf32, #tpu.memory_space<hbm>>
      %dma_start3A_67 = tpu.memref_squeeze %dma_start3A_66 : memref<1x10240x128xf32, #tpu.memory_space<hbm>> -> memref<10240x128xf32, #tpu.memory_space<hbm>>
      %dma_start3A_68 = arith.constant 0 : i32
      %dma_start3A_69 = tpu.memref_slice %dma_start3A_67[%mul3A_63, %dma_start3A_68] : memref<10240x128xf32, #tpu.memory_space<hbm>> -> memref<640x128xf32, #tpu.memory_space<hbm>>
      %dma_start3A_70 = arith.constant 0 : i32
      %dma_start3A_71 = tpu.memref_slice %arg11[%mul3A_61, %dma_start3A_70] : memref<10240x128xf32, #tpu.memory_space<vmem_shared>> -> memref<640x128xf32, #tpu.memory_space<vmem_shared>>
      tpu.enqueue_dma source(%dma_start3A_71 : memref<640x128xf32, #tpu.memory_space<vmem_shared>>) target(%dma_start3A_69 : memref<640x128xf32, #tpu.memory_space<hbm>>) target_semaphore(%run_scoped3A : memref<!tpu.dma_semaphore, #tpu.memory_space<semaphore_mem>>)
      %dma_wait3A_72 = arith.constant 0 : i32
      %dma_wait3A_73 = arith.constant 0 : i32
      %dma_wait3A_74 = tpu.memref_slice %arg4[%arg0, %dma_wait3A_72, %dma_wait3A_73] : memref<2x10240x128xf32, #tpu.memory_space<hbm>> -> memref<1x10240x128xf32, #tpu.memory_space<hbm>>
      %dma_wait3A_75 = tpu.memref_squeeze %dma_wait3A_74 : memref<1x10240x128xf32, #tpu.memory_space<hbm>> -> memref<10240x128xf32, #tpu.memory_space<hbm>>
      %dma_wait3A_76 = arith.constant 0 : i32
      %dma_wait3A_77 = tpu.memref_slice %dma_wait3A_75[%mul3A_63, %dma_wait3A_76] : memref<10240x128xf32, #tpu.memory_space<hbm>> -> memref<640x128xf32, #tpu.memory_space<hbm>>
      %dma_wait3A_78 = arith.constant 0 : i32
      %dma_wait3A_79 = tpu.memref_slice %arg11[%mul3A_61, %dma_wait3A_78] : memref<10240x128xf32, #tpu.memory_space<vmem_shared>> -> memref<640x128xf32, #tpu.memory_space<vmem_shared>>
      tpu.wait_dma2 semaphore(%run_scoped3A : memref<!tpu.dma_semaphore, #tpu.memory_space<semaphore_mem>>) src(%dma_wait3A_79 : memref<640x128xf32, #tpu.memory_space<vmem_shared>>) dst(%dma_wait3A_77 : memref<640x128xf32, #tpu.memory_space<hbm>>)
      tpu.yield
    }) : () -> ()
    return
  }
}

module attributes {stable_mosaic.version = 14 : i64} {
  func.func @_proj_embed_kernel(%arg0: i32, %arg1: memref<1000x128xf32, #tpu.memory_space<vmem>>, %arg2: memref<1x1x1000xi32, #tpu.memory_space<vmem>>, %arg3: memref<128x128xf32, #tpu.memory_space<vmem>>, %arg4: memref<8x128xf32, #tpu.memory_space<vmem>>, %arg5: memref<104x128xf32, #tpu.memory_space<vmem>>, %arg6: memref<1000x128xf32, #tpu.memory_space<vmem>>) attributes {dimension_semantics = [#tpu.dimension_semantics<arbitrary>], iteration_bounds = array<i64: 10>, scalar_prefetch = 0 : i64, scratch_operands = 0 : i64, tpu.core_type = #tpu.core_type<tc>, window_params = [{transform_indices = @transform_0, window_bounds = array<i64: 1000, 128>}, {transform_indices = @transform_1, window_bounds = array<i64: 1, 1, 1000>}, {pipeline_mode = #tpu.pipeline_mode<synchronous>, transform_indices = @transform_2, window_bounds = array<i64: 128, 128>}, {pipeline_mode = #tpu.pipeline_mode<synchronous>, transform_indices = @transform_3, window_bounds = array<i64: 8, 128>}, {pipeline_mode = #tpu.pipeline_mode<synchronous>, transform_indices = @transform_4, window_bounds = array<i64: 104, 128>}, {transform_indices = @transform_5, window_bounds = array<i64: 1000, 128>}]} {
    %get3A = arith.constant 0 : index
    %get3A_0 = arith.constant 0 : index
    %get3A_1 = vector.load %arg1[%get3A, %get3A_0] : memref<1000x128xf32, #tpu.memory_space<vmem>>, vector<1000x128xf32>
    %get3A_2 = arith.constant 0 : index
    %get3A_3 = arith.constant 0 : index
    %get3A_4 = vector.load %arg3[%get3A_2, %get3A_3] : memref<128x128xf32, #tpu.memory_space<vmem>>, vector<128x128xf32>
    %dot_general3A = arith.constant dense<0.000000e+00> : vector<1000x128xf32>
    %dot_general3A_5 = tpu.matmul %get3A_1, %get3A_4, %dot_general3A {dimension_numbers = #tpu.dot_dimension_numbers<[1], [0], [0], [1], [0, 0, 1, 1], [], []>, transpose_lhs_hint = false} : vector<1000x128xf32>, vector<128x128xf32>, vector<1000x128xf32> -> vector<1000x128xf32>
    %get3A_6 = arith.constant 0 : index
    %get3A_7 = arith.constant 0 : index
    %get3A_8 = vector.load %arg4[%get3A_6, %get3A_7] : memref<8x128xf32, #tpu.memory_space<vmem>>, vector<1x128xf32>
    %get3A_9 = vector.shape_cast %get3A_8 : vector<1x128xf32> to vector<128xf32>
    %broadcast_in_dim3A = vector.shape_cast %get3A_9 : vector<128xf32> to vector<1x128xf32>
    %add3A = vector.broadcast %broadcast_in_dim3A : vector<1x128xf32> to vector<1000x128xf32>
    %add3A_10 = arith.addf %dot_general3A_5, %add3A : vector<1000x128xf32>
    %get3A_11 = arith.constant 0 : index
    %get3A_12 = arith.constant 0 : index
    %get3A_13 = arith.constant 0 : index
    %get3A_14 = vector.load %arg2[%get3A_11, %get3A_12, %get3A_13] : memref<1x1x1000xi32, #tpu.memory_space<vmem>>, vector<1x1x1000xi32>
    %get3A_15 = vector.shape_cast %get3A_14 : vector<1x1x1000xi32> to vector<1000xi32>
    %iota3A = tpu.iota {dimensions = array<i32: 1>} : vector<1000x104xi32>
    %broadcast_in_dim3A_16 = vector.shape_cast %get3A_15 : vector<1000xi32> to vector<1000x1xi32>
    %eq3A = vector.broadcast %broadcast_in_dim3A_16 : vector<1000x1xi32> to vector<1000x104xi32>
    %eq3A_17 = arith.cmpi eq, %eq3A, %iota3A : vector<1000x104xi32>
    %convert_element_type3A = arith.extui %eq3A_17 : vector<1000x104xi1> to vector<1000x104xi32>
    %convert_element_type3A_18 = arith.sitofp %convert_element_type3A : vector<1000x104xi32> to vector<1000x104xf32>
    %get3A_19 = arith.constant 0 : index
    %get3A_20 = arith.constant 0 : index
    %get3A_21 = vector.load %arg5[%get3A_19, %get3A_20] : memref<104x128xf32, #tpu.memory_space<vmem>>, vector<104x128xf32>
    %dot_general3A_22 = arith.constant dense<0.000000e+00> : vector<1000x128xf32>
    %dot_general3A_23 = tpu.matmul %convert_element_type3A_18, %get3A_21, %dot_general3A_22 {dimension_numbers = #tpu.dot_dimension_numbers<[1], [0], [0], [1], [0, 0, 1, 1], [], []>, transpose_lhs_hint = false} : vector<1000x104xf32>, vector<104x128xf32>, vector<1000x128xf32> -> vector<1000x128xf32>
    %add3A_24 = arith.addf %add3A_10, %dot_general3A_23 : vector<1000x128xf32>
    %swap3A = arith.constant 0 : index
    %swap3A_25 = arith.constant 0 : index
    %swap3A_26 = vector.load %arg6[%swap3A, %swap3A_25] : memref<1000x128xf32, #tpu.memory_space<vmem>>, vector<1000x128xf32>
    tpu.vector_store %arg6[%swap3A, %swap3A_25], %add3A_24 {strides = array<i32>} : memref<1000x128xf32, #tpu.memory_space<vmem>>, vector<1000x128xf32>,
    return
  }
  func.func @transform_0(%arg0: i32) -> (i32, i32) {
    %c0_i32 = arith.constant 0 : i32
    %c0_i32_0 = arith.constant 0 : i32
    return %arg0, %c0_i32 : i32, i32
  }
  func.func @transform_1(%arg0: i32) -> (i32, i32, i32) {
    %c0_i32 = arith.constant 0 : i32
    %c0_i32_0 = arith.constant 0 : i32
    %c0_i32_1 = arith.constant 0 : i32
    return %arg0, %c0_i32, %c0_i32_0 : i32, i32, i32
  }
  func.func @transform_2(%arg0: i32) -> (i32, i32) {
    %c0_i32 = arith.constant 0 : i32
    %c0_i32_0 = arith.constant 0 : i32
    %c0_i32_1 = arith.constant 0 : i32
    return %c0_i32, %c0_i32_0 : i32, i32
  }
  func.func @transform_3(%arg0: i32) -> (i32, i32) {
    %c0_i32 = arith.constant 0 : i32
    %c0_i32_0 = arith.constant 0 : i32
    %c0_i32_1 = arith.constant 0 : i32
    return %c0_i32, %c0_i32_0 : i32, i32
  }
  func.func @transform_4(%arg0: i32) -> (i32, i32) {
    %c0_i32 = arith.constant 0 : i32
    %c0_i32_0 = arith.constant 0 : i32
    %c0_i32_1 = arith.constant 0 : i32
    return %c0_i32, %c0_i32_0 : i32, i32
  }
  func.func @transform_5(%arg0: i32) -> (i32, i32) {
    %c0_i32 = arith.constant 0 : i32
    %c0_i32_0 = arith.constant 0 : i32
    return %arg0, %c0_i32 : i32, i32
  }
}

module attributes {stable_mosaic.version = 14 : i64} {
  func.func @_gin_mlp_kernel(%arg0: i32, %arg1: memref<1000x128xf32, #tpu.memory_space<vmem>>, %arg2: memref<2x1000x128xf32, #tpu.memory_space<vmem>>, %arg3: memref<128x128xf32, #tpu.memory_space<vmem>>, %arg4: memref<8x128xf32, #tpu.memory_space<vmem>>, %arg5: memref<128x128xf32, #tpu.memory_space<vmem>>, %arg6: memref<8x128xf32, #tpu.memory_space<vmem>>, %arg7: memref<1000x128xf32, #tpu.memory_space<vmem>>) attributes {dimension_semantics = [#tpu.dimension_semantics<arbitrary>], iteration_bounds = array<i64: 10>, scalar_prefetch = 0 : i64, scratch_operands = 0 : i64, tpu.core_type = #tpu.core_type<tc>, window_params = [{transform_indices = @transform_0, window_bounds = array<i64: 1000, 128>}, {transform_indices = @transform_1, window_bounds = array<i64: 2, 1000, 128>}, {pipeline_mode = #tpu.pipeline_mode<synchronous>, transform_indices = @transform_2, window_bounds = array<i64: 128, 128>}, {pipeline_mode = #tpu.pipeline_mode<synchronous>, transform_indices = @transform_3, window_bounds = array<i64: 8, 128>}, {pipeline_mode = #tpu.pipeline_mode<synchronous>, transform_indices = @transform_4, window_bounds = array<i64: 128, 128>}, {pipeline_mode = #tpu.pipeline_mode<synchronous>, transform_indices = @transform_5, window_bounds = array<i64: 8, 128>}, {transform_indices = @transform_6, window_bounds = array<i64: 1000, 128>}]} {
    %get3A = arith.constant 0 : index
    %get3A_0 = arith.constant 0 : index
    %get3A_1 = vector.load %arg1[%get3A, %get3A_0] : memref<1000x128xf32, #tpu.memory_space<vmem>>, vector<1000x128xf32>
    %get3A_2 = arith.constant 0 : index
    %get3A_3 = arith.constant 0 : index
    %get3A_4 = arith.constant 0 : index
    %get3A_5 = vector.load %arg2[%get3A_2, %get3A_3, %get3A_4] : memref<2x1000x128xf32, #tpu.memory_space<vmem>>, vector<2x1000x128xf32>
    %reduce_sum3A = arith.constant dense<0.000000e+00> : vector<1000x128xf32>
    %reduce_sum3A_6 = vector.multi_reduction <add>, %get3A_5, %reduce_sum3A [0] : vector<2x1000x128xf32> to vector<1000x128xf32>
    %add3A = arith.addf %get3A_1, %reduce_sum3A_6 : vector<1000x128xf32>
    %get3A_7 = arith.constant 0 : index
    %get3A_8 = arith.constant 0 : index
    %get3A_9 = vector.load %arg3[%get3A_7, %get3A_8] : memref<128x128xf32, #tpu.memory_space<vmem>>, vector<128x128xf32>
    %dot_general3A = arith.constant dense<0.000000e+00> : vector<1000x128xf32>
    %dot_general3A_10 = tpu.matmul %add3A, %get3A_9, %dot_general3A {dimension_numbers = #tpu.dot_dimension_numbers<[1], [0], [0], [1], [0, 0, 1, 1], [], []>, transpose_lhs_hint = false} : vector<1000x128xf32>, vector<128x128xf32>, vector<1000x128xf32> -> vector<1000x128xf32>
    %get3A_11 = arith.constant 0 : index
    %get3A_12 = arith.constant 0 : index
    %get3A_13 = vector.load %arg4[%get3A_11, %get3A_12] : memref<8x128xf32, #tpu.memory_space<vmem>>, vector<1x128xf32>
    %get3A_14 = vector.shape_cast %get3A_13 : vector<1x128xf32> to vector<128xf32>
    %broadcast_in_dim3A = vector.shape_cast %get3A_14 : vector<128xf32> to vector<1x128xf32>
    %add3A_15 = vector.broadcast %broadcast_in_dim3A : vector<1x128xf32> to vector<1000x128xf32>
    %add3A_16 = arith.addf %dot_general3A_10, %add3A_15 : vector<1000x128xf32>
    %max3A = arith.constant 0.000000e+00 : f32
    %max3A_17 = vector.broadcast %max3A : f32 to vector<1000x128xf32>
    %max3A_18 = arith.maximumf %add3A_16, %max3A_17 : vector<1000x128xf32>
    %get3A_19 = arith.constant 0 : index
    %get3A_20 = arith.constant 0 : index
    %get3A_21 = vector.load %arg5[%get3A_19, %get3A_20] : memref<128x128xf32, #tpu.memory_space<vmem>>, vector<128x128xf32>
    %dot_general3A_22 = arith.constant dense<0.000000e+00> : vector<1000x128xf32>
    %dot_general3A_23 = tpu.matmul %max3A_18, %get3A_21, %dot_general3A_22 {dimension_numbers = #tpu.dot_dimension_numbers<[1], [0], [0], [1], [0, 0, 1, 1], [], []>, transpose_lhs_hint = false} : vector<1000x128xf32>, vector<128x128xf32>, vector<1000x128xf32> -> vector<1000x128xf32>
    %get3A_24 = arith.constant 0 : index
    %get3A_25 = arith.constant 0 : index
    %get3A_26 = vector.load %arg6[%get3A_24, %get3A_25] : memref<8x128xf32, #tpu.memory_space<vmem>>, vector<1x128xf32>
    %get3A_27 = vector.shape_cast %get3A_26 : vector<1x128xf32> to vector<128xf32>
    %broadcast_in_dim3A_28 = vector.shape_cast %get3A_27 : vector<128xf32> to vector<1x128xf32>
    %add3A_29 = vector.broadcast %broadcast_in_dim3A_28 : vector<1x128xf32> to vector<1000x128xf32>
    %add3A_30 = arith.addf %dot_general3A_23, %add3A_29 : vector<1000x128xf32>
    %max3A_31 = arith.constant 0.000000e+00 : f32
    %max3A_32 = vector.broadcast %max3A_31 : f32 to vector<1000x128xf32>
    %max3A_33 = arith.maximumf %add3A_30, %max3A_32 : vector<1000x128xf32>
    %swap3A = arith.constant 0 : index
    %swap3A_34 = arith.constant 0 : index
    %swap3A_35 = vector.load %arg7[%swap3A, %swap3A_34] : memref<1000x128xf32, #tpu.memory_space<vmem>>, vector<1000x128xf32>
    tpu.vector_store %arg7[%swap3A, %swap3A_34], %max3A_33 {strides = array<i32>} : memref<1000x128xf32, #tpu.memory_space<vmem>>, vector<1000x128xf32>,
    return
  }
  func.func @transform_0(%arg0: i32) -> (i32, i32) {
    %c0_i32 = arith.constant 0 : i32
    %c0_i32_0 = arith.constant 0 : i32
    return %arg0, %c0_i32 : i32, i32
  }
  func.func @transform_1(%arg0: i32) -> (i32, i32, i32) {
    %c0_i32 = arith.constant 0 : i32
    %c0_i32_0 = arith.constant 0 : i32
    %c0_i32_1 = arith.constant 0 : i32
    return %c0_i32, %arg0, %c0_i32_0 : i32, i32, i32
  }
  func.func @transform_2(%arg0: i32) -> (i32, i32) {
    %c0_i32 = arith.constant 0 : i32
    %c0_i32_0 = arith.constant 0 : i32
    %c0_i32_1 = arith.constant 0 : i32
    return %c0_i32, %c0_i32_0 : i32, i32
  }
  func.func @transform_3(%arg0: i32) -> (i32, i32) {
    %c0_i32 = arith.constant 0 : i32
    %c0_i32_0 = arith.constant 0 : i32
    %c0_i32_1 = arith.constant 0 : i32
    return %c0_i32, %c0_i32_0 : i32, i32
  }
  func.func @transform_4(%arg0: i32) -> (i32, i32) {
    %c0_i32 = arith.constant 0 : i32
    %c0_i32_0 = arith.constant 0 : i32
    %c0_i32_1 = arith.constant 0 : i32
    return %c0_i32, %c0_i32_0 : i32, i32
  }
  func.func @transform_5(%arg0: i32) -> (i32, i32) {
    %c0_i32 = arith.constant 0 : i32
    %c0_i32_0 = arith.constant 0 : i32
    %c0_i32_1 = arith.constant 0 : i32
    return %c0_i32, %c0_i32_0 : i32, i32
  }
  func.func @transform_6(%arg0: i32) -> (i32, i32) {
    %c0_i32 = arith.constant 0 : i32
    %c0_i32_0 = arith.constant 0 : i32
    return %arg0, %c0_i32 : i32, i32
  }
}

module attributes {stable_mosaic.version = 14 : i64} {
  func.func @_gin_mlp_pool_kernel(%arg0: i32, %arg1: memref<1000x128xf32, #tpu.memory_space<vmem>>, %arg2: memref<2x1000x128xf32, #tpu.memory_space<vmem>>, %arg3: memref<128x128xf32, #tpu.memory_space<vmem>>, %arg4: memref<8x128xf32, #tpu.memory_space<vmem>>, %arg5: memref<128x128xf32, #tpu.memory_space<vmem>>, %arg6: memref<8x128xf32, #tpu.memory_space<vmem>>, %arg7: memref<1x1x1000xi32, #tpu.memory_space<vmem>>, %arg8: memref<128x128xf32, #tpu.memory_space<vmem>>, %arg9: memref<8x128xf32, #tpu.memory_space<vmem>>, %arg10: memref<16x128xf32, #tpu.memory_space<vmem>>, %arg11: memref<16x128xf32, #tpu.memory_space<vmem>>, %arg12: memref<16x128xf32, #tpu.memory_space<vmem>>) attributes {dimension_semantics = [#tpu.dimension_semantics<arbitrary>], iteration_bounds = array<i64: 10>, scalar_prefetch = 0 : i64, scratch_operands = 0 : i64, tpu.core_type = #tpu.core_type<tc>, window_params = [{transform_indices = @transform_0, window_bounds = array<i64: 1000, 128>}, {transform_indices = @transform_1, window_bounds = array<i64: 2, 1000, 128>}, {pipeline_mode = #tpu.pipeline_mode<synchronous>, transform_indices = @transform_2, window_bounds = array<i64: 128, 128>}, {pipeline_mode = #tpu.pipeline_mode<synchronous>, transform_indices = @transform_3, window_bounds = array<i64: 8, 128>}, {pipeline_mode = #tpu.pipeline_mode<synchronous>, transform_indices = @transform_4, window_bounds = array<i64: 128, 128>}, {pipeline_mode = #tpu.pipeline_mode<synchronous>, transform_indices = @transform_5, window_bounds = array<i64: 8, 128>}, {transform_indices = @transform_6, window_bounds = array<i64: 1, 1, 1000>}, {pipeline_mode = #tpu.pipeline_mode<synchronous>, transform_indices = @transform_7, window_bounds = array<i64: 128, 128>}, {pipeline_mode = #tpu.pipeline_mode<synchronous>, transform_indices = @transform_8, window_bounds = array<i64: 8, 128>}, {pipeline_mode = #tpu.pipeline_mode<synchronous>, transform_indices = @transform_9, window_bounds = array<i64: 16, 128>}, {pipeline_mode = #tpu.pipeline_mode<synchronous>, transform_indices = @transform_10, window_bounds = array<i64: 16, 128>}, {pipeline_mode = #tpu.pipeline_mode<synchronous>, transform_indices = @transform_11, window_bounds = array<i64: 16, 128>}]} {
    %get3A = arith.constant 0 : index
    %get3A_0 = arith.constant 0 : index
    %get3A_1 = vector.load %arg1[%get3A, %get3A_0] : memref<1000x128xf32, #tpu.memory_space<vmem>>, vector<1000x128xf32>
    %get3A_2 = arith.constant 0 : index
    %get3A_3 = arith.constant 0 : index
    %get3A_4 = arith.constant 0 : index
    %get3A_5 = vector.load %arg2[%get3A_2, %get3A_3, %get3A_4] : memref<2x1000x128xf32, #tpu.memory_space<vmem>>, vector<2x1000x128xf32>
    %reduce_sum3A = arith.constant dense<0.000000e+00> : vector<1000x128xf32>
    %reduce_sum3A_6 = vector.multi_reduction <add>, %get3A_5, %reduce_sum3A [0] : vector<2x1000x128xf32> to vector<1000x128xf32>
    %add3A = arith.addf %get3A_1, %reduce_sum3A_6 : vector<1000x128xf32>
    %get3A_7 = arith.constant 0 : index
    %get3A_8 = arith.constant 0 : index
    %get3A_9 = vector.load %arg3[%get3A_7, %get3A_8] : memref<128x128xf32, #tpu.memory_space<vmem>>, vector<128x128xf32>
    %dot_general3A = arith.constant dense<0.000000e+00> : vector<1000x128xf32>
    %dot_general3A_10 = tpu.matmul %add3A, %get3A_9, %dot_general3A {dimension_numbers = #tpu.dot_dimension_numbers<[1], [0], [0], [1], [0, 0, 1, 1], [], []>, transpose_lhs_hint = false} : vector<1000x128xf32>, vector<128x128xf32>, vector<1000x128xf32> -> vector<1000x128xf32>
    %get3A_11 = arith.constant 0 : index
    %get3A_12 = arith.constant 0 : index
    %get3A_13 = vector.load %arg4[%get3A_11, %get3A_12] : memref<8x128xf32, #tpu.memory_space<vmem>>, vector<1x128xf32>
    %get3A_14 = vector.shape_cast %get3A_13 : vector<1x128xf32> to vector<128xf32>
    %broadcast_in_dim3A = vector.shape_cast %get3A_14 : vector<128xf32> to vector<1x128xf32>
    %add3A_15 = vector.broadcast %broadcast_in_dim3A : vector<1x128xf32> to vector<1000x128xf32>
    %add3A_16 = arith.addf %dot_general3A_10, %add3A_15 : vector<1000x128xf32>
    %max3A = arith.constant 0.000000e+00 : f32
    %max3A_17 = vector.broadcast %max3A : f32 to vector<1000x128xf32>
    %max3A_18 = arith.maximumf %add3A_16, %max3A_17 : vector<1000x128xf32>
    %get3A_19 = arith.constant 0 : index
    %get3A_20 = arith.constant 0 : index
    %get3A_21 = vector.load %arg5[%get3A_19, %get3A_20] : memref<128x128xf32, #tpu.memory_space<vmem>>, vector<128x128xf32>
    %dot_general3A_22 = arith.constant dense<0.000000e+00> : vector<1000x128xf32>
    %dot_general3A_23 = tpu.matmul %max3A_18, %get3A_21, %dot_general3A_22 {dimension_numbers = #tpu.dot_dimension_numbers<[1], [0], [0], [1], [0, 0, 1, 1], [], []>, transpose_lhs_hint = false} : vector<1000x128xf32>, vector<128x128xf32>, vector<1000x128xf32> -> vector<1000x128xf32>
    %get3A_24 = arith.constant 0 : index
    %get3A_25 = arith.constant 0 : index
    %get3A_26 = vector.load %arg6[%get3A_24, %get3A_25] : memref<8x128xf32, #tpu.memory_space<vmem>>, vector<1x128xf32>
    %get3A_27 = vector.shape_cast %get3A_26 : vector<1x128xf32> to vector<128xf32>
    %broadcast_in_dim3A_28 = vector.shape_cast %get3A_27 : vector<128xf32> to vector<1x128xf32>
    %add3A_29 = vector.broadcast %broadcast_in_dim3A_28 : vector<1x128xf32> to vector<1000x128xf32>
    %add3A_30 = arith.addf %dot_general3A_23, %add3A_29 : vector<1000x128xf32>
    %max3A_31 = arith.constant 0.000000e+00 : f32
    %max3A_32 = vector.broadcast %max3A_31 : f32 to vector<1000x128xf32>
    %max3A_33 = arith.maximumf %add3A_30, %max3A_32 : vector<1000x128xf32>
    %get3A_34 = arith.constant 0 : index
    %get3A_35 = arith.constant 0 : index
    %get3A_36 = arith.constant 0 : index
    %get3A_37 = vector.load %arg7[%get3A_34, %get3A_35, %get3A_36] : memref<1x1x1000xi32, #tpu.memory_space<vmem>>, vector<1x1x1000xi32>
    %get3A_38 = vector.shape_cast %get3A_37 : vector<1x1x1000xi32> to vector<1000xi32>
    %iota3A = tpu.iota {dimensions = array<i32: 1>} : vector<1000x16xi32>
    %broadcast_in_dim3A_39 = vector.shape_cast %get3A_38 : vector<1000xi32> to vector<1000x1xi32>
    %eq3A = vector.broadcast %broadcast_in_dim3A_39 : vector<1000x1xi32> to vector<1000x16xi32>
    %eq3A_40 = arith.cmpi eq, %eq3A, %iota3A : vector<1000x16xi32>
    %convert_element_type3A = arith.extui %eq3A_40 : vector<1000x16xi1> to vector<1000x16xi32>
    %convert_element_type3A_41 = arith.sitofp %convert_element_type3A : vector<1000x16xi32> to vector<1000x16xf32>
    %transpose3A = tpu.transpose %convert_element_type3A_41, [1, 0] : vector<1000x16xf32> -> vector<16x1000xf32>
    %dot_general3A_42 = arith.constant dense<0.000000e+00> : vector<16x128xf32>
    %dot_general3A_43 = tpu.matmul %transpose3A, %max3A_33, %dot_general3A_42 {dimension_numbers = #tpu.dot_dimension_numbers<[1], [0], [0], [1], [0, 0, 1, 1], [], []>, transpose_lhs_hint = false} : vector<16x1000xf32>, vector<1000x128xf32>, vector<16x128xf32> -> vector<16x128xf32>
    %reduce_sum3A_44 = arith.constant dense<0.000000e+00> : vector<16xf32>
    %reduce_sum3A_45 = vector.multi_reduction <add>, %convert_element_type3A_41, %reduce_sum3A_44 [0] : vector<1000x16xf32> to vector<16xf32>
    %broadcast_in_dim3A_46 = vector.shape_cast %reduce_sum3A_45 : vector<16xf32> to vector<16x1xf32>
    %broadcast_in_dim3A_47 = vector.shape_cast %broadcast_in_dim3A_46 : vector<16x1xf32> to vector<16x1xf32>
    %broadcast_in_dim3A_48 = vector.broadcast %broadcast_in_dim3A_47 : vector<16x1xf32> to vector<16x128xf32>
    %eq3A_49 = arith.constant 0 : i32
    %eq3A_50 = arith.cmpi eq, %arg0, %eq3A_49 : i32
    %convert_element_type3A_51 = arith.extui %eq3A_50 : i1 to i32
    %cond3A = arith.constant 0 : i32
    %cond3A_52 = arith.cmpi ne, %convert_element_type3A_51, %cond3A : i32
    scf.if %cond3A_52 {
      %broadcast_in_dim3A_71 = arith.constant 0.000000e+00 : f32
      %broadcast_in_dim3A_72 = vector.broadcast %broadcast_in_dim3A_71 : f32 to vector<16x128xf32>
      %swap3A_73 = arith.constant 0 : index
      %swap3A_74 = arith.constant 0 : index
      %swap3A_75 = vector.load %arg10[%swap3A_73, %swap3A_74] : memref<16x128xf32, #tpu.memory_space<vmem>>, vector<16x128xf32>
      tpu.vector_store %arg10[%swap3A_73, %swap3A_74], %broadcast_in_dim3A_72 {strides = array<i32>} : memref<16x128xf32, #tpu.memory_space<vmem>>, vector<16x128xf32>,
      %broadcast_in_dim3A_76 = arith.constant 0.000000e+00 : f32
      %broadcast_in_dim3A_77 = vector.broadcast %broadcast_in_dim3A_76 : f32 to vector<16x128xf32>
      %swap3A_78 = arith.constant 0 : index
      %swap3A_79 = arith.constant 0 : index
      %swap3A_80 = vector.load %arg11[%swap3A_78, %swap3A_79] : memref<16x128xf32, #tpu.memory_space<vmem>>, vector<16x128xf32>
      tpu.vector_store %arg11[%swap3A_78, %swap3A_79], %broadcast_in_dim3A_77 {strides = array<i32>} : memref<16x128xf32, #tpu.memory_space<vmem>>, vector<16x128xf32>,
    } else {
    }
    %get3A_53 = arith.constant 0 : index
    %get3A_54 = arith.constant 0 : index
    %get3A_55 = vector.load %arg10[%get3A_53, %get3A_54] : memref<16x128xf32, #tpu.memory_space<vmem>>, vector<16x128xf32>
    %add3A_56 = arith.addf %get3A_55, %dot_general3A_43 : vector<16x128xf32>
    %swap3A = arith.constant 0 : index
    %swap3A_57 = arith.constant 0 : index
    %swap3A_58 = vector.load %arg10[%swap3A, %swap3A_57] : memref<16x128xf32, #tpu.memory_space<vmem>>, vector<16x128xf32>
    tpu.vector_store %arg10[%swap3A, %swap3A_57], %add3A_56 {strides = array<i32>} : memref<16x128xf32, #tpu.memory_space<vmem>>, vector<16x128xf32>,
    %get3A_59 = arith.constant 0 : index
    %get3A_60 = arith.constant 0 : index
    %get3A_61 = vector.load %arg11[%get3A_59, %get3A_60] : memref<16x128xf32, #tpu.memory_space<vmem>>, vector<16x128xf32>
    %add3A_62 = arith.addf %get3A_61, %broadcast_in_dim3A_48 : vector<16x128xf32>
    %swap3A_63 = arith.constant 0 : index
    %swap3A_64 = arith.constant 0 : index
    %swap3A_65 = vector.load %arg11[%swap3A_63, %swap3A_64] : memref<16x128xf32, #tpu.memory_space<vmem>>, vector<16x128xf32>
    tpu.vector_store %arg11[%swap3A_63, %swap3A_64], %add3A_62 {strides = array<i32>} : memref<16x128xf32, #tpu.memory_space<vmem>>, vector<16x128xf32>,
    %eq3A_66 = arith.constant 9 : i32
    %eq3A_67 = arith.cmpi eq, %arg0, %eq3A_66 : i32
    %convert_element_type3A_68 = arith.extui %eq3A_67 : i1 to i32
    %cond3A_69 = arith.constant 0 : i32
    %cond3A_70 = arith.cmpi ne, %convert_element_type3A_68, %cond3A_69 : i32
    scf.if %cond3A_70 {
      %get3A_71 = arith.constant 0 : index
      %get3A_72 = arith.constant 0 : index
      %get3A_73 = vector.load %arg10[%get3A_71, %get3A_72] : memref<16x128xf32, #tpu.memory_space<vmem>>, vector<16x128xf32>
      %get3A_74 = arith.constant 0 : index
      %get3A_75 = arith.constant 0 : index
      %get3A_76 = vector.load %arg11[%get3A_74, %get3A_75] : memref<16x128xf32, #tpu.memory_space<vmem>>, vector<16x128xf32>
      %max3A_77 = arith.constant 1.000000e+00 : f32
      %max3A_78 = vector.broadcast %max3A_77 : f32 to vector<16x128xf32>
      %max3A_79 = arith.maximumf %get3A_76, %max3A_78 : vector<16x128xf32>
      %div3A = arith.divf %get3A_73, %max3A_79 : vector<16x128xf32>
      %get3A_80 = arith.constant 0 : index
      %get3A_81 = arith.constant 0 : index
      %get3A_82 = vector.load %arg8[%get3A_80, %get3A_81] : memref<128x128xf32, #tpu.memory_space<vmem>>, vector<128x128xf32>
      %dot_general3A_83 = arith.constant dense<0.000000e+00> : vector<16x128xf32>
      %dot_general3A_84 = tpu.matmul %div3A, %get3A_82, %dot_general3A_83 {dimension_numbers = #tpu.dot_dimension_numbers<[1], [0], [0], [1], [0, 0, 1, 1], [], []>, transpose_lhs_hint = false} : vector<16x128xf32>, vector<128x128xf32>, vector<16x128xf32> -> vector<16x128xf32>
      %get3A_85 = arith.constant 0 : index
      %get3A_86 = arith.constant 0 : index
      %get3A_87 = vector.load %arg9[%get3A_85, %get3A_86] : memref<8x128xf32, #tpu.memory_space<vmem>>, vector<1x128xf32>
      %get3A_88 = vector.shape_cast %get3A_87 : vector<1x128xf32> to vector<128xf32>
      %broadcast_in_dim3A_89 = vector.shape_cast %get3A_88 : vector<128xf32> to vector<1x128xf32>
      %add3A_90 = vector.broadcast %broadcast_in_dim3A_89 : vector<1x128xf32> to vector<16x128xf32>
      %add3A_91 = arith.addf %dot_general3A_84, %add3A_90 : vector<16x128xf32>
      %swap3A_92 = arith.constant 0 : index
      %swap3A_93 = arith.constant 0 : index
      %swap3A_94 = vector.load %arg12[%swap3A_92, %swap3A_93] : memref<16x128xf32, #tpu.memory_space<vmem>>, vector<16x128xf32>
      tpu.vector_store %arg12[%swap3A_92, %swap3A_93], %add3A_91 {strides = array<i32>} : memref<16x128xf32, #tpu.memory_space<vmem>>, vector<16x128xf32>,
    } else {
    }
    return
  }
  func.func @transform_0(%arg0: i32) -> (i32, i32) {
    %c0_i32 = arith.constant 0 : i32
    %c0_i32_0 = arith.constant 0 : i32
    return %arg0, %c0_i32 : i32, i32
  }
  func.func @transform_1(%arg0: i32) -> (i32, i32, i32) {
    %c0_i32 = arith.constant 0 : i32
    %c0_i32_0 = arith.constant 0 : i32
    %c0_i32_1 = arith.constant 0 : i32
    return %c0_i32, %arg0, %c0_i32_0 : i32, i32, i32
  }
  func.func @transform_2(%arg0: i32) -> (i32, i32) {
    %c0_i32 = arith.constant 0 : i32
    %c0_i32_0 = arith.constant 0 : i32
    %c0_i32_1 = arith.constant 0 : i32
    return %c0_i32, %c0_i32_0 : i32, i32
  }
  func.func @transform_3(%arg0: i32) -> (i32, i32) {
    %c0_i32 = arith.constant 0 : i32
    %c0_i32_0 = arith.constant 0 : i32
    %c0_i32_1 = arith.constant 0 : i32
    return %c0_i32, %c0_i32_0 : i32, i32
  }
  func.func @transform_4(%arg0: i32) -> (i32, i32) {
    %c0_i32 = arith.constant 0 : i32
    %c0_i32_0 = arith.constant 0 : i32
    %c0_i32_1 = arith.constant 0 : i32
    return %c0_i32, %c0_i32_0 : i32, i32
  }
  func.func @transform_5(%arg0: i32) -> (i32, i32) {
    %c0_i32 = arith.constant 0 : i32
    %c0_i32_0 = arith.constant 0 : i32
    %c0_i32_1 = arith.constant 0 : i32
    return %c0_i32, %c0_i32_0 : i32, i32
  }
  func.func @transform_6(%arg0: i32) -> (i32, i32, i32) {
    %c0_i32 = arith.constant 0 : i32
    %c0_i32_0 = arith.constant 0 : i32
    %c0_i32_1 = arith.constant 0 : i32
    return %arg0, %c0_i32, %c0_i32_0 : i32, i32, i32
  }
  func.func @transform_7(%arg0: i32) -> (i32, i32) {
    %c0_i32 = arith.constant 0 : i32
    %c0_i32_0 = arith.constant 0 : i32
    %c0_i32_1 = arith.constant 0 : i32
    return %c0_i32, %c0_i32_0 : i32, i32
  }
  func.func @transform_8(%arg0: i32) -> (i32, i32) {
    %c0_i32 = arith.constant 0 : i32
    %c0_i32_0 = arith.constant 0 : i32
    %c0_i32_1 = arith.constant 0 : i32
    return %c0_i32, %c0_i32_0 : i32, i32
  }
  func.func @transform_9(%arg0: i32) -> (i32, i32) {
    %c0_i32 = arith.constant 0 : i32
    %c0_i32_0 = arith.constant 0 : i32
    %c0_i32_1 = arith.constant 0 : i32
    return %c0_i32, %c0_i32_0 : i32, i32
  }
  func.func @transform_10(%arg0: i32) -> (i32, i32) {
    %c0_i32 = arith.constant 0 : i32
    %c0_i32_0 = arith.constant 0 : i32
    %c0_i32_1 = arith.constant 0 : i32
    return %c0_i32, %c0_i32_0 : i32, i32
  }
  func.func @transform_11(%arg0: i32) -> (i32, i32) {
    %c0_i32 = arith.constant 0 : i32
    %c0_i32_0 = arith.constant 0 : i32
    %c0_i32_1 = arith.constant 0 : i32
    return %c0_i32, %c0_i32_0 : i32, i32
  }
}

</mosaic_0001>

<sc_bundles>
// kernel: kernel.12.cloned.1.call-start
scs
__scs_entry_jumppad:
0x0: {  	(pc) =	sbr.rel $0x88, $3  }
0x1: {  	(tag) =	ssettag $0x0;
	lr =	simm.s32 $0x1  }
0x2: {  	[smem:$0x3F8C] =	sst lr;
	_ =	strace $0xD0000000  }
0x3: {  	_ = 	snop  }
0x4: {  	_ = 	snop  }
0x5: {  	_ = 	snop  }
0x6: {  	_ = 	snop  }
0x7: {  	_ = 	snop  }
__scs_overlays_trampoline_lowered:
0x8: {  	[smem:$0x3F9B] =	sst s0  }
0x9: {  	[smem:$0x3F9C] =	sst s1  }
0xa: {  	[smem:$0x3F9D] =	sst s2  }
0xb: {  	[smem:$0x3F9E] =	sst s3  }
0xc: {  	[smem:$0x3F9F] =	sst s4  }
0xd: {  	[smem:$0x3FA0] =	sst s5  }
0xe: {  	[smem:$0x3FA1] =	sst s6  }
0xf: {  	[smem:$0x3FA2] =	sst s7  }
0x10: {  	[smem:$0x3FA3] =	sst s8  }
0x11: {  	[smem:$0x3FA4] =	sst s9;
	s0 =	simm.s32 @!p0 $0x0  }
0x12: {  	s1 =	sld [smem:$0x3F8A];
	s0 =	simm.s32 @p0 $0x1  }
0x13: {  	[smem:$0x3FA5] =	sst s0;
	s0 =	simm.s32 @!p1 $0x0  }
0x14: {  	s2 =	sld [smem:$0x3F89];
	s0 =	simm.s32 @p1 $0x1  }
0x15: {  	[smem:$0x3FA6] =	sst s0;
	s0 =	simm.s32 @!p2 $0x0  }
0x16: {  	s3 =	sld [smem:$0x3FDB];
	s0 =	simm.s32 @p2 $0x1  }
0x17: {  	s4 =	simm.s32 $0x1BF5;
	[smem:$0x3FA8] =	sst s0  }
0x18: {  	s0 =	sld [smem:$0x3F8B];
	_ =	swait.ge [sflag:s4], $0x0  }
0x19: {  	s7 =	sld [smem:$0x3F8C]  }
0x1a: {  	s8 =	sadd.s32 $0xFFFFE003, lr  }
0x1b: {  	s9 =	sadd.s32 $0xFFFFFEF7, lr;
	s5 =	simm.s32 $0xFFFFFFFF;
	p2 =	slt.u32 s8, $0xFFFFF086  }
0x1c: {  	p1 =	slt.u32 s9, $0xF7A;
	s5 =	simm.s32 @!p2 $0x0  }
0x1d: {  	s5 =	simm.s32 @p1 $0x1;
	p0 =	seq.s32 s7, s2  }
0x1e: {  	s7 =	smul.u32 @!p0 $0xF7A, s2;
	p2 =	seq.s32 @!p0 s5, $0x0  }
0x1f: {  	s9 =	smul.u32 $0xF7A, s1;
	s8 =	simm.s32 @!p0 $0x1BF5;
	p2 =	por !p2, p0  }
0x20: {  	[sflag:s8] =	ssyncset.s32 @!p0 $0xFFFFF086;
	s6 =	sadd.s32 @!p0 s3, s7;
	s7 =	simm.s32 @!p0 $0x108  }
0x21: {  	s3 =	sadd.s32 s3, s9;
	s6 =	sadd.s32 @!p0 $0x88, s6;
	s7 =	simm.s32 @p2 $0x1082  }
0x22: {  	[simem:s7], [sflag:s8] =	dma.local @!p0 [hbm:s6], $0xF7A  }
0x23: {  	s9 =	sor.u32 $0xD0000000, s2;
	s6 =	simm.s32 $0x108;
	_ =	swait.ge @!p0 [sflag:s8], $0x0  }
0x24: {  	s3 =	sadd.s32 $0x88, s3;
	s6 =	simm.s32 @!p1 $0x1082;
	[sflag:s4] =	ssyncset.s32 $0xFFFFF086  }
0x25: {  	[simem:s6], [sflag:s4] =	dma.local [hbm:s3], $0xF7A  }
0x26: {  	[smem:$0x3F8C] =	sst s1;
	(tag) =	ssettag s2;
	_ =	strace s9  }
0x27: {  	s1 =	sld [smem:$0x3F9C]  }
0x28: {  	s2 =	sld [smem:$0x3F9D]  }
0x29: {  	s4 =	sld [smem:$0x3F9F]  }
0x2a: {  	p0 =	seq.s32 s5, $0x0;
	s5 =	sld [smem:$0x3FA0]  }
0x2b: {  	s6 =	sld [smem:$0x3FA1]  }
0x2c: {  	s7 =	sld [smem:$0x3FA2]  }
0x2d: {  	s3 =	simm.s32 $0x108;
	s8 =	sld [smem:$0x3FA3]  }
0x2e: {  	s3 =	simm.s32 @!p0 $0x1082;
	s9 =	sld [smem:$0x3FA4]  }
0x2f: {  	lr =	sadd.s32 s0, s3;
	s0 =	sld [smem:$0x3F9B]  }
0x30: {  	s3 =	sld [smem:$0x3F9E]  }
0x31: {  	[smem:$0x3FA7] =	sst s10  }
0x32: {  	s10 =	sld [smem:$0x3FA5];
	_ =	sdelay $0x3  }
0x33: {  	p0 =	seq.s32 s10, $0x1;
	s10 =	sld [smem:$0x3FA7];
	_ =	sdelay $0x3  }
0x34: {  	[smem:$0x3FA7] =	sst s10  }
0x35: {  	s10 =	sld [smem:$0x3FA6];
	_ =	sdelay $0x3  }
0x36: {  	p1 =	seq.s32 s10, $0x1;
	s10 =	sld [smem:$0x3FA7];
	_ =	sdelay $0x3  }
0x37: {  	[smem:$0x3FA7] =	sst s10  }
0x38: {  	s10 =	sld [smem:$0x3FA8]  }
0x39: {  	_ = 	snop;
	(pc) =	sbr.ind lr, $3  }
0x3a: {  	_ = 	snop  }
0x3b: {  	_ = 	snop  }
0x3c: {  	p2 =	seq.s32 s10, $0x1;
	s10 =	sld [smem:$0x3FA7]  }
0x3d: {  	_ =	shalt  }
0x3e: {  	_ =	shalt  }
0x3f: {  	_ =	shalt  }
0x40: {  	_ =	shalt  }
0x41: {  	_ =	shalt  }
0x42: {  	_ =	shalt  }
0x43: {  	_ =	shalt  }
0x44: {  	_ =	shalt  }
0x45: {  	_ =	shalt  }
0x46: {  	_ =	shalt  }
0x47: {  	_ =	shalt  }
0x48: {  	_ =	shalt  }
0x49: {  	_ =	shalt  }
0x4a: {  	_ =	shalt  }
0x4b: {  	_ =	shalt  }
0x4c: {  	_ =	shalt  }
0x4d: {  	_ =	shalt  }
0x4e: {  	_ =	shalt  }
0x4f: {  	_ =	shalt  }
0x50: {  	_ =	shalt  }
0x51: {  	_ =	shalt  }
0x52: {  	_ =	shalt  }
0x53: {  	_ =	shalt  }
0x54: {  	_ =	shalt  }
0x55: {  	_ =	shalt  }
0x56: {  	_ =	shalt  }
0x57: {  	_ =	shalt  }
0x58: {  	_ =	shalt  }
0x59: {  	_ =	shalt  }
0x5a: {  	_ =	shalt  }
0x5b: {  	_ =	shalt  }
0x5c: {  	_ =	shalt  }
0x5d: {  	_ =	shalt  }
0x5e: {  	_ =	shalt  }
0x5f: {  	_ =	shalt  }
0x60: {  	_ =	shalt  }
0x61: {  	_ =	shalt  }
0x62: {  	_ =	shalt  }
0x63: {  	_ =	shalt  }
0x64: {  	_ =	shalt  }
0x65: {  	_ =	shalt  }
0x66: {  	_ =	shalt  }
0x67: {  	_ =	shalt  }
0x68: {  	_ =	shalt  }
0x69: {  	_ =	shalt  }
0x6a: {  	_ =	shalt  }
0x6b: {  	_ =	shalt  }
0x6c: {  	_ =	shalt  }
0x6d: {  	_ =	shalt  }
0x6e: {  	_ =	shalt  }
0x6f: {  	_ =	shalt  }
0x70: {  	_ =	shalt  }
0x71: {  	_ =	shalt  }
0x72: {  	_ =	shalt  }
0x73: {  	_ =	shalt  }
0x74: {  	_ =	shalt  }
0x75: {  	_ =	shalt  }
0x76: {  	_ =	shalt  }
0x77: {  	_ =	shalt  }
0x78: {  	_ =	shalt  }
0x79: {  	_ =	shalt  }
0x7a: {  	_ =	shalt  }
0x7b: {  	_ =	shalt  }
0x7c: {  	_ =	shalt  }
0x7d: {  	_ =	shalt  }
0x7e: {  	_ =	shalt  }
0x7f: {  	_ =	shalt  }
0x80: {  	_ =	shalt  }
0x81: {  	_ =	shalt  }
0x82: {  	_ =	shalt  }
0x83: {  	_ =	shalt  }
0x84: {  	_ =	shalt  }
0x85: {  	_ =	shalt  }
0x86: {  	_ =	shalt  }
0x87: {  	_ =	shalt  }
.Lfunc_end0:
.L_simem_size_0:
called_computation.1_lowered:
.L_overlay_start_0:
0x88: {  	s2 =	sld [smem:$0x3FD9]  }
0x89: {  	s3 =	sld [smem:$0x3FFE];
	_ =	sdelay $0x1  }
0x8a: {  	s1 =	srdreg.scid  }
0x8b: {  	s0 =	sand.u32 $0x1, s1  }
0x8c: {  	s16 =	sshll.u32 s0, $0xA;
	s2 =	sadd.s32 s3, s2  }
0x8d: {  	s2 =	sadd.s32 s2, s16  }
0x8e: {  	[smem:$0x3FB3] =	sst s2  }
0x8f: {  	_ = 	snop  }
0x90: {  	(tm) =	ssettm $0x1  }
0x91: {  	s17 =	sld [smem:$0x3FFB];
	_ =	sdelay $0x3  }
0x92: {  	_ =	strace s17  }
0x93: {  	s2 =	sld [smem:$0x3FFC];
	_ =	sdelay $0x3  }
0x94: {  	_ =	strace s2  }
0x95: {  	s2 =	sld [smem:$0x3FFD];
	_ =	sdelay $0x3  }
0x96: {  	_ =	strace s2  }
0x97: {  	_ =	strace $0x8FFFFFFF  }
0x98: {  	s18 =	sld [smem:$0x3FDB];
	_ =	sdelay $0x1  }
0x99: {  	s19 =	simm.s32 $_scs_section_size  }
0x9a: {  	s4 =	simm.s32 $_size__tile_overlayer_lowered;
	s5 =	simm.s32 $_tile_overlayer_lowered  }
0x9b: {  	s22 =	simm.s32 $0x1BFF;
	s21 =	sshll.u32 s5, $0x1;
	s2 =	sadd.s32 s19, s18  }
0x9c: {  	s6 =	simm.s32 $0x0;
	s20 =	sshll.u32 s4, $0x1;
	s4 =	sadd.s32 s21, s2  }
0x9d: {  	[timem:s6], [sflag:s22] =	dma.local [hbm:s4], s20  }
0x9e: {  	_ =	swait.ge [sflag:s22], s20  }
0x9f: {  	s3 =	ssub.s32 $0x0, s20;
	[sflag:s22] =	ssyncset.done $0x0  }
0xa0: {  	[sflag:s22] =	ssyncadd.s32 s3;
	_ =	sdelay $0x1  }
0xa1: {  	s23 =	simm.s32 $0x1B8B  }
0xa2: {  	_ =	swait.ge [sflag:s23], $0x1  }
0xa3: {  	[sflag:s23] =	ssyncset.done $0x0  }
0xa4: {  	s25 =	simm.s32 $0x1B8E;
	s24 =	sld [smem:$0x3FFE];
	[sflag:s23] =	ssyncadd.s32 $0xFFFFFFFF  }
0xa5: {  	s26 =	simm.s32 $execute0_lowered;
	[smem:$0x3FD2] =	sst s25  }
0xa6: {  	s4 =	sshll.u32 s26, $0x1;
	_ =	strace $0x80000049;
	[dreg:$0x1] =	wrdreg $0xFFFFFFFF  }
0xa7: {  	s28 =	simm.s32 $_size_execute0_lowered;
	s2 =	sadd.s32 s2, s4;
	[dreg:$0x0] =	wrdreg $0x0  }
0xa8: {  	s4 =	sshll.u32 s28, $0x1;
	[dreg:$0x2] =	wrdreg s2  }
0xa9: {  	[dreg:$0x3] =	wrdreg s4  }
0xaa: {  	[dreg:$0x4] =	wrdreg $0xC0  }
0xab: {  	_ =	task [dreg:s6], $0x5FFFF  }
0xac: {  	[dreg:$0x1] =	wrdreg $0xFFFFFFFF  }
0xad: {  	[dreg:$0x0] =	wrdreg $0x60  }
0xae: {  	[dreg:$0x2] =	wrdreg s24  }
0xaf: {  	[dreg:$0x3] =	wrdreg $0x84000  }
0xb0: {  	[dreg:$0x4] =	wrdreg $0x9  }
0xb1: {  	_ =	task.clear_ibuf [dreg:s6], $0x5FFFF;
	_ =	strace $0x90000049  }
0xb2: {  	s29 =	simm.s32 $0x9;
	_ =	strace $0x8000004B  }
0xb3: {  	_ =	swait.ge [sflag:s29], $0x1  }
0xb4: {  	[sflag:s29] =	ssyncadd.s32 $0xFFFFFFFF  }
0xb5: {  	_ =	strace $0x9000004B  }
0xb6: {  	_ =	sfence  }
0xb7: {  	s30 =	sld [smem:$0x0];
	_ =	sdelay $0x2  }
0xb8: {  	s31 =	sshll.u32 s1, $0xD;
	s1 =	sshrl.u32 s1, $0x2  }
0xb9: {  	s3 =	sand.u32 $0x4000, s31;
	s1 =	sadd.s32 s1, s30  }
0xba: {  	s0 =	sor.u32 s3, s0;
	s1 =	sshll.u32 s1, $0x11  }
0xbb: {  	s0 =	sor.u32 s1, s0  }
0xbc: {  	s0 =	sadd.s32 $0x8F2B, s0  }
0xbd: {  	[sflag:s0] =	ssyncadd.remote.s32 $0x1  }
0xbe: {  	_ =	sfence.sel $0xFFFF  }
0xbf: {  	[dreg:$0x0] =	wrdreg $0xFFFFFFFF;
	(pc) =	sbr.abs _section_cstart, $3  }
0xc0: {  	[dreg:$0x1] =	wrdreg $0xFFFFFFFF  }
0xc1: {  	_ =	task.clear_ibuf [dreg:s6], $0x2FFFF;
	_ =	strace $0x9FFFFFFF  }
0xc2: {  	(tm) =	ssettm $0x7FFFFFFF  }
0xc3: {  	_ =	shalt  }
tec
execute0_lowered:
.L_overlay_start_1:
0x0: {  	(tag) =	ssettag $0x1  }
0x1: {  	s0 =	rddreg [dreg:$0x0]  }
0x2: {  	s1 =	rddreg [dreg:$0x1];
	s2 =	simm.s32 $0x0;
	s3 =	srdreg.scid  }
0x3: {  	s10 =	stileid.u32;
	s17 =	simm.s32 $0x1;
	s18 =	simm.s32 $0x80  }
0x4: {  	s19 =	simm.s32 $0x400;
	s20 =	simm.s32 $0x100;
	s28 =	simm.s32 $0x7  }
0x5: {  	s29 =	simm.s32 $0x3;
	s30 =	simm.s32 $0x6;
	s31 =	simm.s32 $0x180  }
0x6: {  	[smem:$0x7FF] =	sst s2;
	s3 =	sand.u32 $0x1, s3;
	s9 =	smul.u32 $0x50000, s10  }
0x7: {  	s5 =	sadd.s32 $0x4800, s0;
	s25 =	smul.u32 $0x5000, s10;
	_ =	strace $0x8000004A  }
0x8: {  	s4 =	sshll.u32 s3, $0x4;
	s6 =	smul.u32 $0x28000, s3;
	s8 =	ssub.s32 $0x2, s3  }
0x9: {  	s3 =	smul.u32 $0x50000, s3;
	s7 =	sor.u32 s10, s4;
	s4 =	sadd.s32 $0x18800, s0  }
0xa: {  	s23 =	sshrl.u32 s8, $0x1;
	s24 =	sshrl.u32 s9, $0x2;
	s9 =	simm.s32 $0x0  }
0xb: {  	s7 =	smul.u32 $0x5000, s7;
	s0 =	sadd.s32 s6, s0;
	s6 =	ssub.s32 s8, s23  }
0xc: {  	s3 =	sadd.s32 s25, s3;
	s0 =	sadd.s32 $0x3FA00, s0;
	s6 =	smax.u32 s6, $0x1  }
0xd: {  	s23 =	sor.u32 $0x500, s3;
	s25 =	sor.u32 $0x400, s3;
	s7 =	sshrl.u32 s7, $0x3  }
0xe: {  	[dreg:$0x5] =	wrdreg s6;
	s6 =	sshrl.u32 s23, $0x3;
	s23 =	simm.s32 $0x2  }
0xf: {  	s11 =	sadd.s32 s5, s7;
	s7 =	sadd.s32 s24, s1;
	s13 =	sadd.s32 s6, s5  }
0x10: {  	s6 =	sshrl.u32 s25, $0x3;
	[dreg:$0x3] =	wrdreg s11;
	s26 =	sadd.s32 $0x20, s11  }
0x11: {  	s25 =	simm.s32 $0x5;
	s21 =	sadd.s32 $0x4000, s7;
	[dreg:$0x4] =	wrdreg s26  }
0x12: {  	s11 =	smul.u32 $0x2800, s10;
	s22 =	sadd.s32 $0x8000, s7;
	[dreg:$0x6] =	wrdreg s21  }
0x13: {  	s24 =	sadd.s32 $0xC000, s7;
	s12 =	sadd.s32 $0x10000, s7;
	[dreg:$0x7] =	wrdreg s22  }
0x14: {  	s14 =	sadd.s32 s6, s5;
	s6 =	simm.s32 $0x4;
	[dreg:$0x8] =	wrdreg s24  }
.Ltmp0:
0x15: {  	s26 =	sor.u32 $0x300, s3;
	s3 =	sor.u32 $0x200, s3;
	(pc) =	sbr.rel .LBB2_1-.Ltmp0, $4  }
0x16: {  	s21 =	simm.s32 $0x4400;
	s22 =	simm.s32 $0x9;
	s8 =	sshrl.u32 s26, $0x3  }
0x17: {  	s3 =	sshrl.u32 s3, $0x3;
	s24 =	sadd.s32 s11, s0;
	s26 =	simm.s32 $0x200  }
0x18: {  	s0 =	simm.s32 $0x300;
	s15 =	sadd.s32 s8, s5;
	s16 =	sadd.s32 s3, s5  }
0x19: {  	v0 =	vimm.f32 $0.0e+00;
	s3 =	simm.s32 $0x8;
	s5 =	simm.s32 $0x280;
	s8 =	simm.s32 $0x380  }
.LBB2_6:
0x1a: {  	_ =	swait.ge [sflag:s28], $0x4000  }
0x1b: {  	[sflag:s28] =	ssyncset.done $0x0  }
0x1c: {  	[sflag:s28] =	ssyncadd.s32 $0xFFFFC000  }
0x1d: {  	_ =	swait.ge [sflag:s30], $0x4000  }
0x1e: {  	[sflag:s30] =	ssyncset.done $0x0  }
0x1f: {  	[sflag:s30] =	ssyncadd.s32 $0xFFFFC000  }
0x20: {  	[spmem:s1] =	stream.indirect.scatter.add.f32 [tilespmem:s21], [sflag:$0x8], $0x80, s8, s18, $0xb8;
	[tilespmem:$0x1C400] =	vst v63  }
0x21: {  	_ =	swait.ge [sflag:s3], $0x4000  }
0x22: {  	s10 =	stileid.u32;
	[sflag:s3] =	ssyncset.done $0x0  }
0x23: {  	s10 =	sshll.u32 s10, $0x6;
	[sflag:s3] =	ssyncadd.s32 $0xFFFFC000  }
0x24: {  	s11 =	sshrl.u32 s7, $0x3;
	s10 =	sor.u32 $0x1C09, s10;
	[bflag:$0x0] =	sbarrier.arrive $0xFFFF  }
0x25: {  	[hbm:s24], [sflag:s10] =	dma.local [spmem:s11], $0x2800  }
0x26: {  	_ =	swait.ge [sflag:s22], $0x2800  }
0x27: {  	s9 =	sadd.s32 $0x1, s9;
	s11 =	rddreg [dreg:$0x5]  }
0x28: {  	p0 =	sne.s32 s9, s11  }
.Ltmp1:
0x29: {  	_ = 	snop;
	(pc) =	sbr.rel @!p0 .LBB2_7-.Ltmp1, $3  }
0x2a: {  	_ =	sdelay $0x1  }
0x2b: {  	[sflag:s22] =	ssyncset.done $0x0  }
0x2c: {  	[sflag:s22] =	ssyncadd.s32 $0xFFFFD800  }
.LBB2_1:
0x2d: {  	s10 =	rddreg [dreg:$0x3]  }
0x2e: {  	[tilespmem:s2], [sflag:$0x1] =	stream.linear.gather [hbm4b:s10+s2], $0x100, $0x38;
	[tilespmem:$0x1C400] =	vst v63  }
0x2f: {  	_ =	swait.ge [sflag:s17], $0x100  }
0x30: {  	[sflag:s17] =	ssyncset.done $0x0  }
0x31: {  	[sflag:s17] =	ssyncadd.s32 $0xFFFFFF00  }
0x32: {  	[tilespmem:s19], [sflag:$0x5] =	stream.indirect.gather [hbm4b:s4+s18], $0x80, s2, s18, $0xb8;
	[tilespmem:$0x1C400] =	vst v63  }
0x33: {  	s11 =	rddreg [dreg:$0x4]  }
0x34: {  	[tilespmem:s20], [sflag:$0x2] =	stream.linear.gather [hbm4b:s11+s2], $0x100, $0x38;
	[tilespmem:$0x1C400] =	vst v63  }
0x35: {  	s10 =	simm.s32 $0x0;
	s11 =	simm.s32 $0x200  }
.LBB2_2:
0x36: {  	p0 =	seq.s32 s11, $0xFE00;
	[tilespmem:s10+$0x4470] =	vst v0  }
0x37: {  	[tilespmem:s10+$0x4400] =	vst v0  }
0x38: {  	[tilespmem:s10+$0x4410] =	vst v0  }
.Ltmp2:
0x39: {  	[tilespmem:s10+$0x4420] =	vst v0;
	(pc) =	sbr.rel @!p0 .LBB2_2-.Ltmp2, $4  }
0x3a: {  	[tilespmem:s10+$0x4430] =	vst v0  }
0x3b: {  	[tilespmem:s10+$0x4440] =	vst v0  }
0x3c: {  	[tilespmem:s10+$0x4450] =	vst v0  }
0x3d: {  	[tilespmem:s10+$0x4460] =	vst v0;
	s10 =	sshra.s32 s11, $0x2;
	s11 =	sadd.s32 $0x200, s11  }
0x3e: {  	[tilespmem:s10+$0x4470] =	vst v0  }
0x3f: {  	[tilespmem:s10+$0x4400] =	vst v0  }
0x40: {  	[tilespmem:s10+$0x4410] =	vst v0  }
0x41: {  	[tilespmem:s10+$0x4420] =	vst v0  }
0x42: {  	[tilespmem:s10+$0x4430] =	vst v0  }
0x43: {  	[tilespmem:s10+$0x4440] =	vst v0  }
0x44: {  	[tilespmem:s10+$0x4450] =	vst v0  }
0x45: {  	[tilespmem:s10+$0x4460] =	vst v0  }
0x46: {  	[spmem:s7] =	stream.linear.scatter [tilespmem:s21], [sflag:$0x9], $0x4000, $0x38;
	[tilespmem:$0x1C400] =	vst v63  }
0x47: {  	_ =	swait.ge [sflag:s22], $0x4000  }
0x48: {  	[sflag:s22] =	ssyncset.done $0x0  }
0x49: {  	s11 =	rddreg [dreg:$0x6];
	[sflag:s22] =	ssyncadd.s32 $0xFFFFC000  }
0x4a: {  	[spmem:s11] =	stream.linear.scatter [tilespmem:s21], [sflag:$0x9], $0x4000, $0x38;
	[tilespmem:$0x1C400] =	vst v63  }
0x4b: {  	_ =	swait.ge [sflag:s22], $0x4000  }
0x4c: {  	[sflag:s22] =	ssyncset.done $0x0  }
0x4d: {  	s11 =	rddreg [dreg:$0x7];
	[sflag:s22] =	ssyncadd.s32 $0xFFFFC000  }
0x4e: {  	[spmem:s11] =	stream.linear.scatter [tilespmem:s21], [sflag:$0x9], $0x4000, $0x38;
	[tilespmem:$0x1C400] =	vst v63  }
0x4f: {  	_ =	swait.ge [sflag:s22], $0x4000  }
0x50: {  	[sflag:s22] =	ssyncset.done $0x0  }
0x51: {  	s11 =	rddreg [dreg:$0x8];
	[sflag:s22] =	ssyncadd.s32 $0xFFFFC000  }
0x52: {  	[spmem:s11] =	stream.linear.scatter [tilespmem:s21], [sflag:$0x9], $0x4000, $0x38;
	[tilespmem:$0x1C400] =	vst v63  }
0x53: {  	_ =	swait.ge [sflag:s22], $0x4000  }
0x54: {  	[sflag:s22] =	ssyncset.done $0x0  }
0x55: {  	[sflag:s22] =	ssyncadd.s32 $0xFFFFC000  }
0x56: {  	[spmem:s12] =	stream.linear.scatter [tilespmem:s21], [sflag:$0x9], $0x4000, $0x38;
	[tilespmem:$0x1C400] =	vst v63  }
0x57: {  	_ =	swait.ge [sflag:s22], $0x4000  }
0x58: {  	[sflag:s22] =	ssyncset.done $0x0  }
0x59: {  	[sflag:s22] =	ssyncadd.s32 $0xFFFFC000  }
0x5a: {  	s10 =	simm.s32 $0x0;
	[bflag:$0x0] =	sbarrier.arrive $0xFFFF  }
.LBB2_4:
0x5b: {  	p0 =	seq.s32 s10, $0x0  }
0x5c: {  	s11 =	simm.s32 @!p0 $0x8  }
0x5d: {  	_ =	swait.ge @!p0 [sflag:s11], $0x4000  }
0x5e: {  	[sflag:s11] =	ssyncset.done @!p0 $0x0  }
0x5f: {  	[sflag:s11] =	ssyncadd.s32 @!p0 $0xFFFFC000  }
0x60: {  	_ =	swait.ge [sflag:s23], $0x100  }
0x61: {  	[sflag:s23] =	ssyncset.done $0x0  }
0x62: {  	[sflag:s23] =	ssyncadd.s32 $0xFFFFFF00  }
0x63: {  	_ =	swait.ge [sflag:s25], $0x4000  }
0x64: {  	[sflag:s25] =	ssyncset.done $0x0  }
0x65: {  	[sflag:s25] =	ssyncadd.s32 $0xFFFFC000  }
0x66: {  	[tilespmem:s21], [sflag:$0x6] =	stream.indirect.gather [hbm4b:s4+s18], $0x80, s20, s18, $0xb8;
	[tilespmem:$0x1C400] =	vst v63  }
0x67: {  	_ = 	snop  }
0x68: {  	[spmem:s1] =	stream.indirect.scatter.add.f32 [tilespmem:s19], [sflag:$0x7], $0x80, s18, s18, $0xb8;
	[tilespmem:$0x1C400] =	vst v63  }
0x69: {  	s11 =	sadd.s32 s10, s16  }
0x6a: {  	[tilespmem:s26], [sflag:$0x3] =	stream.linear.gather [hbm4b:s11+s2], $0x100, $0x38;
	[tilespmem:$0x1C400] =	vst v63  }
0x6b: {  	_ =	swait.ge [sflag:s28], $0x4000  }
0x6c: {  	[sflag:s28] =	ssyncset.done $0x0  }
0x6d: {  	[sflag:s28] =	ssyncadd.s32 $0xFFFFC000  }
0x6e: {  	_ =	swait.ge [sflag:s29], $0x100  }
0x6f: {  	[sflag:s29] =	ssyncset.done $0x0  }
0x70: {  	[sflag:s29] =	ssyncadd.s32 $0xFFFFFF00  }
0x71: {  	_ =	swait.ge [sflag:s30], $0x4000  }
0x72: {  	[sflag:s30] =	ssyncset.done $0x0  }
0x73: {  	[sflag:s30] =	ssyncadd.s32 $0xFFFFC000  }
0x74: {  	[tilespmem:s19], [sflag:$0x5] =	stream.indirect.gather [hbm4b:s4+s18], $0x80, s26, s18, $0xb8;
	[tilespmem:$0x1C400] =	vst v63  }
0x75: {  	_ = 	snop  }
0x76: {  	[spmem:s1] =	stream.indirect.scatter.add.f32 [tilespmem:s21], [sflag:$0x8], $0x80, s31, s18, $0xb8;
	[tilespmem:$0x1C400] =	vst v63  }
0x77: {  	s11 =	sadd.s32 s10, s15  }
0x78: {  	[tilespmem:s0], [sflag:$0x4] =	stream.linear.gather [hbm4b:s11+s2], $0x100, $0x38;
	[tilespmem:$0x1C400] =	vst v63  }
0x79: {  	_ =	swait.ge [sflag:s3], $0x4000  }
0x7a: {  	[sflag:s3] =	ssyncset.done $0x0  }
0x7b: {  	[sflag:s3] =	ssyncadd.s32 $0xFFFFC000  }
0x7c: {  	_ =	swait.ge [sflag:s6], $0x100  }
0x7d: {  	[sflag:s6] =	ssyncset.done $0x0  }
0x7e: {  	[sflag:s6] =	ssyncadd.s32 $0xFFFFFF00  }
0x7f: {  	p0 =	seq.s32 s10, $0x980;
	_ =	swait.ge [sflag:s25], $0x4000  }
.Ltmp3:
0x80: {  	[sflag:s25] =	ssyncset.done $0x0;
	(pc) =	sbr.rel @p0 .LBB2_6-.Ltmp3, $4  }
0x81: {  	[sflag:s25] =	ssyncadd.s32 $0xFFFFC000  }
0x82: {  	[tilespmem:s21], [sflag:$0x6] =	stream.indirect.gather [hbm4b:s4+s18], $0x80, s0, s18, $0xb8;
	[tilespmem:$0x1C400] =	vst v63  }
0x83: {  	_ = 	snop  }
0x84: {  	[spmem:s1] =	stream.indirect.scatter.add.f32 [tilespmem:s19], [sflag:$0x7], $0x80, s5, s18, $0xb8;
	[tilespmem:$0x1C400] =	vst v63  }
0x85: {  	s11 =	sadd.s32 s10, s14  }
0x86: {  	[tilespmem:s2], [sflag:$0x1] =	stream.linear.gather [hbm4b:s11+s2], $0x100, $0x38;
	[tilespmem:$0x1C400] =	vst v63  }
0x87: {  	_ =	swait.ge [sflag:s28], $0x4000  }
0x88: {  	[sflag:s28] =	ssyncset.done $0x0  }
0x89: {  	[sflag:s28] =	ssyncadd.s32 $0xFFFFC000  }
0x8a: {  	_ =	swait.ge [sflag:s17], $0x100  }
0x8b: {  	[sflag:s17] =	ssyncset.done $0x0  }
0x8c: {  	[sflag:s17] =	ssyncadd.s32 $0xFFFFFF00  }
0x8d: {  	_ =	swait.ge [sflag:s30], $0x4000  }
0x8e: {  	[sflag:s30] =	ssyncset.done $0x0  }
0x8f: {  	[sflag:s30] =	ssyncadd.s32 $0xFFFFC000  }
0x90: {  	[tilespmem:s19], [sflag:$0x5] =	stream.indirect.gather [hbm4b:s4+s18], $0x80, s2, s18, $0xb8;
	[tilespmem:$0x1C400] =	vst v63  }
.Ltmp4:
0x91: {  	_ = 	snop;
	(pc) =	sbr.rel .LBB2_4-.Ltmp4, $4  }
0x92: {  	_ = 	snop  }
0x93: {  	[spmem:s1] =	stream.indirect.scatter.add.f32 [tilespmem:s21], [sflag:$0x8], $0x80, s8, s18, $0xb8;
	[tilespmem:$0x1C400] =	vst v63  }
0x94: {  	s11 =	sadd.s32 s10, s13;
	s10 =	sadd.s32 $0x80, s10  }
0x95: {  	[tilespmem:s20], [sflag:$0x2] =	stream.linear.gather [hbm4b:s11+s2], $0x100, $0x38;
	[tilespmem:$0x1C400] =	vst v63  }
.LBB2_7:
0x96: {  	_ =	sfence.sel $0x180000  }
0x97: {  	[bflag:$0x0] =	sbarrier.arrive $0xFFFF  }
0x98: {  	_ =	strace $0x9000004A  }
0x99: {  	s0 =	stileid.u32;
	[bflag:$0x2] =	sbarrier.arrive $0xFFFF  }
0x9a: {  	p0 =	sne.s32 s0, $0x0;
	s0 =	rddreg [dreg:$0x2]  }
0x9b: {  	s0 =	sadd.s32 @!p0 $0x100000, s0  }
0x9c: {  	[sflag:s0] =	ssyncadd.tile.s32 @!p0 $0x1;
	_ =	shalt  }
.Lfunc_end2:
_tile_overlayer_lowered:
.L_overlay_start_2:
0x9d: {  	(tag) =	ssettag $0x2  }
0x9e: {  	s0 =	rddreg [dreg:$0x0];
	s2 =	stileid.u32  }
0x9f: {  	s1 =	rddreg [dreg:$0x1];
	p0 =	sne.s32 s2, $0x0  }
0xa0: {  	s3 =	rddreg [dreg:$0x2];
	[bflag:$0x3] =	sbarrier.arrive $0xFFFF;
	s2 =	simm.s32 @!p0 $0x1C09  }
0xa1: {  	[timem:s3], [sflag:s2] =	dma.local @!p0 [hbm:s0], s1  }
0xa2: {  	s0 =	simm.s32 @!p0 $0x9  }
0xa3: {  	_ =	swait.ge @!p0 [sflag:s0], s1  }
0xa4: {  	s1 =	ssub.s32 @!p0 $0x0, s1;
	[sflag:s0] =	ssyncset.done @!p0 $0x0  }
0xa5: {  	[sflag:s0] =	ssyncadd.s32 @!p0 s1  }
0xa6: {  	[bflag:$0x3] =	sbarrier.arrive $0xFFFF  }
0xa7: {  	_ =	shalt  }

// kernel: kernel.15.cloned.1.call-start
scs
__scs_entry_jumppad:
0x0: {  	(pc) =	sbr.rel $0x88, $3  }
0x1: {  	(tag) =	ssettag $0x0;
	lr =	simm.s32 $0x1  }
0x2: {  	[smem:$0x3F8C] =	sst lr;
	_ =	strace $0xD0000000  }
0x3: {  	_ = 	snop  }
0x4: {  	_ = 	snop  }
0x5: {  	_ = 	snop  }
0x6: {  	_ = 	snop  }
0x7: {  	_ = 	snop  }
__scs_overlays_trampoline_lowered:
0x8: {  	[smem:$0x3F9B] =	sst s0  }
0x9: {  	[smem:$0x3F9C] =	sst s1  }
0xa: {  	[smem:$0x3F9D] =	sst s2  }
0xb: {  	[smem:$0x3F9E] =	sst s3  }
0xc: {  	[smem:$0x3F9F] =	sst s4  }
0xd: {  	[smem:$0x3FA0] =	sst s5  }
0xe: {  	[smem:$0x3FA1] =	sst s6  }
0xf: {  	[smem:$0x3FA2] =	sst s7  }
0x10: {  	[smem:$0x3FA3] =	sst s8  }
0x11: {  	[smem:$0x3FA4] =	sst s9;
	s0 =	simm.s32 @!p0 $0x0  }
0x12: {  	s1 =	sld [smem:$0x3F8A];
	s0 =	simm.s32 @p0 $0x1  }
0x13: {  	[smem:$0x3FA5] =	sst s0;
	s0 =	simm.s32 @!p1 $0x0  }
0x14: {  	s2 =	sld [smem:$0x3F89];
	s0 =	simm.s32 @p1 $0x1  }
0x15: {  	[smem:$0x3FA6] =	sst s0;
	s0 =	simm.s32 @!p2 $0x0  }
0x16: {  	s3 =	sld [smem:$0x3FDB];
	s0 =	simm.s32 @p2 $0x1  }
0x17: {  	s4 =	simm.s32 $0x1BF5;
	[smem:$0x3FA8] =	sst s0  }
0x18: {  	s0 =	sld [smem:$0x3F8B];
	_ =	swait.ge [sflag:s4], $0x0  }
0x19: {  	s7 =	sld [smem:$0x3F8C]  }
0x1a: {  	s8 =	sadd.s32 $0xFFFFE003, lr  }
0x1b: {  	s9 =	sadd.s32 $0xFFFFFEF7, lr;
	s5 =	simm.s32 $0xFFFFFFFF;
	p2 =	slt.u32 s8, $0xFFFFF086  }
0x1c: {  	p1 =	slt.u32 s9, $0xF7A;
	s5 =	simm.s32 @!p2 $0x0  }
0x1d: {  	s5 =	simm.s32 @p1 $0x1;
	p0 =	seq.s32 s7, s2  }
0x1e: {  	s7 =	smul.u32 @!p0 $0xF7A, s2;
	p2 =	seq.s32 @!p0 s5, $0x0  }
0x1f: {  	s9 =	smul.u32 $0xF7A, s1;
	s8 =	simm.s32 @!p0 $0x1BF5;
	p2 =	por !p2, p0  }
0x20: {  	[sflag:s8] =	ssyncset.s32 @!p0 $0xFFFFF086;
	s6 =	sadd.s32 @!p0 s3, s7;
	s7 =	simm.s32 @!p0 $0x108  }
0x21: {  	s3 =	sadd.s32 s3, s9;
	s6 =	sadd.s32 @!p0 $0x88, s6;
	s7 =	simm.s32 @p2 $0x1082  }
0x22: {  	[simem:s7], [sflag:s8] =	dma.local @!p0 [hbm:s6], $0xF7A  }
0x23: {  	s9 =	sor.u32 $0xD0000000, s2;
	s6 =	simm.s32 $0x108;
	_ =	swait.ge @!p0 [sflag:s8], $0x0  }
0x24: {  	s3 =	sadd.s32 $0x88, s3;
	s6 =	simm.s32 @!p1 $0x1082;
	[sflag:s4] =	ssyncset.s32 $0xFFFFF086  }
0x25: {  	[simem:s6], [sflag:s4] =	dma.local [hbm:s3], $0xF7A  }
0x26: {  	[smem:$0x3F8C] =	sst s1;
	(tag) =	ssettag s2;
	_ =	strace s9  }
0x27: {  	s1 =	sld [smem:$0x3F9C]  }
0x28: {  	s2 =	sld [smem:$0x3F9D]  }
0x29: {  	s4 =	sld [smem:$0x3F9F]  }
0x2a: {  	p0 =	seq.s32 s5, $0x0;
	s5 =	sld [smem:$0x3FA0]  }
0x2b: {  	s6 =	sld [smem:$0x3FA1]  }
0x2c: {  	s7 =	sld [smem:$0x3FA2]  }
0x2d: {  	s3 =	simm.s32 $0x108;
	s8 =	sld [smem:$0x3FA3]  }
0x2e: {  	s3 =	simm.s32 @!p0 $0x1082;
	s9 =	sld [smem:$0x3FA4]  }
0x2f: {  	lr =	sadd.s32 s0, s3;
	s0 =	sld [smem:$0x3F9B]  }
0x30: {  	s3 =	sld [smem:$0x3F9E]  }
0x31: {  	[smem:$0x3FA7] =	sst s10  }
0x32: {  	s10 =	sld [smem:$0x3FA5];
	_ =	sdelay $0x3  }
0x33: {  	p0 =	seq.s32 s10, $0x1;
	s10 =	sld [smem:$0x3FA7];
	_ =	sdelay $0x3  }
0x34: {  	[smem:$0x3FA7] =	sst s10  }
0x35: {  	s10 =	sld [smem:$0x3FA6];
	_ =	sdelay $0x3  }
0x36: {  	p1 =	seq.s32 s10, $0x1;
	s10 =	sld [smem:$0x3FA7];
	_ =	sdelay $0x3  }
0x37: {  	[smem:$0x3FA7] =	sst s10  }
0x38: {  	s10 =	sld [smem:$0x3FA8]  }
0x39: {  	_ = 	snop;
	(pc) =	sbr.ind lr, $3  }
0x3a: {  	_ = 	snop  }
0x3b: {  	_ = 	snop  }
0x3c: {  	p2 =	seq.s32 s10, $0x1;
	s10 =	sld [smem:$0x3FA7]  }
0x3d: {  	_ =	shalt  }
0x3e: {  	_ =	shalt  }
0x3f: {  	_ =	shalt  }
0x40: {  	_ =	shalt  }
0x41: {  	_ =	shalt  }
0x42: {  	_ =	shalt  }
0x43: {  	_ =	shalt  }
0x44: {  	_ =	shalt  }
0x45: {  	_ =	shalt  }
0x46: {  	_ =	shalt  }
0x47: {  	_ =	shalt  }
0x48: {  	_ =	shalt  }
0x49: {  	_ =	shalt  }
0x4a: {  	_ =	shalt  }
0x4b: {  	_ =	shalt  }
0x4c: {  	_ =	shalt  }
0x4d: {  	_ =	shalt  }
0x4e: {  	_ =	shalt  }
0x4f: {  	_ =	shalt  }
0x50: {  	_ =	shalt  }
0x51: {  	_ =	shalt  }
0x52: {  	_ =	shalt  }
0x53: {  	_ =	shalt  }
0x54: {  	_ =	shalt  }
0x55: {  	_ =	shalt  }
0x56: {  	_ =	shalt  }
0x57: {  	_ =	shalt  }
0x58: {  	_ =	shalt  }
0x59: {  	_ =	shalt  }
0x5a: {  	_ =	shalt  }
0x5b: {  	_ =	shalt  }
0x5c: {  	_ =	shalt  }
0x5d: {  	_ =	shalt  }
0x5e: {  	_ =	shalt  }
0x5f: {  	_ =	shalt  }
0x60: {  	_ =	shalt  }
0x61: {  	_ =	shalt  }
0x62: {  	_ =	shalt  }
0x63: {  	_ =	shalt  }
0x64: {  	_ =	shalt  }
0x65: {  	_ =	shalt  }
0x66: {  	_ =	shalt  }
0x67: {  	_ =	shalt  }
0x68: {  	_ =	shalt  }
0x69: {  	_ =	shalt  }
0x6a: {  	_ =	shalt  }
0x6b: {  	_ =	shalt  }
0x6c: {  	_ =	shalt  }
0x6d: {  	_ =	shalt  }
0x6e: {  	_ =	shalt  }
0x6f: {  	_ =	shalt  }
0x70: {  	_ =	shalt  }
0x71: {  	_ =	shalt  }
0x72: {  	_ =	shalt  }
0x73: {  	_ =	shalt  }
0x74: {  	_ =	shalt  }
0x75: {  	_ =	shalt  }
0x76: {  	_ =	shalt  }
0x77: {  	_ =	shalt  }
0x78: {  	_ =	shalt  }
0x79: {  	_ =	shalt  }
0x7a: {  	_ =	shalt  }
0x7b: {  	_ =	shalt  }
0x7c: {  	_ =	shalt  }
0x7d: {  	_ =	shalt  }
0x7e: {  	_ =	shalt  }
0x7f: {  	_ =	shalt  }
0x80: {  	_ =	shalt  }
0x81: {  	_ =	shalt  }
0x82: {  	_ =	shalt  }
0x83: {  	_ =	shalt  }
0x84: {  	_ =	shalt  }
0x85: {  	_ =	shalt  }
0x86: {  	_ =	shalt  }
0x87: {  	_ =	shalt  }
.Lfunc_end0:
.L_simem_size_0:
called_computation.2_lowered:
.L_overlay_start_0:
0x88: {  	s2 =	sld [smem:$0x3FD9]  }
0x89: {  	s3 =	sld [smem:$0x3FFE];
	_ =	sdelay $0x1  }
0x8a: {  	s1 =	srdreg.scid  }
0x8b: {  	s0 =	sand.u32 $0x1, s1  }
0x8c: {  	s16 =	sshll.u32 s0, $0xA;
	s2 =	sadd.s32 s3, s2  }
0x8d: {  	s2 =	sadd.s32 s2, s16  }
0x8e: {  	[smem:$0x3FB3] =	sst s2  }
0x8f: {  	_ = 	snop  }
0x90: {  	(tm) =	ssettm $0x1  }
0x91: {  	s17 =	sld [smem:$0x3FFB];
	_ =	sdelay $0x3  }
0x92: {  	_ =	strace s17  }
0x93: {  	s2 =	sld [smem:$0x3FFC];
	_ =	sdelay $0x3  }
0x94: {  	_ =	strace s2  }
0x95: {  	s2 =	sld [smem:$0x3FFD];
	_ =	sdelay $0x3  }
0x96: {  	_ =	strace s2  }
0x97: {  	_ =	strace $0x8FFFFFFF  }
0x98: {  	s18 =	sld [smem:$0x3FDB];
	_ =	sdelay $0x1  }
0x99: {  	s19 =	simm.s32 $_scs_section_size  }
0x9a: {  	s4 =	simm.s32 $_size__tile_overlayer_lowered;
	s5 =	simm.s32 $_tile_overlayer_lowered  }
0x9b: {  	s22 =	simm.s32 $0x1BFF;
	s21 =	sshll.u32 s5, $0x1;
	s2 =	sadd.s32 s19, s18  }
0x9c: {  	s6 =	simm.s32 $0x0;
	s20 =	sshll.u32 s4, $0x1;
	s4 =	sadd.s32 s21, s2  }
0x9d: {  	[timem:s6], [sflag:s22] =	dma.local [hbm:s4], s20  }
0x9e: {  	_ =	swait.ge [sflag:s22], s20  }
0x9f: {  	s3 =	ssub.s32 $0x0, s20;
	[sflag:s22] =	ssyncset.done $0x0  }
0xa0: {  	[sflag:s22] =	ssyncadd.s32 s3;
	_ =	sdelay $0x1  }
0xa1: {  	s23 =	simm.s32 $0x1B8B  }
0xa2: {  	_ =	swait.ge [sflag:s23], $0x1  }
0xa3: {  	[sflag:s23] =	ssyncset.done $0x0  }
0xa4: {  	s25 =	simm.s32 $0x1B8E;
	s24 =	sld [smem:$0x3FFE];
	[sflag:s23] =	ssyncadd.s32 $0xFFFFFFFF  }
0xa5: {  	s26 =	simm.s32 $execute0_lowered;
	[smem:$0x3FD2] =	sst s25  }
0xa6: {  	s4 =	sshll.u32 s26, $0x1;
	_ =	strace $0x8000004C;
	[dreg:$0x1] =	wrdreg $0xFFFFFFFF  }
0xa7: {  	s28 =	simm.s32 $_size_execute0_lowered;
	s2 =	sadd.s32 s2, s4;
	[dreg:$0x0] =	wrdreg $0x0  }
0xa8: {  	s4 =	sshll.u32 s28, $0x1;
	[dreg:$0x2] =	wrdreg s2  }
0xa9: {  	[dreg:$0x3] =	wrdreg s4  }
0xaa: {  	[dreg:$0x4] =	wrdreg $0xC0  }
0xab: {  	_ =	task [dreg:s6], $0x5FFFF  }
0xac: {  	[dreg:$0x1] =	wrdreg $0xFFFFFFFF  }
0xad: {  	[dreg:$0x0] =	wrdreg $0x60  }
0xae: {  	[dreg:$0x2] =	wrdreg s24  }
0xaf: {  	[dreg:$0x3] =	wrdreg $0x84000  }
0xb0: {  	[dreg:$0x4] =	wrdreg $0x9  }
0xb1: {  	_ =	task.clear_ibuf [dreg:s6], $0x5FFFF;
	_ =	strace $0x9000004C  }
0xb2: {  	s29 =	simm.s32 $0x9;
	_ =	strace $0x8000004E  }
0xb3: {  	_ =	swait.ge [sflag:s29], $0x1  }
0xb4: {  	[sflag:s29] =	ssyncadd.s32 $0xFFFFFFFF  }
0xb5: {  	_ =	strace $0x9000004E  }
0xb6: {  	_ =	sfence  }
0xb7: {  	s30 =	sld [smem:$0x0];
	_ =	sdelay $0x2  }
0xb8: {  	s31 =	sshll.u32 s1, $0xD;
	s1 =	sshrl.u32 s1, $0x2  }
0xb9: {  	s3 =	sand.u32 $0x4000, s31;
	s1 =	sadd.s32 s1, s30  }
0xba: {  	s0 =	sor.u32 s3, s0;
	s1 =	sshll.u32 s1, $0x11  }
0xbb: {  	s0 =	sor.u32 s1, s0  }
0xbc: {  	s0 =	sadd.s32 $0x8F2B, s0  }
0xbd: {  	[sflag:s0] =	ssyncadd.remote.s32 $0x1  }
0xbe: {  	_ =	sfence.sel $0xFFFF  }
0xbf: {  	[dreg:$0x0] =	wrdreg $0xFFFFFFFF;
	(pc) =	sbr.abs _section_cstart, $3  }
0xc0: {  	[dreg:$0x1] =	wrdreg $0xFFFFFFFF  }
0xc1: {  	_ =	task.clear_ibuf [dreg:s6], $0x2FFFF;
	_ =	strace $0x9FFFFFFF  }
0xc2: {  	(tm) =	ssettm $0x7FFFFFFF  }
0xc3: {  	_ =	shalt  }
tec
execute0_lowered:
.L_overlay_start_1:
0x0: {  	(tag) =	ssettag $0x1  }
0x1: {  	s0 =	rddreg [dreg:$0x0]  }
0x2: {  	s1 =	rddreg [dreg:$0x1];
	s2 =	simm.s32 $0x0;
	s3 =	srdreg.scid  }
0x3: {  	s10 =	stileid.u32;
	s17 =	simm.s32 $0x1;
	s18 =	simm.s32 $0x80  }
0x4: {  	s19 =	simm.s32 $0x400;
	s20 =	simm.s32 $0x100;
	s28 =	simm.s32 $0x7  }
0x5: {  	s29 =	simm.s32 $0x3;
	s30 =	simm.s32 $0x6;
	s31 =	simm.s32 $0x180  }
0x6: {  	[smem:$0x7FF] =	sst s2;
	s3 =	sand.u32 $0x1, s3;
	s9 =	smul.u32 $0x50000, s10  }
0x7: {  	s5 =	sadd.s32 $0x4800, s0;
	s25 =	smul.u32 $0x5000, s10;
	_ =	strace $0x8000004D  }
0x8: {  	s4 =	sshll.u32 s3, $0x4;
	s6 =	smul.u32 $0x28000, s3;
	s8 =	ssub.s32 $0x2, s3  }
0x9: {  	s3 =	smul.u32 $0x50000, s3;
	s7 =	sor.u32 s10, s4;
	s4 =	sadd.s32 $0x18800, s0  }
0xa: {  	s23 =	sshrl.u32 s8, $0x1;
	s24 =	sshrl.u32 s9, $0x2;
	s9 =	simm.s32 $0x0  }
0xb: {  	s7 =	smul.u32 $0x5000, s7;
	s0 =	sadd.s32 s6, s0;
	s6 =	ssub.s32 s8, s23  }
0xc: {  	s3 =	sadd.s32 s25, s3;
	s0 =	sadd.s32 $0x3FA00, s0;
	s6 =	smax.u32 s6, $0x1  }
0xd: {  	s23 =	sor.u32 $0x500, s3;
	s25 =	sor.u32 $0x400, s3;
	s7 =	sshrl.u32 s7, $0x3  }
0xe: {  	[dreg:$0x5] =	wrdreg s6;
	s6 =	sshrl.u32 s23, $0x3;
	s23 =	simm.s32 $0x2  }
0xf: {  	s11 =	sadd.s32 s5, s7;
	s7 =	sadd.s32 s24, s1;
	s13 =	sadd.s32 s6, s5  }
0x10: {  	s6 =	sshrl.u32 s25, $0x3;
	[dreg:$0x3] =	wrdreg s11;
	s26 =	sadd.s32 $0x20, s11  }
0x11: {  	s25 =	simm.s32 $0x5;
	s21 =	sadd.s32 $0x4000, s7;
	[dreg:$0x4] =	wrdreg s26  }
0x12: {  	s11 =	smul.u32 $0x2800, s10;
	s22 =	sadd.s32 $0x8000, s7;
	[dreg:$0x6] =	wrdreg s21  }
0x13: {  	s24 =	sadd.s32 $0xC000, s7;
	s12 =	sadd.s32 $0x10000, s7;
	[dreg:$0x7] =	wrdreg s22  }
0x14: {  	s14 =	sadd.s32 s6, s5;
	s6 =	simm.s32 $0x4;
	[dreg:$0x8] =	wrdreg s24  }
.Ltmp0:
0x15: {  	s26 =	sor.u32 $0x300, s3;
	s3 =	sor.u32 $0x200, s3;
	(pc) =	sbr.rel .LBB2_1-.Ltmp0, $4  }
0x16: {  	s21 =	simm.s32 $0x4400;
	s22 =	simm.s32 $0x9;
	s8 =	sshrl.u32 s26, $0x3  }
0x17: {  	s3 =	sshrl.u32 s3, $0x3;
	s24 =	sadd.s32 s11, s0;
	s26 =	simm.s32 $0x200  }
0x18: {  	s0 =	simm.s32 $0x300;
	s15 =	sadd.s32 s8, s5;
	s16 =	sadd.s32 s3, s5  }
0x19: {  	v0 =	vimm.f32 $0.0e+00;
	s3 =	simm.s32 $0x8;
	s5 =	simm.s32 $0x280;
	s8 =	simm.s32 $0x380  }
.LBB2_6:
0x1a: {  	_ =	swait.ge [sflag:s28], $0x4000  }
0x1b: {  	[sflag:s28] =	ssyncset.done $0x0  }
0x1c: {  	[sflag:s28] =	ssyncadd.s32 $0xFFFFC000  }
0x1d: {  	_ =	swait.ge [sflag:s30], $0x4000  }
0x1e: {  	[sflag:s30] =	ssyncset.done $0x0  }
0x1f: {  	[sflag:s30] =	ssyncadd.s32 $0xFFFFC000  }
0x20: {  	[spmem:s1] =	stream.indirect.scatter.add.f32 [tilespmem:s21], [sflag:$0x8], $0x80, s8, s18, $0xb8;
	[tilespmem:$0x1C400] =	vst v63  }
0x21: {  	_ =	swait.ge [sflag:s3], $0x4000  }
0x22: {  	s10 =	stileid.u32;
	[sflag:s3] =	ssyncset.done $0x0  }
0x23: {  	s10 =	sshll.u32 s10, $0x6;
	[sflag:s3] =	ssyncadd.s32 $0xFFFFC000  }
0x24: {  	s11 =	sshrl.u32 s7, $0x3;
	s10 =	sor.u32 $0x1C09, s10;
	[bflag:$0x0] =	sbarrier.arrive $0xFFFF  }
0x25: {  	[hbm:s24], [sflag:s10] =	dma.local [spmem:s11], $0x2800  }
0x26: {  	_ =	swait.ge [sflag:s22], $0x2800  }
0x27: {  	s9 =	sadd.s32 $0x1, s9;
	s11 =	rddreg [dreg:$0x5]  }
0x28: {  	p0 =	sne.s32 s9, s11  }
.Ltmp1:
0x29: {  	_ = 	snop;
	(pc) =	sbr.rel @!p0 .LBB2_7-.Ltmp1, $3  }
0x2a: {  	_ =	sdelay $0x1  }
0x2b: {  	[sflag:s22] =	ssyncset.done $0x0  }
0x2c: {  	[sflag:s22] =	ssyncadd.s32 $0xFFFFD800  }
.LBB2_1:
0x2d: {  	s10 =	rddreg [dreg:$0x3]  }
0x2e: {  	[tilespmem:s2], [sflag:$0x1] =	stream.linear.gather [hbm4b:s10+s2], $0x100, $0x38;
	[tilespmem:$0x1C400] =	vst v63  }
0x2f: {  	_ =	swait.ge [sflag:s17], $0x100  }
0x30: {  	[sflag:s17] =	ssyncset.done $0x0  }
0x31: {  	[sflag:s17] =	ssyncadd.s32 $0xFFFFFF00  }
0x32: {  	[tilespmem:s19], [sflag:$0x5] =	stream.indirect.gather [hbm4b:s4+s18], $0x80, s2, s18, $0xb8;
	[tilespmem:$0x1C400] =	vst v63  }
0x33: {  	s11 =	rddreg [dreg:$0x4]  }
0x34: {  	[tilespmem:s20], [sflag:$0x2] =	stream.linear.gather [hbm4b:s11+s2], $0x100, $0x38;
	[tilespmem:$0x1C400] =	vst v63  }
0x35: {  	s10 =	simm.s32 $0x0;
	s11 =	simm.s32 $0x200  }
.LBB2_2:
0x36: {  	p0 =	seq.s32 s11, $0xFE00;
	[tilespmem:s10+$0x4470] =	vst v0  }
0x37: {  	[tilespmem:s10+$0x4400] =	vst v0  }
0x38: {  	[tilespmem:s10+$0x4410] =	vst v0  }
.Ltmp2:
0x39: {  	[tilespmem:s10+$0x4420] =	vst v0;
	(pc) =	sbr.rel @!p0 .LBB2_2-.Ltmp2, $4  }
0x3a: {  	[tilespmem:s10+$0x4430] =	vst v0  }
0x3b: {  	[tilespmem:s10+$0x4440] =	vst v0  }
0x3c: {  	[tilespmem:s10+$0x4450] =	vst v0  }
0x3d: {  	[tilespmem:s10+$0x4460] =	vst v0;
	s10 =	sshra.s32 s11, $0x2;
	s11 =	sadd.s32 $0x200, s11  }
0x3e: {  	[tilespmem:s10+$0x4470] =	vst v0  }
0x3f: {  	[tilespmem:s10+$0x4400] =	vst v0  }
0x40: {  	[tilespmem:s10+$0x4410] =	vst v0  }
0x41: {  	[tilespmem:s10+$0x4420] =	vst v0  }
0x42: {  	[tilespmem:s10+$0x4430] =	vst v0  }
0x43: {  	[tilespmem:s10+$0x4440] =	vst v0  }
0x44: {  	[tilespmem:s10+$0x4450] =	vst v0  }
0x45: {  	[tilespmem:s10+$0x4460] =	vst v0  }
0x46: {  	[spmem:s7] =	stream.linear.scatter [tilespmem:s21], [sflag:$0x9], $0x4000, $0x38;
	[tilespmem:$0x1C400] =	vst v63  }
0x47: {  	_ =	swait.ge [sflag:s22], $0x4000  }
0x48: {  	[sflag:s22] =	ssyncset.done $0x0  }
0x49: {  	s11 =	rddreg [dreg:$0x6];
	[sflag:s22] =	ssyncadd.s32 $0xFFFFC000  }
0x4a: {  	[spmem:s11] =	stream.linear.scatter [tilespmem:s21], [sflag:$0x9], $0x4000, $0x38;
	[tilespmem:$0x1C400] =	vst v63  }
0x4b: {  	_ =	swait.ge [sflag:s22], $0x4000  }
0x4c: {  	[sflag:s22] =	ssyncset.done $0x0  }
0x4d: {  	s11 =	rddreg [dreg:$0x7];
	[sflag:s22] =	ssyncadd.s32 $0xFFFFC000  }
0x4e: {  	[spmem:s11] =	stream.linear.scatter [tilespmem:s21], [sflag:$0x9], $0x4000, $0x38;
	[tilespmem:$0x1C400] =	vst v63  }
0x4f: {  	_ =	swait.ge [sflag:s22], $0x4000  }
0x50: {  	[sflag:s22] =	ssyncset.done $0x0  }
0x51: {  	s11 =	rddreg [dreg:$0x8];
	[sflag:s22] =	ssyncadd.s32 $0xFFFFC000  }
0x52: {  	[spmem:s11] =	stream.linear.scatter [tilespmem:s21], [sflag:$0x9], $0x4000, $0x38;
	[tilespmem:$0x1C400] =	vst v63  }
0x53: {  	_ =	swait.ge [sflag:s22], $0x4000  }
0x54: {  	[sflag:s22] =	ssyncset.done $0x0  }
0x55: {  	[sflag:s22] =	ssyncadd.s32 $0xFFFFC000  }
0x56: {  	[spmem:s12] =	stream.linear.scatter [tilespmem:s21], [sflag:$0x9], $0x4000, $0x38;
	[tilespmem:$0x1C400] =	vst v63  }
0x57: {  	_ =	swait.ge [sflag:s22], $0x4000  }
0x58: {  	[sflag:s22] =	ssyncset.done $0x0  }
0x59: {  	[sflag:s22] =	ssyncadd.s32 $0xFFFFC000  }
0x5a: {  	s10 =	simm.s32 $0x0;
	[bflag:$0x0] =	sbarrier.arrive $0xFFFF  }
.LBB2_4:
0x5b: {  	p0 =	seq.s32 s10, $0x0  }
0x5c: {  	s11 =	simm.s32 @!p0 $0x8  }
0x5d: {  	_ =	swait.ge @!p0 [sflag:s11], $0x4000  }
0x5e: {  	[sflag:s11] =	ssyncset.done @!p0 $0x0  }
0x5f: {  	[sflag:s11] =	ssyncadd.s32 @!p0 $0xFFFFC000  }
0x60: {  	_ =	swait.ge [sflag:s23], $0x100  }
0x61: {  	[sflag:s23] =	ssyncset.done $0x0  }
0x62: {  	[sflag:s23] =	ssyncadd.s32 $0xFFFFFF00  }
0x63: {  	_ =	swait.ge [sflag:s25], $0x4000  }
0x64: {  	[sflag:s25] =	ssyncset.done $0x0  }
0x65: {  	[sflag:s25] =	ssyncadd.s32 $0xFFFFC000  }
0x66: {  	[tilespmem:s21], [sflag:$0x6] =	stream.indirect.gather [hbm4b:s4+s18], $0x80, s20, s18, $0xb8;
	[tilespmem:$0x1C400] =	vst v63  }
0x67: {  	_ = 	snop  }
0x68: {  	[spmem:s1] =	stream.indirect.scatter.add.f32 [tilespmem:s19], [sflag:$0x7], $0x80, s18, s18, $0xb8;
	[tilespmem:$0x1C400] =	vst v63  }
0x69: {  	s11 =	sadd.s32 s10, s16  }
0x6a: {  	[tilespmem:s26], [sflag:$0x3] =	stream.linear.gather [hbm4b:s11+s2], $0x100, $0x38;
	[tilespmem:$0x1C400] =	vst v63  }
0x6b: {  	_ =	swait.ge [sflag:s28], $0x4000  }
0x6c: {  	[sflag:s28] =	ssyncset.done $0x0  }
0x6d: {  	[sflag:s28] =	ssyncadd.s32 $0xFFFFC000  }
0x6e: {  	_ =	swait.ge [sflag:s29], $0x100  }
0x6f: {  	[sflag:s29] =	ssyncset.done $0x0  }
0x70: {  	[sflag:s29] =	ssyncadd.s32 $0xFFFFFF00  }
0x71: {  	_ =	swait.ge [sflag:s30], $0x4000  }
0x72: {  	[sflag:s30] =	ssyncset.done $0x0  }
0x73: {  	[sflag:s30] =	ssyncadd.s32 $0xFFFFC000  }
0x74: {  	[tilespmem:s19], [sflag:$0x5] =	stream.indirect.gather [hbm4b:s4+s18], $0x80, s26, s18, $0xb8;
	[tilespmem:$0x1C400] =	vst v63  }
0x75: {  	_ = 	snop  }
0x76: {  	[spmem:s1] =	stream.indirect.scatter.add.f32 [tilespmem:s21], [sflag:$0x8], $0x80, s31, s18, $0xb8;
	[tilespmem:$0x1C400] =	vst v63  }
0x77: {  	s11 =	sadd.s32 s10, s15  }
0x78: {  	[tilespmem:s0], [sflag:$0x4] =	stream.linear.gather [hbm4b:s11+s2], $0x100, $0x38;
	[tilespmem:$0x1C400] =	vst v63  }
0x79: {  	_ =	swait.ge [sflag:s3], $0x4000  }
0x7a: {  	[sflag:s3] =	ssyncset.done $0x0  }
0x7b: {  	[sflag:s3] =	ssyncadd.s32 $0xFFFFC000  }
0x7c: {  	_ =	swait.ge [sflag:s6], $0x100  }
0x7d: {  	[sflag:s6] =	ssyncset.done $0x0  }
0x7e: {  	[sflag:s6] =	ssyncadd.s32 $0xFFFFFF00  }
0x7f: {  	p0 =	seq.s32 s10, $0x980;
	_ =	swait.ge [sflag:s25], $0x4000  }
.Ltmp3:
0x80: {  	[sflag:s25] =	ssyncset.done $0x0;
	(pc) =	sbr.rel @p0 .LBB2_6-.Ltmp3, $4  }
0x81: {  	[sflag:s25] =	ssyncadd.s32 $0xFFFFC000  }
0x82: {  	[tilespmem:s21], [sflag:$0x6] =	stream.indirect.gather [hbm4b:s4+s18], $0x80, s0, s18, $0xb8;
	[tilespmem:$0x1C400] =	vst v63  }
0x83: {  	_ = 	snop  }
0x84: {  	[spmem:s1] =	stream.indirect.scatter.add.f32 [tilespmem:s19], [sflag:$0x7], $0x80, s5, s18, $0xb8;
	[tilespmem:$0x1C400] =	vst v63  }
0x85: {  	s11 =	sadd.s32 s10, s14  }
0x86: {  	[tilespmem:s2], [sflag:$0x1] =	stream.linear.gather [hbm4b:s11+s2], $0x100, $0x38;
	[tilespmem:$0x1C400] =	vst v63  }
0x87: {  	_ =	swait.ge [sflag:s28], $0x4000  }
0x88: {  	[sflag:s28] =	ssyncset.done $0x0  }
0x89: {  	[sflag:s28] =	ssyncadd.s32 $0xFFFFC000  }
0x8a: {  	_ =	swait.ge [sflag:s17], $0x100  }
0x8b: {  	[sflag:s17] =	ssyncset.done $0x0  }
0x8c: {  	[sflag:s17] =	ssyncadd.s32 $0xFFFFFF00  }
0x8d: {  	_ =	swait.ge [sflag:s30], $0x4000  }
0x8e: {  	[sflag:s30] =	ssyncset.done $0x0  }
0x8f: {  	[sflag:s30] =	ssyncadd.s32 $0xFFFFC000  }
0x90: {  	[tilespmem:s19], [sflag:$0x5] =	stream.indirect.gather [hbm4b:s4+s18], $0x80, s2, s18, $0xb8;
	[tilespmem:$0x1C400] =	vst v63  }
.Ltmp4:
0x91: {  	_ = 	snop;
	(pc) =	sbr.rel .LBB2_4-.Ltmp4, $4  }
0x92: {  	_ = 	snop  }
0x93: {  	[spmem:s1] =	stream.indirect.scatter.add.f32 [tilespmem:s21], [sflag:$0x8], $0x80, s8, s18, $0xb8;
	[tilespmem:$0x1C400] =	vst v63  }
0x94: {  	s11 =	sadd.s32 s10, s13;
	s10 =	sadd.s32 $0x80, s10  }
0x95: {  	[tilespmem:s20], [sflag:$0x2] =	stream.linear.gather [hbm4b:s11+s2], $0x100, $0x38;
	[tilespmem:$0x1C400] =	vst v63  }
.LBB2_7:
0x96: {  	_ =	sfence.sel $0x180000  }
0x97: {  	[bflag:$0x0] =	sbarrier.arrive $0xFFFF  }
0x98: {  	_ =	strace $0x9000004D  }
0x99: {  	s0 =	stileid.u32;
	[bflag:$0x2] =	sbarrier.arrive $0xFFFF  }
0x9a: {  	p0 =	sne.s32 s0, $0x0;
	s0 =	rddreg [dreg:$0x2]  }
0x9b: {  	s0 =	sadd.s32 @!p0 $0x100000, s0  }
0x9c: {  	[sflag:s0] =	ssyncadd.tile.s32 @!p0 $0x1;
	_ =	shalt  }
.Lfunc_end2:
_tile_overlayer_lowered:
.L_overlay_start_2:
0x9d: {  	(tag) =	ssettag $0x2  }
0x9e: {  	s0 =	rddreg [dreg:$0x0];
	s2 =	stileid.u32  }
0x9f: {  	s1 =	rddreg [dreg:$0x1];
	p0 =	sne.s32 s2, $0x0  }
0xa0: {  	s3 =	rddreg [dreg:$0x2];
	[bflag:$0x3] =	sbarrier.arrive $0xFFFF;
	s2 =	simm.s32 @!p0 $0x1C09  }
0xa1: {  	[timem:s3], [sflag:s2] =	dma.local @!p0 [hbm:s0], s1  }
0xa2: {  	s0 =	simm.s32 @!p0 $0x9  }
0xa3: {  	_ =	swait.ge @!p0 [sflag:s0], s1  }
0xa4: {  	s1 =	ssub.s32 @!p0 $0x0, s1;
	[sflag:s0] =	ssyncset.done @!p0 $0x0  }
0xa5: {  	[sflag:s0] =	ssyncadd.s32 @!p0 s1  }
0xa6: {  	[bflag:$0x3] =	sbarrier.arrive $0xFFFF  }
0xa7: {  	_ =	shalt  }

// kernel: kernel.9.cloned.1.call-start
scs
__scs_entry_jumppad:
0x0: {  	(pc) =	sbr.rel $0x88, $3  }
0x1: {  	(tag) =	ssettag $0x0;
	lr =	simm.s32 $0x1  }
0x2: {  	[smem:$0x3F8C] =	sst lr;
	_ =	strace $0xD0000000  }
0x3: {  	_ = 	snop  }
0x4: {  	_ = 	snop  }
0x5: {  	_ = 	snop  }
0x6: {  	_ = 	snop  }
0x7: {  	_ = 	snop  }
__scs_overlays_trampoline_lowered:
0x8: {  	[smem:$0x3F9B] =	sst s0  }
0x9: {  	[smem:$0x3F9C] =	sst s1  }
0xa: {  	[smem:$0x3F9D] =	sst s2  }
0xb: {  	[smem:$0x3F9E] =	sst s3  }
0xc: {  	[smem:$0x3F9F] =	sst s4  }
0xd: {  	[smem:$0x3FA0] =	sst s5  }
0xe: {  	[smem:$0x3FA1] =	sst s6  }
0xf: {  	[smem:$0x3FA2] =	sst s7  }
0x10: {  	[smem:$0x3FA3] =	sst s8  }
0x11: {  	[smem:$0x3FA4] =	sst s9;
	s0 =	simm.s32 @!p0 $0x0  }
0x12: {  	s1 =	sld [smem:$0x3F8A];
	s0 =	simm.s32 @p0 $0x1  }
0x13: {  	[smem:$0x3FA5] =	sst s0;
	s0 =	simm.s32 @!p1 $0x0  }
0x14: {  	s2 =	sld [smem:$0x3F89];
	s0 =	simm.s32 @p1 $0x1  }
0x15: {  	[smem:$0x3FA6] =	sst s0;
	s0 =	simm.s32 @!p2 $0x0  }
0x16: {  	s3 =	sld [smem:$0x3FDB];
	s0 =	simm.s32 @p2 $0x1  }
0x17: {  	s4 =	simm.s32 $0x1BF5;
	[smem:$0x3FA8] =	sst s0  }
0x18: {  	s0 =	sld [smem:$0x3F8B];
	_ =	swait.ge [sflag:s4], $0x0  }
0x19: {  	s7 =	sld [smem:$0x3F8C]  }
0x1a: {  	s8 =	sadd.s32 $0xFFFFE003, lr  }
0x1b: {  	s9 =	sadd.s32 $0xFFFFFEF7, lr;
	s5 =	simm.s32 $0xFFFFFFFF;
	p2 =	slt.u32 s8, $0xFFFFF086  }
0x1c: {  	p1 =	slt.u32 s9, $0xF7A;
	s5 =	simm.s32 @!p2 $0x0  }
0x1d: {  	s5 =	simm.s32 @p1 $0x1;
	p0 =	seq.s32 s7, s2  }
0x1e: {  	s7 =	smul.u32 @!p0 $0xF7A, s2;
	p2 =	seq.s32 @!p0 s5, $0x0  }
0x1f: {  	s9 =	smul.u32 $0xF7A, s1;
	s8 =	simm.s32 @!p0 $0x1BF5;
	p2 =	por !p2, p0  }
0x20: {  	[sflag:s8] =	ssyncset.s32 @!p0 $0xFFFFF086;
	s6 =	sadd.s32 @!p0 s3, s7;
	s7 =	simm.s32 @!p0 $0x108  }
0x21: {  	s3 =	sadd.s32 s3, s9;
	s6 =	sadd.s32 @!p0 $0x88, s6;
	s7 =	simm.s32 @p2 $0x1082  }
0x22: {  	[simem:s7], [sflag:s8] =	dma.local @!p0 [hbm:s6], $0xF7A  }
0x23: {  	s9 =	sor.u32 $0xD0000000, s2;
	s6 =	simm.s32 $0x108;
	_ =	swait.ge @!p0 [sflag:s8], $0x0  }
0x24: {  	s3 =	sadd.s32 $0x88, s3;
	s6 =	simm.s32 @!p1 $0x1082;
	[sflag:s4] =	ssyncset.s32 $0xFFFFF086  }
0x25: {  	[simem:s6], [sflag:s4] =	dma.local [hbm:s3], $0xF7A  }
0x26: {  	[smem:$0x3F8C] =	sst s1;
	(tag) =	ssettag s2;
	_ =	strace s9  }
0x27: {  	s1 =	sld [smem:$0x3F9C]  }
0x28: {  	s2 =	sld [smem:$0x3F9D]  }
0x29: {  	s4 =	sld [smem:$0x3F9F]  }
0x2a: {  	p0 =	seq.s32 s5, $0x0;
	s5 =	sld [smem:$0x3FA0]  }
0x2b: {  	s6 =	sld [smem:$0x3FA1]  }
0x2c: {  	s7 =	sld [smem:$0x3FA2]  }
0x2d: {  	s3 =	simm.s32 $0x108;
	s8 =	sld [smem:$0x3FA3]  }
0x2e: {  	s3 =	simm.s32 @!p0 $0x1082;
	s9 =	sld [smem:$0x3FA4]  }
0x2f: {  	lr =	sadd.s32 s0, s3;
	s0 =	sld [smem:$0x3F9B]  }
0x30: {  	s3 =	sld [smem:$0x3F9E]  }
0x31: {  	[smem:$0x3FA7] =	sst s10  }
0x32: {  	s10 =	sld [smem:$0x3FA5];
	_ =	sdelay $0x3  }
0x33: {  	p0 =	seq.s32 s10, $0x1;
	s10 =	sld [smem:$0x3FA7];
	_ =	sdelay $0x3  }
0x34: {  	[smem:$0x3FA7] =	sst s10  }
0x35: {  	s10 =	sld [smem:$0x3FA6];
	_ =	sdelay $0x3  }
0x36: {  	p1 =	seq.s32 s10, $0x1;
	s10 =	sld [smem:$0x3FA7];
	_ =	sdelay $0x3  }
0x37: {  	[smem:$0x3FA7] =	sst s10  }
0x38: {  	s10 =	sld [smem:$0x3FA8]  }
0x39: {  	_ = 	snop;
	(pc) =	sbr.ind lr, $3  }
0x3a: {  	_ = 	snop  }
0x3b: {  	_ = 	snop  }
0x3c: {  	p2 =	seq.s32 s10, $0x1;
	s10 =	sld [smem:$0x3FA7]  }
0x3d: {  	_ =	shalt  }
0x3e: {  	_ =	shalt  }
0x3f: {  	_ =	shalt  }
0x40: {  	_ =	shalt  }
0x41: {  	_ =	shalt  }
0x42: {  	_ =	shalt  }
0x43: {  	_ =	shalt  }
0x44: {  	_ =	shalt  }
0x45: {  	_ =	shalt  }
0x46: {  	_ =	shalt  }
0x47: {  	_ =	shalt  }
0x48: {  	_ =	shalt  }
0x49: {  	_ =	shalt  }
0x4a: {  	_ =	shalt  }
0x4b: {  	_ =	shalt  }
0x4c: {  	_ =	shalt  }
0x4d: {  	_ =	shalt  }
0x4e: {  	_ =	shalt  }
0x4f: {  	_ =	shalt  }
0x50: {  	_ =	shalt  }
0x51: {  	_ =	shalt  }
0x52: {  	_ =	shalt  }
0x53: {  	_ =	shalt  }
0x54: {  	_ =	shalt  }
0x55: {  	_ =	shalt  }
0x56: {  	_ =	shalt  }
0x57: {  	_ =	shalt  }
0x58: {  	_ =	shalt  }
0x59: {  	_ =	shalt  }
0x5a: {  	_ =	shalt  }
0x5b: {  	_ =	shalt  }
0x5c: {  	_ =	shalt  }
0x5d: {  	_ =	shalt  }
0x5e: {  	_ =	shalt  }
0x5f: {  	_ =	shalt  }
0x60: {  	_ =	shalt  }
0x61: {  	_ =	shalt  }
0x62: {  	_ =	shalt  }
0x63: {  	_ =	shalt  }
0x64: {  	_ =	shalt  }
0x65: {  	_ =	shalt  }
0x66: {  	_ =	shalt  }
0x67: {  	_ =	shalt  }
0x68: {  	_ =	shalt  }
0x69: {  	_ =	shalt  }
0x6a: {  	_ =	shalt  }
0x6b: {  	_ =	shalt  }
0x6c: {  	_ =	shalt  }
0x6d: {  	_ =	shalt  }
0x6e: {  	_ =	shalt  }
0x6f: {  	_ =	shalt  }
0x70: {  	_ =	shalt  }
0x71: {  	_ =	shalt  }
0x72: {  	_ =	shalt  }
0x73: {  	_ =	shalt  }
0x74: {  	_ =	shalt  }
0x75: {  	_ =	shalt  }
0x76: {  	_ =	shalt  }
0x77: {  	_ =	shalt  }
0x78: {  	_ =	shalt  }
0x79: {  	_ =	shalt  }
0x7a: {  	_ =	shalt  }
0x7b: {  	_ =	shalt  }
0x7c: {  	_ =	shalt  }
0x7d: {  	_ =	shalt  }
0x7e: {  	_ =	shalt  }
0x7f: {  	_ =	shalt  }
0x80: {  	_ =	shalt  }
0x81: {  	_ =	shalt  }
0x82: {  	_ =	shalt  }
0x83: {  	_ =	shalt  }
0x84: {  	_ =	shalt  }
0x85: {  	_ =	shalt  }
0x86: {  	_ =	shalt  }
0x87: {  	_ =	shalt  }
.Lfunc_end0:
.L_simem_size_0:
called_computation_lowered:
.L_overlay_start_0:
0x88: {  	s2 =	sld [smem:$0x3FD9]  }
0x89: {  	s3 =	sld [smem:$0x3FFE];
	_ =	sdelay $0x1  }
0x8a: {  	s1 =	srdreg.scid  }
0x8b: {  	s0 =	sand.u32 $0x1, s1  }
0x8c: {  	s16 =	sshll.u32 s0, $0xA;
	s2 =	sadd.s32 s3, s2  }
0x8d: {  	s2 =	sadd.s32 s2, s16  }
0x8e: {  	[smem:$0x3FB3] =	sst s2  }
0x8f: {  	_ = 	snop  }
0x90: {  	(tm) =	ssettm $0x1  }
0x91: {  	s17 =	sld [smem:$0x3FFB];
	_ =	sdelay $0x3  }
0x92: {  	_ =	strace s17  }
0x93: {  	s2 =	sld [smem:$0x3FFC];
	_ =	sdelay $0x3  }
0x94: {  	_ =	strace s2  }
0x95: {  	s2 =	sld [smem:$0x3FFD];
	_ =	sdelay $0x3  }
0x96: {  	_ =	strace s2  }
0x97: {  	_ =	strace $0x8FFFFFFF  }
0x98: {  	s18 =	sld [smem:$0x3FDB];
	_ =	sdelay $0x1  }
0x99: {  	s19 =	simm.s32 $_scs_section_size  }
0x9a: {  	s4 =	simm.s32 $_size__tile_overlayer_lowered;
	s5 =	simm.s32 $_tile_overlayer_lowered  }
0x9b: {  	s22 =	simm.s32 $0x1BFF;
	s21 =	sshll.u32 s5, $0x1;
	s2 =	sadd.s32 s19, s18  }
0x9c: {  	s6 =	simm.s32 $0x0;
	s20 =	sshll.u32 s4, $0x1;
	s4 =	sadd.s32 s21, s2  }
0x9d: {  	[timem:s6], [sflag:s22] =	dma.local [hbm:s4], s20  }
0x9e: {  	_ =	swait.ge [sflag:s22], s20  }
0x9f: {  	s3 =	ssub.s32 $0x0, s20;
	[sflag:s22] =	ssyncset.done $0x0  }
0xa0: {  	[sflag:s22] =	ssyncadd.s32 s3;
	_ =	sdelay $0x1  }
0xa1: {  	s23 =	simm.s32 $0x1B8B  }
0xa2: {  	_ =	swait.ge [sflag:s23], $0x1  }
0xa3: {  	[sflag:s23] =	ssyncset.done $0x0  }
0xa4: {  	s25 =	simm.s32 $0x1B8E;
	s24 =	sld [smem:$0x3FFE];
	[sflag:s23] =	ssyncadd.s32 $0xFFFFFFFF  }
0xa5: {  	s26 =	simm.s32 $execute0_lowered;
	[smem:$0x3FD2] =	sst s25  }
0xa6: {  	s4 =	sshll.u32 s26, $0x1;
	_ =	strace $0x80000046;
	[dreg:$0x1] =	wrdreg $0xFFFFFFFF  }
0xa7: {  	s28 =	simm.s32 $_size_execute0_lowered;
	s2 =	sadd.s32 s2, s4;
	[dreg:$0x0] =	wrdreg $0x0  }
0xa8: {  	s4 =	sshll.u32 s28, $0x1;
	[dreg:$0x2] =	wrdreg s2  }
0xa9: {  	[dreg:$0x3] =	wrdreg s4  }
0xaa: {  	[dreg:$0x4] =	wrdreg $0xC0  }
0xab: {  	_ =	task [dreg:s6], $0x5FFFF  }
0xac: {  	[dreg:$0x1] =	wrdreg $0xFFFFFFFF  }
0xad: {  	[dreg:$0x0] =	wrdreg $0x60  }
0xae: {  	[dreg:$0x2] =	wrdreg s24  }
0xaf: {  	[dreg:$0x3] =	wrdreg $0x84000  }
0xb0: {  	[dreg:$0x4] =	wrdreg $0x9  }
0xb1: {  	_ =	task.clear_ibuf [dreg:s6], $0x5FFFF;
	_ =	strace $0x90000046  }
0xb2: {  	s29 =	simm.s32 $0x9;
	_ =	strace $0x80000048  }
0xb3: {  	_ =	swait.ge [sflag:s29], $0x1  }
0xb4: {  	[sflag:s29] =	ssyncadd.s32 $0xFFFFFFFF  }
0xb5: {  	_ =	strace $0x90000048  }
0xb6: {  	_ =	sfence  }
0xb7: {  	s30 =	sld [smem:$0x0];
	_ =	sdelay $0x2  }
0xb8: {  	s31 =	sshll.u32 s1, $0xD;
	s1 =	sshrl.u32 s1, $0x2  }
0xb9: {  	s3 =	sand.u32 $0x4000, s31;
	s1 =	sadd.s32 s1, s30  }
0xba: {  	s0 =	sor.u32 s3, s0;
	s1 =	sshll.u32 s1, $0x11  }
0xbb: {  	s0 =	sor.u32 s1, s0  }
0xbc: {  	s0 =	sadd.s32 $0x8F2B, s0  }
0xbd: {  	[sflag:s0] =	ssyncadd.remote.s32 $0x1  }
0xbe: {  	_ =	sfence.sel $0xFFFF  }
0xbf: {  	[dreg:$0x0] =	wrdreg $0xFFFFFFFF;
	(pc) =	sbr.abs _section_cstart, $3  }
0xc0: {  	[dreg:$0x1] =	wrdreg $0xFFFFFFFF  }
0xc1: {  	_ =	task.clear_ibuf [dreg:s6], $0x2FFFF;
	_ =	strace $0x9FFFFFFF  }
0xc2: {  	(tm) =	ssettm $0x7FFFFFFF  }
0xc3: {  	_ =	shalt  }
tec
execute0_lowered:
.L_overlay_start_1:
0x0: {  	(tag) =	ssettag $0x1  }
0x1: {  	s0 =	rddreg [dreg:$0x0]  }
0x2: {  	s1 =	rddreg [dreg:$0x1];
	s2 =	simm.s32 $0x0;
	s3 =	srdreg.scid  }
0x3: {  	s10 =	stileid.u32;
	s17 =	simm.s32 $0x1;
	s18 =	simm.s32 $0x80  }
0x4: {  	s19 =	simm.s32 $0x400;
	s20 =	simm.s32 $0x100;
	s28 =	simm.s32 $0x7  }
0x5: {  	s29 =	simm.s32 $0x3;
	s30 =	simm.s32 $0x6;
	s31 =	simm.s32 $0x180  }
0x6: {  	[smem:$0x7FF] =	sst s2;
	s3 =	sand.u32 $0x1, s3;
	s9 =	smul.u32 $0x50000, s10  }
0x7: {  	s5 =	sadd.s32 $0x4800, s0;
	s25 =	smul.u32 $0x5000, s10;
	_ =	strace $0x80000047  }
0x8: {  	s4 =	sshll.u32 s3, $0x4;
	s6 =	smul.u32 $0x28000, s3;
	s8 =	ssub.s32 $0x2, s3  }
0x9: {  	s3 =	smul.u32 $0x50000, s3;
	s7 =	sor.u32 s10, s4;
	s4 =	sadd.s32 $0x18800, s0  }
0xa: {  	s23 =	sshrl.u32 s8, $0x1;
	s24 =	sshrl.u32 s9, $0x2;
	s9 =	simm.s32 $0x0  }
0xb: {  	s7 =	smul.u32 $0x5000, s7;
	s0 =	sadd.s32 s6, s0;
	s6 =	ssub.s32 s8, s23  }
0xc: {  	s3 =	sadd.s32 s25, s3;
	s0 =	sadd.s32 $0x3FA00, s0;
	s6 =	smax.u32 s6, $0x1  }
0xd: {  	s23 =	sor.u32 $0x500, s3;
	s25 =	sor.u32 $0x400, s3;
	s7 =	sshrl.u32 s7, $0x3  }
0xe: {  	[dreg:$0x5] =	wrdreg s6;
	s6 =	sshrl.u32 s23, $0x3;
	s23 =	simm.s32 $0x2  }
0xf: {  	s11 =	sadd.s32 s5, s7;
	s7 =	sadd.s32 s24, s1;
	s13 =	sadd.s32 s6, s5  }
0x10: {  	s6 =	sshrl.u32 s25, $0x3;
	[dreg:$0x3] =	wrdreg s11;
	s26 =	sadd.s32 $0x20, s11  }
0x11: {  	s25 =	simm.s32 $0x5;
	s21 =	sadd.s32 $0x4000, s7;
	[dreg:$0x4] =	wrdreg s26  }
0x12: {  	s11 =	smul.u32 $0x2800, s10;
	s22 =	sadd.s32 $0x8000, s7;
	[dreg:$0x6] =	wrdreg s21  }
0x13: {  	s24 =	sadd.s32 $0xC000, s7;
	s12 =	sadd.s32 $0x10000, s7;
	[dreg:$0x7] =	wrdreg s22  }
0x14: {  	s14 =	sadd.s32 s6, s5;
	s6 =	simm.s32 $0x4;
	[dreg:$0x8] =	wrdreg s24  }
.Ltmp0:
0x15: {  	s26 =	sor.u32 $0x300, s3;
	s3 =	sor.u32 $0x200, s3;
	(pc) =	sbr.rel .LBB2_1-.Ltmp0, $4  }
0x16: {  	s21 =	simm.s32 $0x4400;
	s22 =	simm.s32 $0x9;
	s8 =	sshrl.u32 s26, $0x3  }
0x17: {  	s3 =	sshrl.u32 s3, $0x3;
	s24 =	sadd.s32 s11, s0;
	s26 =	simm.s32 $0x200  }
0x18: {  	s0 =	simm.s32 $0x300;
	s15 =	sadd.s32 s8, s5;
	s16 =	sadd.s32 s3, s5  }
0x19: {  	v0 =	vimm.f32 $0.0e+00;
	s3 =	simm.s32 $0x8;
	s5 =	simm.s32 $0x280;
	s8 =	simm.s32 $0x380  }
.LBB2_6:
0x1a: {  	_ =	swait.ge [sflag:s28], $0x4000  }
0x1b: {  	[sflag:s28] =	ssyncset.done $0x0  }
0x1c: {  	[sflag:s28] =	ssyncadd.s32 $0xFFFFC000  }
0x1d: {  	_ =	swait.ge [sflag:s30], $0x4000  }
0x1e: {  	[sflag:s30] =	ssyncset.done $0x0  }
0x1f: {  	[sflag:s30] =	ssyncadd.s32 $0xFFFFC000  }
0x20: {  	[spmem:s1] =	stream.indirect.scatter.add.f32 [tilespmem:s21], [sflag:$0x8], $0x80, s8, s18, $0xb8;
	[tilespmem:$0x1C400] =	vst v63  }
0x21: {  	_ =	swait.ge [sflag:s3], $0x4000  }
0x22: {  	s10 =	stileid.u32;
	[sflag:s3] =	ssyncset.done $0x0  }
0x23: {  	s10 =	sshll.u32 s10, $0x6;
	[sflag:s3] =	ssyncadd.s32 $0xFFFFC000  }
0x24: {  	s11 =	sshrl.u32 s7, $0x3;
	s10 =	sor.u32 $0x1C09, s10;
	[bflag:$0x0] =	sbarrier.arrive $0xFFFF  }
0x25: {  	[hbm:s24], [sflag:s10] =	dma.local [spmem:s11], $0x2800  }
0x26: {  	_ =	swait.ge [sflag:s22], $0x2800  }
0x27: {  	s9 =	sadd.s32 $0x1, s9;
	s11 =	rddreg [dreg:$0x5]  }
0x28: {  	p0 =	sne.s32 s9, s11  }
.Ltmp1:
0x29: {  	_ = 	snop;
	(pc) =	sbr.rel @!p0 .LBB2_7-.Ltmp1, $3  }
0x2a: {  	_ =	sdelay $0x1  }
0x2b: {  	[sflag:s22] =	ssyncset.done $0x0  }
0x2c: {  	[sflag:s22] =	ssyncadd.s32 $0xFFFFD800  }
.LBB2_1:
0x2d: {  	s10 =	rddreg [dreg:$0x3]  }
0x2e: {  	[tilespmem:s2], [sflag:$0x1] =	stream.linear.gather [hbm4b:s10+s2], $0x100, $0x38;
	[tilespmem:$0x1C400] =	vst v63  }
0x2f: {  	_ =	swait.ge [sflag:s17], $0x100  }
0x30: {  	[sflag:s17] =	ssyncset.done $0x0  }
0x31: {  	[sflag:s17] =	ssyncadd.s32 $0xFFFFFF00  }
0x32: {  	[tilespmem:s19], [sflag:$0x5] =	stream.indirect.gather [hbm4b:s4+s18], $0x80, s2, s18, $0xb8;
	[tilespmem:$0x1C400] =	vst v63  }
0x33: {  	s11 =	rddreg [dreg:$0x4]  }
0x34: {  	[tilespmem:s20], [sflag:$0x2] =	stream.linear.gather [hbm4b:s11+s2], $0x100, $0x38;
	[tilespmem:$0x1C400] =	vst v63  }
0x35: {  	s10 =	simm.s32 $0x0;
	s11 =	simm.s32 $0x200  }
.LBB2_2:
0x36: {  	p0 =	seq.s32 s11, $0xFE00;
	[tilespmem:s10+$0x4470] =	vst v0  }
0x37: {  	[tilespmem:s10+$0x4400] =	vst v0  }
0x38: {  	[tilespmem:s10+$0x4410] =	vst v0  }
.Ltmp2:
0x39: {  	[tilespmem:s10+$0x4420] =	vst v0;
	(pc) =	sbr.rel @!p0 .LBB2_2-.Ltmp2, $4  }
0x3a: {  	[tilespmem:s10+$0x4430] =	vst v0  }
0x3b: {  	[tilespmem:s10+$0x4440] =	vst v0  }
0x3c: {  	[tilespmem:s10+$0x4450] =	vst v0  }
0x3d: {  	[tilespmem:s10+$0x4460] =	vst v0;
	s10 =	sshra.s32 s11, $0x2;
	s11 =	sadd.s32 $0x200, s11  }
0x3e: {  	[tilespmem:s10+$0x4470] =	vst v0  }
0x3f: {  	[tilespmem:s10+$0x4400] =	vst v0  }
0x40: {  	[tilespmem:s10+$0x4410] =	vst v0  }
0x41: {  	[tilespmem:s10+$0x4420] =	vst v0  }
0x42: {  	[tilespmem:s10+$0x4430] =	vst v0  }
0x43: {  	[tilespmem:s10+$0x4440] =	vst v0  }
0x44: {  	[tilespmem:s10+$0x4450] =	vst v0  }
0x45: {  	[tilespmem:s10+$0x4460] =	vst v0  }
0x46: {  	[spmem:s7] =	stream.linear.scatter [tilespmem:s21], [sflag:$0x9], $0x4000, $0x38;
	[tilespmem:$0x1C400] =	vst v63  }
0x47: {  	_ =	swait.ge [sflag:s22], $0x4000  }
0x48: {  	[sflag:s22] =	ssyncset.done $0x0  }
0x49: {  	s11 =	rddreg [dreg:$0x6];
	[sflag:s22] =	ssyncadd.s32 $0xFFFFC000  }
0x4a: {  	[spmem:s11] =	stream.linear.scatter [tilespmem:s21], [sflag:$0x9], $0x4000, $0x38;
	[tilespmem:$0x1C400] =	vst v63  }
0x4b: {  	_ =	swait.ge [sflag:s22], $0x4000  }
0x4c: {  	[sflag:s22] =	ssyncset.done $0x0  }
0x4d: {  	s11 =	rddreg [dreg:$0x7];
	[sflag:s22] =	ssyncadd.s32 $0xFFFFC000  }
0x4e: {  	[spmem:s11] =	stream.linear.scatter [tilespmem:s21], [sflag:$0x9], $0x4000, $0x38;
	[tilespmem:$0x1C400] =	vst v63  }
0x4f: {  	_ =	swait.ge [sflag:s22], $0x4000  }
0x50: {  	[sflag:s22] =	ssyncset.done $0x0  }
0x51: {  	s11 =	rddreg [dreg:$0x8];
	[sflag:s22] =	ssyncadd.s32 $0xFFFFC000  }
0x52: {  	[spmem:s11] =	stream.linear.scatter [tilespmem:s21], [sflag:$0x9], $0x4000, $0x38;
	[tilespmem:$0x1C400] =	vst v63  }
0x53: {  	_ =	swait.ge [sflag:s22], $0x4000  }
0x54: {  	[sflag:s22] =	ssyncset.done $0x0  }
0x55: {  	[sflag:s22] =	ssyncadd.s32 $0xFFFFC000  }
0x56: {  	[spmem:s12] =	stream.linear.scatter [tilespmem:s21], [sflag:$0x9], $0x4000, $0x38;
	[tilespmem:$0x1C400] =	vst v63  }
0x57: {  	_ =	swait.ge [sflag:s22], $0x4000  }
0x58: {  	[sflag:s22] =	ssyncset.done $0x0  }
0x59: {  	[sflag:s22] =	ssyncadd.s32 $0xFFFFC000  }
0x5a: {  	s10 =	simm.s32 $0x0;
	[bflag:$0x0] =	sbarrier.arrive $0xFFFF  }
.LBB2_4:
0x5b: {  	p0 =	seq.s32 s10, $0x0  }
0x5c: {  	s11 =	simm.s32 @!p0 $0x8  }
0x5d: {  	_ =	swait.ge @!p0 [sflag:s11], $0x4000  }
0x5e: {  	[sflag:s11] =	ssyncset.done @!p0 $0x0  }
0x5f: {  	[sflag:s11] =	ssyncadd.s32 @!p0 $0xFFFFC000  }
0x60: {  	_ =	swait.ge [sflag:s23], $0x100  }
0x61: {  	[sflag:s23] =	ssyncset.done $0x0  }
0x62: {  	[sflag:s23] =	ssyncadd.s32 $0xFFFFFF00  }
0x63: {  	_ =	swait.ge [sflag:s25], $0x4000  }
0x64: {  	[sflag:s25] =	ssyncset.done $0x0  }
0x65: {  	[sflag:s25] =	ssyncadd.s32 $0xFFFFC000  }
0x66: {  	[tilespmem:s21], [sflag:$0x6] =	stream.indirect.gather [hbm4b:s4+s18], $0x80, s20, s18, $0xb8;
	[tilespmem:$0x1C400] =	vst v63  }
0x67: {  	_ = 	snop  }
0x68: {  	[spmem:s1] =	stream.indirect.scatter.add.f32 [tilespmem:s19], [sflag:$0x7], $0x80, s18, s18, $0xb8;
	[tilespmem:$0x1C400] =	vst v63  }
0x69: {  	s11 =	sadd.s32 s10, s16  }
0x6a: {  	[tilespmem:s26], [sflag:$0x3] =	stream.linear.gather [hbm4b:s11+s2], $0x100, $0x38;
	[tilespmem:$0x1C400] =	vst v63  }
0x6b: {  	_ =	swait.ge [sflag:s28], $0x4000  }
0x6c: {  	[sflag:s28] =	ssyncset.done $0x0  }
0x6d: {  	[sflag:s28] =	ssyncadd.s32 $0xFFFFC000  }
0x6e: {  	_ =	swait.ge [sflag:s29], $0x100  }
0x6f: {  	[sflag:s29] =	ssyncset.done $0x0  }
0x70: {  	[sflag:s29] =	ssyncadd.s32 $0xFFFFFF00  }
0x71: {  	_ =	swait.ge [sflag:s30], $0x4000  }
0x72: {  	[sflag:s30] =	ssyncset.done $0x0  }
0x73: {  	[sflag:s30] =	ssyncadd.s32 $0xFFFFC000  }
0x74: {  	[tilespmem:s19], [sflag:$0x5] =	stream.indirect.gather [hbm4b:s4+s18], $0x80, s26, s18, $0xb8;
	[tilespmem:$0x1C400] =	vst v63  }
0x75: {  	_ = 	snop  }
0x76: {  	[spmem:s1] =	stream.indirect.scatter.add.f32 [tilespmem:s21], [sflag:$0x8], $0x80, s31, s18, $0xb8;
	[tilespmem:$0x1C400] =	vst v63  }
0x77: {  	s11 =	sadd.s32 s10, s15  }
0x78: {  	[tilespmem:s0], [sflag:$0x4] =	stream.linear.gather [hbm4b:s11+s2], $0x100, $0x38;
	[tilespmem:$0x1C400] =	vst v63  }
0x79: {  	_ =	swait.ge [sflag:s3], $0x4000  }
0x7a: {  	[sflag:s3] =	ssyncset.done $0x0  }
0x7b: {  	[sflag:s3] =	ssyncadd.s32 $0xFFFFC000  }
0x7c: {  	_ =	swait.ge [sflag:s6], $0x100  }
0x7d: {  	[sflag:s6] =	ssyncset.done $0x0  }
0x7e: {  	[sflag:s6] =	ssyncadd.s32 $0xFFFFFF00  }
0x7f: {  	p0 =	seq.s32 s10, $0x980;
	_ =	swait.ge [sflag:s25], $0x4000  }
.Ltmp3:
0x80: {  	[sflag:s25] =	ssyncset.done $0x0;
	(pc) =	sbr.rel @p0 .LBB2_6-.Ltmp3, $4  }
0x81: {  	[sflag:s25] =	ssyncadd.s32 $0xFFFFC000  }
0x82: {  	[tilespmem:s21], [sflag:$0x6] =	stream.indirect.gather [hbm4b:s4+s18], $0x80, s0, s18, $0xb8;
	[tilespmem:$0x1C400] =	vst v63  }
0x83: {  	_ = 	snop  }
0x84: {  	[spmem:s1] =	stream.indirect.scatter.add.f32 [tilespmem:s19], [sflag:$0x7], $0x80, s5, s18, $0xb8;
	[tilespmem:$0x1C400] =	vst v63  }
0x85: {  	s11 =	sadd.s32 s10, s14  }
0x86: {  	[tilespmem:s2], [sflag:$0x1] =	stream.linear.gather [hbm4b:s11+s2], $0x100, $0x38;
	[tilespmem:$0x1C400] =	vst v63  }
0x87: {  	_ =	swait.ge [sflag:s28], $0x4000  }
0x88: {  	[sflag:s28] =	ssyncset.done $0x0  }
0x89: {  	[sflag:s28] =	ssyncadd.s32 $0xFFFFC000  }
0x8a: {  	_ =	swait.ge [sflag:s17], $0x100  }
0x8b: {  	[sflag:s17] =	ssyncset.done $0x0  }
0x8c: {  	[sflag:s17] =	ssyncadd.s32 $0xFFFFFF00  }
0x8d: {  	_ =	swait.ge [sflag:s30], $0x4000  }
0x8e: {  	[sflag:s30] =	ssyncset.done $0x0  }
0x8f: {  	[sflag:s30] =	ssyncadd.s32 $0xFFFFC000  }
0x90: {  	[tilespmem:s19], [sflag:$0x5] =	stream.indirect.gather [hbm4b:s4+s18], $0x80, s2, s18, $0xb8;
	[tilespmem:$0x1C400] =	vst v63  }
.Ltmp4:
0x91: {  	_ = 	snop;
	(pc) =	sbr.rel .LBB2_4-.Ltmp4, $4  }
0x92: {  	_ = 	snop  }
0x93: {  	[spmem:s1] =	stream.indirect.scatter.add.f32 [tilespmem:s21], [sflag:$0x8], $0x80, s8, s18, $0xb8;
	[tilespmem:$0x1C400] =	vst v63  }
0x94: {  	s11 =	sadd.s32 s10, s13;
	s10 =	sadd.s32 $0x80, s10  }
0x95: {  	[tilespmem:s20], [sflag:$0x2] =	stream.linear.gather [hbm4b:s11+s2], $0x100, $0x38;
	[tilespmem:$0x1C400] =	vst v63  }
.LBB2_7:
0x96: {  	_ =	sfence.sel $0x180000  }
0x97: {  	[bflag:$0x0] =	sbarrier.arrive $0xFFFF  }
0x98: {  	_ =	strace $0x90000047  }
0x99: {  	s0 =	stileid.u32;
	[bflag:$0x2] =	sbarrier.arrive $0xFFFF  }
0x9a: {  	p0 =	sne.s32 s0, $0x0;
	s0 =	rddreg [dreg:$0x2]  }
0x9b: {  	s0 =	sadd.s32 @!p0 $0x100000, s0  }
0x9c: {  	[sflag:s0] =	ssyncadd.tile.s32 @!p0 $0x1;
	_ =	shalt  }
.Lfunc_end2:
_tile_overlayer_lowered:
.L_overlay_start_2:
0x9d: {  	(tag) =	ssettag $0x2  }
0x9e: {  	s0 =	rddreg [dreg:$0x0];
	s2 =	stileid.u32  }
0x9f: {  	s1 =	rddreg [dreg:$0x1];
	p0 =	sne.s32 s2, $0x0  }
0xa0: {  	s3 =	rddreg [dreg:$0x2];
	[bflag:$0x3] =	sbarrier.arrive $0xFFFF;
	s2 =	simm.s32 @!p0 $0x1C09  }
0xa1: {  	[timem:s3], [sflag:s2] =	dma.local @!p0 [hbm:s0], s1  }
0xa2: {  	s0 =	simm.s32 @!p0 $0x9  }
0xa3: {  	_ =	swait.ge @!p0 [sflag:s0], s1  }
0xa4: {  	s1 =	ssub.s32 @!p0 $0x0, s1;
	[sflag:s0] =	ssyncset.done @!p0 $0x0  }
0xa5: {  	[sflag:s0] =	ssyncadd.s32 @!p0 s1  }
0xa6: {  	[bflag:$0x3] =	sbarrier.arrive $0xFFFF  }
0xa7: {  	_ =	shalt  }

</sc_bundles>
